<compile_context>
chip_gen: v7x
topology: tpu7x:2x2x1
jax: 0.10.2.dev20260603
libtpu: 0.0.44.dev20260713+nightly
codegen_flags: <defaults>
</compile_context>

<pallas_src>
import functools

import numpy as np
import jax
import jax.numpy as jnp
from jax import lax
from jax.experimental import pallas as pl
from jax.experimental.pallas import tpu as pltpu
from jax.experimental.pallas import tpu_sc as plsc

H = 224
HH = H // 2
OW = 4 * H
B = 4
C = 192
NPLANES = B * C
OUT_PLANE = HH * OW
NWORKERS = 32
PER_WORKER = NPLANES // NWORKERS
CROWS = 8
NCHUNK = HH // CROWS
CHUNK = CROWS * OW
ROWVREG = OW // 32
IDXWORDS = OUT_PLANE // 2
IDXCHUNK = IDXWORDS // NCHUNK
LSTRIDE = H + 1
LINWORDS = H * LSTRIDE


def _build_src_map() -> np.ndarray:
    lmid = (H - 1) // 2
    r = np.arange(HH)[:, None]
    j = np.arange(OW)[None, :]
    i = lmid - r
    el = 2 * r + 1
    hi = i + el
    b1 = 3 * i + el
    b2 = 3 * i + 2 * el
    b3 = 7 * i + 3 * el
    b4 = 7 * i + 4 * el
    body = 4 * H - 4
    k = 5 * i + 2 * el + hi
    src_a = i * H + np.clip(j - body * (j >= b4), i, hi)
    src_b = hi * H + np.clip(k - j, i, hi)
    src_cr = (j - (2 * i + el)) * H + hi
    src_cl = (body - j) * H + i
    src = np.where(j < b1, src_a,
          np.where(j < b2, src_cr,
          np.where(j < b3, src_b,
          np.where(j < b4, src_cl, src_a))))
    return src.reshape(-1)


def _build_packed_idx() -> np.ndarray:
    src = _build_src_map()
    phys = ((src // H) * LSTRIDE + src % H).astype(np.uint32).reshape(-1, 2, 16)
    packed = phys[:, 0, :] | (phys[:, 1, :] << 16)
    return packed.reshape(-1).view(np.int32)


_IDX_PACKED = _build_packed_idx()


def _sqrl_gather_body(x_hbm, idx_hbm, out_hbm, plane2_v, plane1_v, idxb_v,
                      outb_v, insem, isem, osem):
    wid = lax.axis_index("s") * 2 + lax.axis_index("c")

    def plane_dma(p):
        pb = lax.div(p, C)
        pc = lax.rem(p, C)
        return pltpu.async_copy(x_hbm.at[pb, pc], plane2_v, insem)

    def idx_prefetch(c):
        pltpu.async_copy(idx_hbm.at[pl.ds(c * IDXCHUNK, IDXCHUNK)],
                         idxb_v.at[lax.rem(c, 2)], isem)

    def wait_input():
        pltpu.make_async_copy(x_hbm.at[0, 0], plane2_v, insem).wait()

    def wait_idx():
        pltpu.make_async_copy(idx_hbm.at[pl.ds(0, IDXCHUNK)],
                              idxb_v.at[0], isem).wait()

    def drain_out():
        pltpu.make_async_copy(out_hbm.at[0, 0, pl.ds(0, CROWS), :],
                              outb_v.at[0], osem).wait()

    plane_dma(wid * PER_WORKER)
    idx_prefetch(0)

    def plane_body(pi, carry):
        p = wid * PER_WORKER + pi
        pb = lax.div(p, C)
        pc = lax.rem(p, C)
        wait_input()

        @plsc.parallel_loop(0, H, unroll=2)
        def copy_row(row):
            for k in range(H // 16):
                plane1_v[pl.ds(row * LSTRIDE + k * 16, 16)] = (
                    plane2_v[row, pl.ds(k * 16, 16)])

        plane_dma(jnp.minimum(p + 1, NPLANES - 1))

        def chunk_body(c, carry2):
            buf = lax.rem(c, 2)
            wait_idx()
            idx_prefetch(lax.rem(c + 1, NCHUNK))

            @pl.when(c >= 2)
            def _():
                drain_out()

            @plsc.parallel_loop(0, CROWS, unroll=2)
            def vbody(row):
                base = row * (ROWVREG * 16)
                for kk in range(ROWVREG):
                    vp = idxb_v[buf, pl.ds(base + kk * 16, 16)]
                    lo = jnp.bitwise_and(vp, 0xFFFF)
                    hi = lax.shift_right_logical(vp, 16)
                    outb_v[buf, row, pl.ds(kk * 32, 16)] = (
                        plsc.load_gather(plane1_v, [lo]))
                    outb_v[buf, row, pl.ds(kk * 32 + 16, 16)] = (
                        plsc.load_gather(plane1_v, [hi]))

            pltpu.async_copy(
                outb_v.at[buf],
                out_hbm.at[pb, pc, pl.ds(c * CROWS, CROWS), :],
                osem)
            return carry2

        lax.fori_loop(0, NCHUNK, chunk_body, 0)
        drain_out()
        drain_out()
        return carry

    lax.fori_loop(0, PER_WORKER, plane_body, 0)
    wait_input()
    wait_idx()


@functools.cache
def _sqrl_gather():
    mesh = plsc.VectorSubcoreMesh(core_axis_name="c", subcore_axis_name="s")
    return pl.kernel(
        _sqrl_gather_body,
        out_type=jax.ShapeDtypeStruct((B, C, HH, OW), jnp.float32),
        mesh=mesh,
        scratch_types=[
            pltpu.VMEM((H, H), jnp.float32),
            pltpu.VMEM((LINWORDS,), jnp.float32),
            pltpu.VMEM((2, IDXCHUNK), jnp.int32),
            pltpu.VMEM((2, CROWS, OW), jnp.float32),
            pltpu.SemaphoreType.DMA,
            pltpu.SemaphoreType.DMA,
            pltpu.SemaphoreType.DMA,
        ],
        compiler_params=pltpu.CompilerParams(
            needs_layout_passes=False, disable_bounds_checks=True),
    )


def kernel(x):
    return _sqrl_gather()(x, jnp.asarray(_IDX_PACKED))

# --- scband reference (transcript-rebuilt; emitter-appended) ---
"""Pipeline reference for scband-sq-rl-64458869178979 (READ-ONLY COPY).

The authoritative reference and input builder live on the scoring server;
editing this copy changes nothing except your own understanding.
"""

import jax, jax.numpy as jnp
import numpy as np


def _sqrl(x):
    # Unrolls concentric square 'rings' of a square image into rows.
    # Faithful translation of SquareRotationalLayer's intended semantics
    # (original torch code had buggy np.fliplr / .repeat calls; the intent
    # is: repeat corner pixels, copy edges, reverse bottom/left edges).
    B, C, H, W = x.shape
    lmid = (H - 1) // 2

    def rep(v, n):
        return jnp.broadcast_to(v[:, :, None], (B, C, n))

    rows = []
    for i in range(lmid, -1, -1):
        dif = lmid - i
        el = 2 * dif if H % 2 == 1 else 2 * dif + 1
        segs = []
        if i > 0:
            segs.append(rep(x[:, :, i, i], i))
        if el > 0:
            segs.append(x[:, :, i, i:i + el])
        if i > 0:
            segs.append(rep(x[:, :, i, W - i - 1], 2 * i))
        if el > 0:
            segs.append(x[:, :, i:i + el, W - i - 1])
        if i > 0:
            segs.append(rep(x[:, :, i + el, i + el], 2 * i))
        if el > 0:
            segs.append(x[:, :, i + el, i + 1:i + 1 + el][:, :, ::-1])
        if i > 0:
            segs.append(rep(x[:, :, i + el, i], 2 * i))
        if el > 0:
            segs.append(x[:, :, i + 1:i + 1 + el, i][:, :, ::-1])
        if i > 0:
            segs.append(rep(x[:, :, i, i], i))
        rows.append(jnp.concatenate(segs, axis=2))  # [B, C, 4H-4]
    body = jnp.stack(rows, axis=2)  # [B, C, ceil(H/2), 4H-4]
    # res[..., 4H-4:4H] = res[..., 0:4]  (slice past end clamps in torch)
    res = jnp.concatenate([body, body[:, :, :, 0:4]], axis=3)  # [B, C, ceil(H/2), 4H]
    return res


def setup_inputs(seed: int = 0) -> dict:
    key = jax.random.key(seed)
    x = jax.random.normal(key, (4, 192, 224, 224), dtype=jnp.float32)
    return {"x": x}


def reference(x):
    return _sqrl(x)

if __name__ == "__main__":
    import jax
    _d = setup_inputs()
    print(jax.jit(kernel)(*tuple(_d.values())))

</pallas_src>

<mosaic_0001>
#map = affine_map<(d0, d1) -> (0, 0, 0, 0)>
#map1 = affine_map<(d0, d1) -> (0)>
module attributes {stable_mosaic.version = 14 : i64} {
  func.func @_sqrl_gather_body(%arg0: i32, %arg1: i32, %arg2: memref<4x192x224x224xf32, #tpu.memory_space<hbm>>, %arg3: memref<50176xi32, #tpu.memory_space<hbm>>, %arg4: memref<4x192x112x896xf32, #tpu.memory_space<hbm>>, %arg5: memref<224x224xf32, #tpu.memory_space<vmem>>, %arg6: memref<50400xf32, #tpu.memory_space<vmem>>, %arg7: memref<2x3584xi32, #tpu.memory_space<vmem>>, %arg8: memref<2x8x896xf32, #tpu.memory_space<vmem>>, %arg9: memref<!tpu.dma_semaphore, #tpu.memory_space<semaphore_mem>>, %arg10: memref<!tpu.dma_semaphore, #tpu.memory_space<semaphore_mem>>, %arg11: memref<!tpu.dma_semaphore, #tpu.memory_space<semaphore_mem>>) attributes {dimension_semantics = [#tpu.dimension_semantics<core_parallel>, #tpu.dimension_semantics<subcore_parallel>], iteration_bounds = array<i64: 2, 16>, scalar_prefetch = 0 : i64, scratch_operands = 7 : i64, tpu.core_type = #tpu.core_type<sc_vector_subcore>, window_params = [{transform_indices = #map}, {transform_indices = #map1}, {transform_indices = #map}]} {
    %mul3A = arith.constant 2 : i32
    %mul3A_0 = arith.muli %arg1, %mul3A : i32
    %add3A = arith.addi %mul3A_0, %arg0 : i32
    %mul3A_1 = arith.constant 24 : i32
    %mul3A_2 = arith.muli %add3A, %mul3A_1 : i32
    %div3A = arith.constant 192 : i32
    %div3A_3 = arith.divsi %mul3A_2, %div3A : i32
    %rem3A = arith.constant 192 : i32
    %rem3A_4 = arith.remsi %mul3A_2, %rem3A : i32
    %dma_start3A = arith.constant 0 : i32
    %dma_start3A_5 = arith.constant 0 : i32
    %dma_start3A_6 = tpu.memref_slice %arg2[%div3A_3, %rem3A_4, %dma_start3A, %dma_start3A_5] : memref<4x192x224x224xf32, #tpu.memory_space<hbm>> -> memref<1x1x224x224xf32, #tpu.memory_space<hbm>>
    %dma_start3A_7 = tpu.memref_squeeze %dma_start3A_6 : memref<1x1x224x224xf32, #tpu.memory_space<hbm>> -> memref<224x224xf32, #tpu.memory_space<hbm>>
    %dma_start3A_8 = arith.constant 0 : i32
    %dma_start3A_9 = arith.constant 0 : i32
    %dma_start3A_10 = tpu.memref_slice %arg2[%div3A_3, %rem3A_4, %dma_start3A_8, %dma_start3A_9] : memref<4x192x224x224xf32, #tpu.memory_space<hbm>> -> memref<1x1x224x224xf32, #tpu.memory_space<hbm>>
    %dma_start3A_11 = tpu.memref_squeeze %dma_start3A_10 : memref<1x1x224x224xf32, #tpu.memory_space<hbm>> -> memref<224x224xf32, #tpu.memory_space<hbm>>
    tpu.enqueue_dma source(%dma_start3A_11 : memref<224x224xf32, #tpu.memory_space<hbm>>) target(%arg5 : memref<224x224xf32, #tpu.memory_space<vmem>>) target_semaphore(%arg9 : memref<!tpu.dma_semaphore, #tpu.memory_space<semaphore_mem>>)
    %rem3A_12 = arith.constant 0 : i32
    %rem3A_13 = arith.constant 2 : i32
    %rem3A_14 = arith.remsi %rem3A_12, %rem3A_13 : i32
    %dma_start3A_15 = arith.constant 0 : i32
    %dma_start3A_16 = tpu.memref_slice %arg7[%rem3A_14, %dma_start3A_15] : memref<2x3584xi32, #tpu.memory_space<vmem>> -> memref<1x3584xi32, #tpu.memory_space<vmem>>
    %dma_start3A_17 = tpu.memref_squeeze %dma_start3A_16 : memref<1x3584xi32, #tpu.memory_space<vmem>> -> memref<3584xi32, #tpu.memory_space<vmem>>
    %dma_start3A_18 = arith.constant 0 : i32
    %dma_start3A_19 = tpu.memref_slice %arg3[%dma_start3A_18] : memref<50176xi32, #tpu.memory_space<hbm>> -> memref<3584xi32, #tpu.memory_space<hbm>>
    %dma_start3A_20 = arith.constant 0 : i32
    %dma_start3A_21 = tpu.memref_slice %arg7[%rem3A_14, %dma_start3A_20] : memref<2x3584xi32, #tpu.memory_space<vmem>> -> memref<1x3584xi32, #tpu.memory_space<vmem>>
    %dma_start3A_22 = tpu.memref_squeeze %dma_start3A_21 : memref<1x3584xi32, #tpu.memory_space<vmem>> -> memref<3584xi32, #tpu.memory_space<vmem>>
    %dma_start3A_23 = arith.constant 0 : i32
    %dma_start3A_24 = tpu.memref_slice %arg3[%dma_start3A_23] : memref<50176xi32, #tpu.memory_space<hbm>> -> memref<3584xi32, #tpu.memory_space<hbm>>
    tpu.enqueue_dma source(%dma_start3A_24 : memref<3584xi32, #tpu.memory_space<hbm>>) target(%dma_start3A_22 : memref<3584xi32, #tpu.memory_space<vmem>>) target_semaphore(%arg10 : memref<!tpu.dma_semaphore, #tpu.memory_space<semaphore_mem>>)
    %scan3A = arith.constant 0 : i32
    %scan3A_25 = arith.constant 0 : i32
    %scan3A_26 = arith.constant 24 : i32
    %scan3A_27 = arith.addi %scan3A_25, %scan3A_26 : i32
    %scan3A_28 = arith.constant 1 : i32
    scf.for %scan3A_50 = %scan3A_25 to %scan3A_27 step %scan3A_28  : i32 {
      %mul3A_51 = arith.constant 24 : i32
      %mul3A_52 = arith.muli %add3A, %mul3A_51 : i32
      %add3A_53 = arith.addi %mul3A_52, %scan3A_50 : i32
      %div3A_54 = arith.constant 192 : i32
      %div3A_55 = arith.divsi %add3A_53, %div3A_54 : i32
      %rem3A_56 = arith.constant 192 : i32
      %rem3A_57 = arith.remsi %add3A_53, %rem3A_56 : i32
      %dma_wait3A_58 = arith.constant 0 : i32
      %dma_wait3A_59 = arith.constant 0 : i32
      %dma_wait3A_60 = arith.constant 0 : i32
      %dma_wait3A_61 = arith.constant 0 : i32
      %dma_wait3A_62 = tpu.memref_slice %arg2[%dma_wait3A_58, %dma_wait3A_59, %dma_wait3A_60, %dma_wait3A_61] : memref<4x192x224x224xf32, #tpu.memory_space<hbm>> -> memref<1x1x224x224xf32, #tpu.memory_space<hbm>>
      %dma_wait3A_63 = tpu.memref_squeeze %dma_wait3A_62 : memref<1x1x224x224xf32, #tpu.memory_space<hbm>> -> memref<224x224xf32, #tpu.memory_space<hbm>>
      %dma_wait3A_64 = arith.constant 0 : i32
      %dma_wait3A_65 = arith.constant 0 : i32
      %dma_wait3A_66 = tpu.memref_slice %arg2[%dma_wait3A_58, %dma_wait3A_59, %dma_wait3A_64, %dma_wait3A_65] : memref<4x192x224x224xf32, #tpu.memory_space<hbm>> -> memref<1x1x224x224xf32, #tpu.memory_space<hbm>>
      %dma_wait3A_67 = tpu.memref_squeeze %dma_wait3A_66 : memref<1x1x224x224xf32, #tpu.memory_space<hbm>> -> memref<224x224xf32, #tpu.memory_space<hbm>>
      tpu.wait_dma2 semaphore(%arg9 : memref<!tpu.dma_semaphore, #tpu.memory_space<semaphore_mem>>) src(%dma_wait3A_67 : memref<224x224xf32, #tpu.memory_space<hbm>>) dst(%arg5 : memref<224x224xf32, #tpu.memory_space<vmem>>)
      %parallel_loop3A = arith.constant 0 : i32
      %parallel_loop3A_68 = arith.constant 224 : i32
      %parallel_loop3A_69 = arith.constant 1 : i32
      scf.for %parallel_loop3A_129 = %parallel_loop3A to %parallel_loop3A_68 step %parallel_loop3A_69  : i32 {
        %parallel_loop3A_130 = arith.index_cast %parallel_loop3A_129 : i32 to index
        %parallel_loop3A_131 = arith.constant 0 : index
        %parallel_loop3A_132 = tpu.vector_load %arg5[%parallel_loop3A_130, %parallel_loop3A_131] {strides = array<i32>} : memref<224x224xf32, #tpu.memory_space<vmem>>, vector<16xf32>,
        %parallel_loop3A_133 = arith.constant 225 : i32
        %parallel_loop3A_134 = arith.muli %parallel_loop3A_129, %parallel_loop3A_133 : i32
        %parallel_loop3A_135 = arith.constant 0 : i32
        %parallel_loop3A_136 = arith.addi %parallel_loop3A_134, %parallel_loop3A_135 : i32
        %parallel_loop3A_137 = arith.index_cast %parallel_loop3A_136 : i32 to index
        %parallel_loop3A_138 = tpu.vector_load %arg6[%parallel_loop3A_137] {strides = array<i32>} : memref<50400xf32, #tpu.memory_space<vmem>>, vector<16xf32>,
        tpu.vector_store %arg6[%parallel_loop3A_137], %parallel_loop3A_132 {strides = array<i32>} : memref<50400xf32, #tpu.memory_space<vmem>>, vector<16xf32>,
        %parallel_loop3A_139 = arith.index_cast %parallel_loop3A_129 : i32 to index
        %parallel_loop3A_140 = arith.constant 16 : index
        %parallel_loop3A_141 = tpu.vector_load %arg5[%parallel_loop3A_139, %parallel_loop3A_140] {strides = array<i32>} : memref<224x224xf32, #tpu.memory_space<vmem>>, vector<16xf32>,
        %parallel_loop3A_142 = arith.constant 225 : i32
        %parallel_loop3A_143 = arith.muli %parallel_loop3A_129, %parallel_loop3A_142 : i32
        %parallel_loop3A_144 = arith.constant 16 : i32
        %parallel_loop3A_145 = arith.addi %parallel_loop3A_143, %parallel_loop3A_144 : i32
        %parallel_loop3A_146 = arith.index_cast %parallel_loop3A_145 : i32 to index
        %parallel_loop3A_147 = tpu.vector_load %arg6[%parallel_loop3A_146] {strides = array<i32>} : memref<50400xf32, #tpu.memory_space<vmem>>, vector<16xf32>,
        tpu.vector_store %arg6[%parallel_loop3A_146], %parallel_loop3A_141 {strides = array<i32>} : memref<50400xf32, #tpu.memory_space<vmem>>, vector<16xf32>,
        %parallel_loop3A_148 = arith.index_cast %parallel_loop3A_129 : i32 to index
        %parallel_loop3A_149 = arith.constant 32 : index
        %parallel_loop3A_150 = tpu.vector_load %arg5[%parallel_loop3A_148, %parallel_loop3A_149] {strides = array<i32>} : memref<224x224xf32, #tpu.memory_space<vmem>>, vector<16xf32>,
        %parallel_loop3A_151 = arith.constant 225 : i32
        %parallel_loop3A_152 = arith.muli %parallel_loop3A_129, %parallel_loop3A_151 : i32
        %parallel_loop3A_153 = arith.constant 32 : i32
        %parallel_loop3A_154 = arith.addi %parallel_loop3A_152, %parallel_loop3A_153 : i32
        %parallel_loop3A_155 = arith.index_cast %parallel_loop3A_154 : i32 to index
        %parallel_loop3A_156 = tpu.vector_load %arg6[%parallel_loop3A_155] {strides = array<i32>} : memref<50400xf32, #tpu.memory_space<vmem>>, vector<16xf32>,
        tpu.vector_store %arg6[%parallel_loop3A_155], %parallel_loop3A_150 {strides = array<i32>} : memref<50400xf32, #tpu.memory_space<vmem>>, vector<16xf32>,
        %parallel_loop3A_157 = arith.index_cast %parallel_loop3A_129 : i32 to index
        %parallel_loop3A_158 = arith.constant 48 : index
        %parallel_loop3A_159 = tpu.vector_load %arg5[%parallel_loop3A_157, %parallel_loop3A_158] {strides = array<i32>} : memref<224x224xf32, #tpu.memory_space<vmem>>, vector<16xf32>,
        %parallel_loop3A_160 = arith.constant 225 : i32
        %parallel_loop3A_161 = arith.muli %parallel_loop3A_129, %parallel_loop3A_160 : i32
        %parallel_loop3A_162 = arith.constant 48 : i32
        %parallel_loop3A_163 = arith.addi %parallel_loop3A_161, %parallel_loop3A_162 : i32
        %parallel_loop3A_164 = arith.index_cast %parallel_loop3A_163 : i32 to index
        %parallel_loop3A_165 = tpu.vector_load %arg6[%parallel_loop3A_164] {strides = array<i32>} : memref<50400xf32, #tpu.memory_space<vmem>>, vector<16xf32>,
        tpu.vector_store %arg6[%parallel_loop3A_164], %parallel_loop3A_159 {strides = array<i32>} : memref<50400xf32, #tpu.memory_space<vmem>>, vector<16xf32>,
        %parallel_loop3A_166 = arith.index_cast %parallel_loop3A_129 : i32 to index
        %parallel_loop3A_167 = arith.constant 64 : index
        %parallel_loop3A_168 = tpu.vector_load %arg5[%parallel_loop3A_166, %parallel_loop3A_167] {strides = array<i32>} : memref<224x224xf32, #tpu.memory_space<vmem>>, vector<16xf32>,
        %parallel_loop3A_169 = arith.constant 225 : i32
        %parallel_loop3A_170 = arith.muli %parallel_loop3A_129, %parallel_loop3A_169 : i32
        %parallel_loop3A_171 = arith.constant 64 : i32
        %parallel_loop3A_172 = arith.addi %parallel_loop3A_170, %parallel_loop3A_171 : i32
        %parallel_loop3A_173 = arith.index_cast %parallel_loop3A_172 : i32 to index
        %parallel_loop3A_174 = tpu.vector_load %arg6[%parallel_loop3A_173] {strides = array<i32>} : memref<50400xf32, #tpu.memory_space<vmem>>, vector<16xf32>,
        tpu.vector_store %arg6[%parallel_loop3A_173], %parallel_loop3A_168 {strides = array<i32>} : memref<50400xf32, #tpu.memory_space<vmem>>, vector<16xf32>,
        %parallel_loop3A_175 = arith.index_cast %parallel_loop3A_129 : i32 to index
        %parallel_loop3A_176 = arith.constant 80 : index
        %parallel_loop3A_177 = tpu.vector_load %arg5[%parallel_loop3A_175, %parallel_loop3A_176] {strides = array<i32>} : memref<224x224xf32, #tpu.memory_space<vmem>>, vector<16xf32>,
        %parallel_loop3A_178 = arith.constant 225 : i32
        %parallel_loop3A_179 = arith.muli %parallel_loop3A_129, %parallel_loop3A_178 : i32
        %parallel_loop3A_180 = arith.constant 80 : i32
        %parallel_loop3A_181 = arith.addi %parallel_loop3A_179, %parallel_loop3A_180 : i32
        %parallel_loop3A_182 = arith.index_cast %parallel_loop3A_181 : i32 to index
        %parallel_loop3A_183 = tpu.vector_load %arg6[%parallel_loop3A_182] {strides = array<i32>} : memref<50400xf32, #tpu.memory_space<vmem>>, vector<16xf32>,
        tpu.vector_store %arg6[%parallel_loop3A_182], %parallel_loop3A_177 {strides = array<i32>} : memref<50400xf32, #tpu.memory_space<vmem>>, vector<16xf32>,
        %parallel_loop3A_184 = arith.index_cast %parallel_loop3A_129 : i32 to index
        %parallel_loop3A_185 = arith.constant 96 : index
        %parallel_loop3A_186 = tpu.vector_load %arg5[%parallel_loop3A_184, %parallel_loop3A_185] {strides = array<i32>} : memref<224x224xf32, #tpu.memory_space<vmem>>, vector<16xf32>,
        %parallel_loop3A_187 = arith.constant 225 : i32
        %parallel_loop3A_188 = arith.muli %parallel_loop3A_129, %parallel_loop3A_187 : i32
        %parallel_loop3A_189 = arith.constant 96 : i32
        %parallel_loop3A_190 = arith.addi %parallel_loop3A_188, %parallel_loop3A_189 : i32
        %parallel_loop3A_191 = arith.index_cast %parallel_loop3A_190 : i32 to index
        %parallel_loop3A_192 = tpu.vector_load %arg6[%parallel_loop3A_191] {strides = array<i32>} : memref<50400xf32, #tpu.memory_space<vmem>>, vector<16xf32>,
        tpu.vector_store %arg6[%parallel_loop3A_191], %parallel_loop3A_186 {strides = array<i32>} : memref<50400xf32, #tpu.memory_space<vmem>>, vector<16xf32>,
        %parallel_loop3A_193 = arith.index_cast %parallel_loop3A_129 : i32 to index
        %parallel_loop3A_194 = arith.constant 112 : index
        %parallel_loop3A_195 = tpu.vector_load %arg5[%parallel_loop3A_193, %parallel_loop3A_194] {strides = array<i32>} : memref<224x224xf32, #tpu.memory_space<vmem>>, vector<16xf32>,
        %parallel_loop3A_196 = arith.constant 225 : i32
        %parallel_loop3A_197 = arith.muli %parallel_loop3A_129, %parallel_loop3A_196 : i32
        %parallel_loop3A_198 = arith.constant 112 : i32
        %parallel_loop3A_199 = arith.addi %parallel_loop3A_197, %parallel_loop3A_198 : i32
        %parallel_loop3A_200 = arith.index_cast %parallel_loop3A_199 : i32 to index
        %parallel_loop3A_201 = tpu.vector_load %arg6[%parallel_loop3A_200] {strides = array<i32>} : memref<50400xf32, #tpu.memory_space<vmem>>, vector<16xf32>,
        tpu.vector_store %arg6[%parallel_loop3A_200], %parallel_loop3A_195 {strides = array<i32>} : memref<50400xf32, #tpu.memory_space<vmem>>, vector<16xf32>,
        %parallel_loop3A_202 = arith.index_cast %parallel_loop3A_129 : i32 to index
        %parallel_loop3A_203 = arith.constant 128 : index
        %parallel_loop3A_204 = tpu.vector_load %arg5[%parallel_loop3A_202, %parallel_loop3A_203] {strides = array<i32>} : memref<224x224xf32, #tpu.memory_space<vmem>>, vector<16xf32>,
        %parallel_loop3A_205 = arith.constant 225 : i32
        %parallel_loop3A_206 = arith.muli %parallel_loop3A_129, %parallel_loop3A_205 : i32
        %parallel_loop3A_207 = arith.constant 128 : i32
        %parallel_loop3A_208 = arith.addi %parallel_loop3A_206, %parallel_loop3A_207 : i32
        %parallel_loop3A_209 = arith.index_cast %parallel_loop3A_208 : i32 to index
        %parallel_loop3A_210 = tpu.vector_load %arg6[%parallel_loop3A_209] {strides = array<i32>} : memref<50400xf32, #tpu.memory_space<vmem>>, vector<16xf32>,
        tpu.vector_store %arg6[%parallel_loop3A_209], %parallel_loop3A_204 {strides = array<i32>} : memref<50400xf32, #tpu.memory_space<vmem>>, vector<16xf32>,
        %parallel_loop3A_211 = arith.index_cast %parallel_loop3A_129 : i32 to index
        %parallel_loop3A_212 = arith.constant 144 : index
        %parallel_loop3A_213 = tpu.vector_load %arg5[%parallel_loop3A_211, %parallel_loop3A_212] {strides = array<i32>} : memref<224x224xf32, #tpu.memory_space<vmem>>, vector<16xf32>,
        %parallel_loop3A_214 = arith.constant 225 : i32
        %parallel_loop3A_215 = arith.muli %parallel_loop3A_129, %parallel_loop3A_214 : i32
        %parallel_loop3A_216 = arith.constant 144 : i32
        %parallel_loop3A_217 = arith.addi %parallel_loop3A_215, %parallel_loop3A_216 : i32
        %parallel_loop3A_218 = arith.index_cast %parallel_loop3A_217 : i32 to index
        %parallel_loop3A_219 = tpu.vector_load %arg6[%parallel_loop3A_218] {strides = array<i32>} : memref<50400xf32, #tpu.memory_space<vmem>>, vector<16xf32>,
        tpu.vector_store %arg6[%parallel_loop3A_218], %parallel_loop3A_213 {strides = array<i32>} : memref<50400xf32, #tpu.memory_space<vmem>>, vector<16xf32>,
        %parallel_loop3A_220 = arith.index_cast %parallel_loop3A_129 : i32 to index
        %parallel_loop3A_221 = arith.constant 160 : index
        %parallel_loop3A_222 = tpu.vector_load %arg5[%parallel_loop3A_220, %parallel_loop3A_221] {strides = array<i32>} : memref<224x224xf32, #tpu.memory_space<vmem>>, vector<16xf32>,
        %parallel_loop3A_223 = arith.constant 225 : i32
        %parallel_loop3A_224 = arith.muli %parallel_loop3A_129, %parallel_loop3A_223 : i32
        %parallel_loop3A_225 = arith.constant 160 : i32
        %parallel_loop3A_226 = arith.addi %parallel_loop3A_224, %parallel_loop3A_225 : i32
        %parallel_loop3A_227 = arith.index_cast %parallel_loop3A_226 : i32 to index
        %parallel_loop3A_228 = tpu.vector_load %arg6[%parallel_loop3A_227] {strides = array<i32>} : memref<50400xf32, #tpu.memory_space<vmem>>, vector<16xf32>,
        tpu.vector_store %arg6[%parallel_loop3A_227], %parallel_loop3A_222 {strides = array<i32>} : memref<50400xf32, #tpu.memory_space<vmem>>, vector<16xf32>,
        %parallel_loop3A_229 = arith.index_cast %parallel_loop3A_129 : i32 to index
        %parallel_loop3A_230 = arith.constant 176 : index
        %parallel_loop3A_231 = tpu.vector_load %arg5[%parallel_loop3A_229, %parallel_loop3A_230] {strides = array<i32>} : memref<224x224xf32, #tpu.memory_space<vmem>>, vector<16xf32>,
        %parallel_loop3A_232 = arith.constant 225 : i32
        %parallel_loop3A_233 = arith.muli %parallel_loop3A_129, %parallel_loop3A_232 : i32
        %parallel_loop3A_234 = arith.constant 176 : i32
        %parallel_loop3A_235 = arith.addi %parallel_loop3A_233, %parallel_loop3A_234 : i32
        %parallel_loop3A_236 = arith.index_cast %parallel_loop3A_235 : i32 to index
        %parallel_loop3A_237 = tpu.vector_load %arg6[%parallel_loop3A_236] {strides = array<i32>} : memref<50400xf32, #tpu.memory_space<vmem>>, vector<16xf32>,
        tpu.vector_store %arg6[%parallel_loop3A_236], %parallel_loop3A_231 {strides = array<i32>} : memref<50400xf32, #tpu.memory_space<vmem>>, vector<16xf32>,
        %parallel_loop3A_238 = arith.index_cast %parallel_loop3A_129 : i32 to index
        %parallel_loop3A_239 = arith.constant 192 : index
        %parallel_loop3A_240 = tpu.vector_load %arg5[%parallel_loop3A_238, %parallel_loop3A_239] {strides = array<i32>} : memref<224x224xf32, #tpu.memory_space<vmem>>, vector<16xf32>,
        %parallel_loop3A_241 = arith.constant 225 : i32
        %parallel_loop3A_242 = arith.muli %parallel_loop3A_129, %parallel_loop3A_241 : i32
        %parallel_loop3A_243 = arith.constant 192 : i32
        %parallel_loop3A_244 = arith.addi %parallel_loop3A_242, %parallel_loop3A_243 : i32
        %parallel_loop3A_245 = arith.index_cast %parallel_loop3A_244 : i32 to index
        %parallel_loop3A_246 = tpu.vector_load %arg6[%parallel_loop3A_245] {strides = array<i32>} : memref<50400xf32, #tpu.memory_space<vmem>>, vector<16xf32>,
        tpu.vector_store %arg6[%parallel_loop3A_245], %parallel_loop3A_240 {strides = array<i32>} : memref<50400xf32, #tpu.memory_space<vmem>>, vector<16xf32>,
        %parallel_loop3A_247 = arith.index_cast %parallel_loop3A_129 : i32 to index
        %parallel_loop3A_248 = arith.constant 208 : index
        %parallel_loop3A_249 = tpu.vector_load %arg5[%parallel_loop3A_247, %parallel_loop3A_248] {strides = array<i32>} : memref<224x224xf32, #tpu.memory_space<vmem>>, vector<16xf32>,
        %parallel_loop3A_250 = arith.constant 225 : i32
        %parallel_loop3A_251 = arith.muli %parallel_loop3A_129, %parallel_loop3A_250 : i32
        %parallel_loop3A_252 = arith.constant 208 : i32
        %parallel_loop3A_253 = arith.addi %parallel_loop3A_251, %parallel_loop3A_252 : i32
        %parallel_loop3A_254 = arith.index_cast %parallel_loop3A_253 : i32 to index
        %parallel_loop3A_255 = tpu.vector_load %arg6[%parallel_loop3A_254] {strides = array<i32>} : memref<50400xf32, #tpu.memory_space<vmem>>, vector<16xf32>,
        tpu.vector_store %arg6[%parallel_loop3A_254], %parallel_loop3A_249 {strides = array<i32>} : memref<50400xf32, #tpu.memory_space<vmem>>, vector<16xf32>,
      } {sc.loop_unroll_factor = 2 : i64, sc.parallel_access}
      %add3A_70 = arith.constant 1 : i32
      %add3A_71 = arith.addi %add3A_53, %add3A_70 : i32
      %min3A = arith.constant 767 : i32
      %min3A_72 = arith.minsi %add3A_71, %min3A : i32
      %div3A_73 = arith.constant 192 : i32
      %div3A_74 = arith.divsi %min3A_72, %div3A_73 : i32
      %rem3A_75 = arith.constant 192 : i32
      %rem3A_76 = arith.remsi %min3A_72, %rem3A_75 : i32
      %dma_start3A_77 = arith.constant 0 : i32
      %dma_start3A_78 = arith.constant 0 : i32
      %dma_start3A_79 = tpu.memref_slice %arg2[%div3A_74, %rem3A_76, %dma_start3A_77, %dma_start3A_78] : memref<4x192x224x224xf32, #tpu.memory_space<hbm>> -> memref<1x1x224x224xf32, #tpu.memory_space<hbm>>
      %dma_start3A_80 = tpu.memref_squeeze %dma_start3A_79 : memref<1x1x224x224xf32, #tpu.memory_space<hbm>> -> memref<224x224xf32, #tpu.memory_space<hbm>>
      %dma_start3A_81 = arith.constant 0 : i32
      %dma_start3A_82 = arith.constant 0 : i32
      %dma_start3A_83 = tpu.memref_slice %arg2[%div3A_74, %rem3A_76, %dma_start3A_81, %dma_start3A_82] : memref<4x192x224x224xf32, #tpu.memory_space<hbm>> -> memref<1x1x224x224xf32, #tpu.memory_space<hbm>>
      %dma_start3A_84 = tpu.memref_squeeze %dma_start3A_83 : memref<1x1x224x224xf32, #tpu.memory_space<hbm>> -> memref<224x224xf32, #tpu.memory_space<hbm>>
      tpu.enqueue_dma source(%dma_start3A_84 : memref<224x224xf32, #tpu.memory_space<hbm>>) target(%arg5 : memref<224x224xf32, #tpu.memory_space<vmem>>) target_semaphore(%arg9 : memref<!tpu.dma_semaphore, #tpu.memory_space<semaphore_mem>>)
      %scan3A_85 = arith.constant 0 : i32
      %scan3A_86 = arith.constant 0 : i32
      %scan3A_87 = arith.constant 14 : i32
      %scan3A_88 = arith.addi %scan3A_86, %scan3A_87 : i32
      %scan3A_89 = arith.constant 1 : i32
      scf.for %scan3A_129 = %scan3A_86 to %scan3A_88 step %scan3A_89  : i32 {
        %rem3A_130 = arith.constant 2 : i32
        %rem3A_131 = arith.remsi %scan3A_129, %rem3A_130 : i32
        %dma_wait3A_132 = arith.constant 0 : i32
        %dma_wait3A_133 = arith.constant 0 : i32
        %dma_wait3A_134 = tpu.memref_slice %arg7[%dma_wait3A_132, %dma_wait3A_133] : memref<2x3584xi32, #tpu.memory_space<vmem>> -> memref<1x3584xi32, #tpu.memory_space<vmem>>
        %dma_wait3A_135 = tpu.memref_squeeze %dma_wait3A_134 : memref<1x3584xi32, #tpu.memory_space<vmem>> -> memref<3584xi32, #tpu.memory_space<vmem>>
        %dma_wait3A_136 = arith.constant 0 : i32
        %dma_wait3A_137 = tpu.memref_slice %arg3[%dma_wait3A_136] : memref<50176xi32, #tpu.memory_space<hbm>> -> memref<3584xi32, #tpu.memory_space<hbm>>
        %dma_wait3A_138 = arith.constant 0 : i32
        %dma_wait3A_139 = tpu.memref_slice %arg7[%dma_wait3A_132, %dma_wait3A_138] : memref<2x3584xi32, #tpu.memory_space<vmem>> -> memref<1x3584xi32, #tpu.memory_space<vmem>>
        %dma_wait3A_140 = tpu.memref_squeeze %dma_wait3A_139 : memref<1x3584xi32, #tpu.memory_space<vmem>> -> memref<3584xi32, #tpu.memory_space<vmem>>
        %dma_wait3A_141 = arith.constant 0 : i32
        %dma_wait3A_142 = tpu.memref_slice %arg3[%dma_wait3A_141] : memref<50176xi32, #tpu.memory_space<hbm>> -> memref<3584xi32, #tpu.memory_space<hbm>>
        tpu.wait_dma2 semaphore(%arg10 : memref<!tpu.dma_semaphore, #tpu.memory_space<semaphore_mem>>) src(%dma_wait3A_142 : memref<3584xi32, #tpu.memory_space<hbm>>) dst(%dma_wait3A_140 : memref<3584xi32, #tpu.memory_space<vmem>>)
        %add3A_143 = arith.constant 1 : i32
        %add3A_144 = arith.addi %scan3A_129, %add3A_143 : i32
        %rem3A_145 = arith.constant 14 : i32
        %rem3A_146 = arith.remsi %add3A_144, %rem3A_145 : i32
        %mul3A_147 = arith.constant 3584 : i32
        %mul3A_148 = arith.muli %rem3A_146, %mul3A_147 : i32
        %rem3A_149 = arith.constant 2 : i32
        %rem3A_150 = arith.remsi %rem3A_146, %rem3A_149 : i32
        %dma_start3A_151 = arith.constant 0 : i32
        %dma_start3A_152 = tpu.memref_slice %arg7[%rem3A_150, %dma_start3A_151] : memref<2x3584xi32, #tpu.memory_space<vmem>> -> memref<1x3584xi32, #tpu.memory_space<vmem>>
        %dma_start3A_153 = tpu.memref_squeeze %dma_start3A_152 : memref<1x3584xi32, #tpu.memory_space<vmem>> -> memref<3584xi32, #tpu.memory_space<vmem>>
        %dma_start3A_154 = tpu.memref_slice %arg3[%mul3A_148] : memref<50176xi32, #tpu.memory_space<hbm>> -> memref<3584xi32, #tpu.memory_space<hbm>>
        %dma_start3A_155 = arith.constant 0 : i32
        %dma_start3A_156 = tpu.memref_slice %arg7[%rem3A_150, %dma_start3A_155] : memref<2x3584xi32, #tpu.memory_space<vmem>> -> memref<1x3584xi32, #tpu.memory_space<vmem>>
        %dma_start3A_157 = tpu.memref_squeeze %dma_start3A_156 : memref<1x3584xi32, #tpu.memory_space<vmem>> -> memref<3584xi32, #tpu.memory_space<vmem>>
        %dma_start3A_158 = tpu.memref_slice %arg3[%mul3A_148] : memref<50176xi32, #tpu.memory_space<hbm>> -> memref<3584xi32, #tpu.memory_space<hbm>>
        tpu.enqueue_dma source(%dma_start3A_158 : memref<3584xi32, #tpu.memory_space<hbm>>) target(%dma_start3A_157 : memref<3584xi32, #tpu.memory_space<vmem>>) target_semaphore(%arg10 : memref<!tpu.dma_semaphore, #tpu.memory_space<semaphore_mem>>)
        %ge3A = arith.constant 2 : i32
        %ge3A_159 = arith.cmpi sge, %scan3A_129, %ge3A : i32
        %convert_element_type3A = arith.extui %ge3A_159 : i1 to i32
        %cond3A = arith.constant 0 : i32
        %cond3A_160 = arith.cmpi ne, %convert_element_type3A, %cond3A : i32
        scf.if %cond3A_160 {
          %dma_wait3A_180 = arith.constant 0 : i32
          %dma_wait3A_181 = arith.constant 0 : i32
          %dma_wait3A_182 = arith.constant 0 : i32
          %dma_wait3A_183 = arith.constant 0 : i32
          %dma_wait3A_184 = arith.constant 0 : i32
          %dma_wait3A_185 = tpu.memref_slice %arg8[%dma_wait3A_182, %dma_wait3A_183, %dma_wait3A_184] : memref<2x8x896xf32, #tpu.memory_space<vmem>> -> memref<1x8x896xf32, #tpu.memory_space<vmem>>
          %dma_wait3A_186 = tpu.memref_squeeze %dma_wait3A_185 : memref<1x8x896xf32, #tpu.memory_space<vmem>> -> memref<8x896xf32, #tpu.memory_space<vmem>>
          %dma_wait3A_187 = arith.constant 0 : i32
          %dma_wait3A_188 = arith.constant 0 : i32
          %dma_wait3A_189 = tpu.memref_slice %arg4[%dma_wait3A_180, %dma_wait3A_181, %dma_wait3A_187, %dma_wait3A_188] : memref<4x192x112x896xf32, #tpu.memory_space<hbm>> -> memref<1x1x8x896xf32, #tpu.memory_space<hbm>>
          %dma_wait3A_190 = tpu.memref_squeeze %dma_wait3A_189 : memref<1x1x8x896xf32, #tpu.memory_space<hbm>> -> memref<8x896xf32, #tpu.memory_space<hbm>>
          %dma_wait3A_191 = arith.constant 0 : i32
          %dma_wait3A_192 = arith.constant 0 : i32
          %dma_wait3A_193 = tpu.memref_slice %arg8[%dma_wait3A_182, %dma_wait3A_191, %dma_wait3A_192] : memref<2x8x896xf32, #tpu.memory_space<vmem>> -> memref<1x8x896xf32, #tpu.memory_space<vmem>>
          %dma_wait3A_194 = tpu.memref_squeeze %dma_wait3A_193 : memref<1x8x896xf32, #tpu.memory_space<vmem>> -> memref<8x896xf32, #tpu.memory_space<vmem>>
          %dma_wait3A_195 = arith.constant 0 : i32
          %dma_wait3A_196 = arith.constant 0 : i32
          %dma_wait3A_197 = tpu.memref_slice %arg4[%dma_wait3A_180, %dma_wait3A_181, %dma_wait3A_195, %dma_wait3A_196] : memref<4x192x112x896xf32, #tpu.memory_space<hbm>> -> memref<1x1x8x896xf32, #tpu.memory_space<hbm>>
          %dma_wait3A_198 = tpu.memref_squeeze %dma_wait3A_197 : memref<1x1x8x896xf32, #tpu.memory_space<hbm>> -> memref<8x896xf32, #tpu.memory_space<hbm>>
          tpu.wait_dma2 semaphore(%arg11 : memref<!tpu.dma_semaphore, #tpu.memory_space<semaphore_mem>>) src(%dma_wait3A_198 : memref<8x896xf32, #tpu.memory_space<hbm>>) dst(%dma_wait3A_194 : memref<8x896xf32, #tpu.memory_space<vmem>>)
        } else {
        }
        %parallel_loop3A_161 = arith.constant 0 : i32
        %parallel_loop3A_162 = arith.constant 8 : i32
        %parallel_loop3A_163 = arith.constant 1 : i32
        scf.for %parallel_loop3A_180 = %parallel_loop3A_161 to %parallel_loop3A_162 step %parallel_loop3A_163  : i32 {
          %parallel_loop3A_181 = arith.constant 448 : i32
          %parallel_loop3A_182 = arith.muli %parallel_loop3A_180, %parallel_loop3A_181 : i32
          %parallel_loop3A_183 = arith.constant 0 : i32
          %parallel_loop3A_184 = arith.addi %parallel_loop3A_182, %parallel_loop3A_183 : i32
          %parallel_loop3A_185 = arith.index_cast %rem3A_131 : i32 to index
          %parallel_loop3A_186 = arith.index_cast %parallel_loop3A_184 : i32 to index
          %parallel_loop3A_187 = tpu.vector_load %arg7[%parallel_loop3A_185, %parallel_loop3A_186] {strides = array<i32>} : memref<2x3584xi32, #tpu.memory_space<vmem>>, vector<16xi32>,
          %parallel_loop3A_188 = arith.constant 65535 : i32
          %parallel_loop3A_189 = vector.broadcast %parallel_loop3A_188 : i32 to vector<16xi32>
          %parallel_loop3A_190 = arith.andi %parallel_loop3A_187, %parallel_loop3A_189 : vector<16xi32>
          %parallel_loop3A_191 = arith.constant 16 : i32
          %parallel_loop3A_192 = vector.broadcast %parallel_loop3A_191 : i32 to vector<16xi32>
          %parallel_loop3A_193 = arith.shrui %parallel_loop3A_187, %parallel_loop3A_192 : vector<16xi32>
          %parallel_loop3A_194 = tpu.vector_load_idx %arg6[%parallel_loop3A_190] : memref<50400xf32, #tpu.memory_space<vmem>>[vector<16xi32>], vector<16xf32>,
          %parallel_loop3A_195 = arith.index_cast %rem3A_131 : i32 to index
          %parallel_loop3A_196 = arith.index_cast %parallel_loop3A_180 : i32 to index
          %parallel_loop3A_197 = arith.constant 0 : index
          %parallel_loop3A_198 = tpu.vector_load %arg8[%parallel_loop3A_195, %parallel_loop3A_196, %parallel_loop3A_197] {strides = array<i32>} : memref<2x8x896xf32, #tpu.memory_space<vmem>>, vector<16xf32>,
          tpu.vector_store %arg8[%parallel_loop3A_195, %parallel_loop3A_196, %parallel_loop3A_197], %parallel_loop3A_194 {strides = array<i32>} : memref<2x8x896xf32, #tpu.memory_space<vmem>>, vector<16xf32>,
          %parallel_loop3A_199 = tpu.vector_load_idx %arg6[%parallel_loop3A_193] : memref<50400xf32, #tpu.memory_space<vmem>>[vector<16xi32>], vector<16xf32>,
          %parallel_loop3A_200 = arith.index_cast %rem3A_131 : i32 to index
          %parallel_loop3A_201 = arith.index_cast %parallel_loop3A_180 : i32 to index
          %parallel_loop3A_202 = arith.constant 16 : index
          %parallel_loop3A_203 = tpu.vector_load %arg8[%parallel_loop3A_200, %parallel_loop3A_201, %parallel_loop3A_202] {strides = array<i32>} : memref<2x8x896xf32, #tpu.memory_space<vmem>>, vector<16xf32>,
          tpu.vector_store %arg8[%parallel_loop3A_200, %parallel_loop3A_201, %parallel_loop3A_202], %parallel_loop3A_199 {strides = array<i32>} : memref<2x8x896xf32, #tpu.memory_space<vmem>>, vector<16xf32>,
          %parallel_loop3A_204 = arith.constant 16 : i32
          %parallel_loop3A_205 = arith.addi %parallel_loop3A_182, %parallel_loop3A_204 : i32
          %parallel_loop3A_206 = arith.index_cast %rem3A_131 : i32 to index
          %parallel_loop3A_207 = arith.index_cast %parallel_loop3A_205 : i32 to index
          %parallel_loop3A_208 = tpu.vector_load %arg7[%parallel_loop3A_206, %parallel_loop3A_207] {strides = array<i32>} : memref<2x3584xi32, #tpu.memory_space<vmem>>, vector<16xi32>,
          %parallel_loop3A_209 = arith.constant 65535 : i32
          %parallel_loop3A_210 = vector.broadcast %parallel_loop3A_209 : i32 to vector<16xi32>
          %parallel_loop3A_211 = arith.andi %parallel_loop3A_208, %parallel_loop3A_210 : vector<16xi32>
          %parallel_loop3A_212 = arith.constant 16 : i32
          %parallel_loop3A_213 = vector.broadcast %parallel_loop3A_212 : i32 to vector<16xi32>
          %parallel_loop3A_214 = arith.shrui %parallel_loop3A_208, %parallel_loop3A_213 : vector<16xi32>
          %parallel_loop3A_215 = tpu.vector_load_idx %arg6[%parallel_loop3A_211] : memref<50400xf32, #tpu.memory_space<vmem>>[vector<16xi32>], vector<16xf32>,
          %parallel_loop3A_216 = arith.index_cast %rem3A_131 : i32 to index
          %parallel_loop3A_217 = arith.index_cast %parallel_loop3A_180 : i32 to index
          %parallel_loop3A_218 = arith.constant 32 : index
          %parallel_loop3A_219 = tpu.vector_load %arg8[%parallel_loop3A_216, %parallel_loop3A_217, %parallel_loop3A_218] {strides = array<i32>} : memref<2x8x896xf32, #tpu.memory_space<vmem>>, vector<16xf32>,
          tpu.vector_store %arg8[%parallel_loop3A_216, %parallel_loop3A_217, %parallel_loop3A_218], %parallel_loop3A_215 {strides = array<i32>} : memref<2x8x896xf32, #tpu.memory_space<vmem>>, vector<16xf32>,
          %parallel_loop3A_220 = tpu.vector_load_idx %arg6[%parallel_loop3A_214] : memref<50400xf32, #tpu.memory_space<vmem>>[vector<16xi32>], vector<16xf32>,
          %parallel_loop3A_221 = arith.index_cast %rem3A_131 : i32 to index
          %parallel_loop3A_222 = arith.index_cast %parallel_loop3A_180 : i32 to index
          %parallel_loop3A_223 = arith.constant 48 : index
          %parallel_loop3A_224 = tpu.vector_load %arg8[%parallel_loop3A_221, %parallel_loop3A_222, %parallel_loop3A_223] {strides = array<i32>} : memref<2x8x896xf32, #tpu.memory_space<vmem>>, vector<16xf32>,
          tpu.vector_store %arg8[%parallel_loop3A_221, %parallel_loop3A_222, %parallel_loop3A_223], %parallel_loop3A_220 {strides = array<i32>} : memref<2x8x896xf32, #tpu.memory_space<vmem>>, vector<16xf32>,
          %parallel_loop3A_225 = arith.constant 32 : i32
          %parallel_loop3A_226 = arith.addi %parallel_loop3A_182, %parallel_loop3A_225 : i32
          %parallel_loop3A_227 = arith.index_cast %rem3A_131 : i32 to index
          %parallel_loop3A_228 = arith.index_cast %parallel_loop3A_226 : i32 to index
          %parallel_loop3A_229 = tpu.vector_load %arg7[%parallel_loop3A_227, %parallel_loop3A_228] {strides = array<i32>} : memref<2x3584xi32, #tpu.memory_space<vmem>>, vector<16xi32>,
          %parallel_loop3A_230 = arith.constant 65535 : i32
          %parallel_loop3A_231 = vector.broadcast %parallel_loop3A_230 : i32 to vector<16xi32>
          %parallel_loop3A_232 = arith.andi %parallel_loop3A_229, %parallel_loop3A_231 : vector<16xi32>
          %parallel_loop3A_233 = arith.constant 16 : i32
          %parallel_loop3A_234 = vector.broadcast %parallel_loop3A_233 : i32 to vector<16xi32>
          %parallel_loop3A_235 = arith.shrui %parallel_loop3A_229, %parallel_loop3A_234 : vector<16xi32>
          %parallel_loop3A_236 = tpu.vector_load_idx %arg6[%parallel_loop3A_232] : memref<50400xf32, #tpu.memory_space<vmem>>[vector<16xi32>], vector<16xf32>,
          %parallel_loop3A_237 = arith.index_cast %rem3A_131 : i32 to index
          %parallel_loop3A_238 = arith.index_cast %parallel_loop3A_180 : i32 to index
          %parallel_loop3A_239 = arith.constant 64 : index
          %parallel_loop3A_240 = tpu.vector_load %arg8[%parallel_loop3A_237, %parallel_loop3A_238, %parallel_loop3A_239] {strides = array<i32>} : memref<2x8x896xf32, #tpu.memory_space<vmem>>, vector<16xf32>,
          tpu.vector_store %arg8[%parallel_loop3A_237, %parallel_loop3A_238, %parallel_loop3A_239], %parallel_loop3A_236 {strides = array<i32>} : memref<2x8x896xf32, #tpu.memory_space<vmem>>, vector<16xf32>,
          %parallel_loop3A_241 = tpu.vector_load_idx %arg6[%parallel_loop3A_235] : memref<50400xf32, #tpu.memory_space<vmem>>[vector<16xi32>], vector<16xf32>,
          %parallel_loop3A_242 = arith.index_cast %rem3A_131 : i32 to index
          %parallel_loop3A_243 = arith.index_cast %parallel_loop3A_180 : i32 to index
          %parallel_loop3A_244 = arith.constant 80 : index
          %parallel_loop3A_245 = tpu.vector_load %arg8[%parallel_loop3A_242, %parallel_loop3A_243, %parallel_loop3A_244] {strides = array<i32>} : memref<2x8x896xf32, #tpu.memory_space<vmem>>, vector<16xf32>,
          tpu.vector_store %arg8[%parallel_loop3A_242, %parallel_loop3A_243, %parallel_loop3A_244], %parallel_loop3A_241 {strides = array<i32>} : memref<2x8x896xf32, #tpu.memory_space<vmem>>, vector<16xf32>,
          %parallel_loop3A_246 = arith.constant 48 : i32
          %parallel_loop3A_247 = arith.addi %parallel_loop3A_182, %parallel_loop3A_246 : i32
          %parallel_loop3A_248 = arith.index_cast %rem3A_131 : i32 to index
          %parallel_loop3A_249 = arith.index_cast %parallel_loop3A_247 : i32 to index
          %parallel_loop3A_250 = tpu.vector_load %arg7[%parallel_loop3A_248, %parallel_loop3A_249] {strides = array<i32>} : memref<2x3584xi32, #tpu.memory_space<vmem>>, vector<16xi32>,
          %parallel_loop3A_251 = arith.constant 65535 : i32
          %parallel_loop3A_252 = vector.broadcast %parallel_loop3A_251 : i32 to vector<16xi32>
          %parallel_loop3A_253 = arith.andi %parallel_loop3A_250, %parallel_loop3A_252 : vector<16xi32>
          %parallel_loop3A_254 = arith.constant 16 : i32
          %parallel_loop3A_255 = vector.broadcast %parallel_loop3A_254 : i32 to vector<16xi32>
          %parallel_loop3A_256 = arith.shrui %parallel_loop3A_250, %parallel_loop3A_255 : vector<16xi32>
          %parallel_loop3A_257 = tpu.vector_load_idx %arg6[%parallel_loop3A_253] : memref<50400xf32, #tpu.memory_space<vmem>>[vector<16xi32>], vector<16xf32>,
          %parallel_loop3A_258 = arith.index_cast %rem3A_131 : i32 to index
          %parallel_loop3A_259 = arith.index_cast %parallel_loop3A_180 : i32 to index
          %parallel_loop3A_260 = arith.constant 96 : index
          %parallel_loop3A_261 = tpu.vector_load %arg8[%parallel_loop3A_258, %parallel_loop3A_259, %parallel_loop3A_260] {strides = array<i32>} : memref<2x8x896xf32, #tpu.memory_space<vmem>>, vector<16xf32>,
          tpu.vector_store %arg8[%parallel_loop3A_258, %parallel_loop3A_259, %parallel_loop3A_260], %parallel_loop3A_257 {strides = array<i32>} : memref<2x8x896xf32, #tpu.memory_space<vmem>>, vector<16xf32>,
          %parallel_loop3A_262 = tpu.vector_load_idx %arg6[%parallel_loop3A_256] : memref<50400xf32, #tpu.memory_space<vmem>>[vector<16xi32>], vector<16xf32>,
          %parallel_loop3A_263 = arith.index_cast %rem3A_131 : i32 to index
          %parallel_loop3A_264 = arith.index_cast %parallel_loop3A_180 : i32 to index
          %parallel_loop3A_265 = arith.constant 112 : index
          %parallel_loop3A_266 = tpu.vector_load %arg8[%parallel_loop3A_263, %parallel_loop3A_264, %parallel_loop3A_265] {strides = array<i32>} : memref<2x8x896xf32, #tpu.memory_space<vmem>>, vector<16xf32>,
          tpu.vector_store %arg8[%parallel_loop3A_263, %parallel_loop3A_264, %parallel_loop3A_265], %parallel_loop3A_262 {strides = array<i32>} : memref<2x8x896xf32, #tpu.memory_space<vmem>>, vector<16xf32>,
          %parallel_loop3A_267 = arith.constant 64 : i32
          %parallel_loop3A_268 = arith.addi %parallel_loop3A_182, %parallel_loop3A_267 : i32
          %parallel_loop3A_269 = arith.index_cast %rem3A_131 : i32 to index
          %parallel_loop3A_270 = arith.index_cast %parallel_loop3A_268 : i32 to index
          %parallel_loop3A_271 = tpu.vector_load %arg7[%parallel_loop3A_269, %parallel_loop3A_270] {strides = array<i32>} : memref<2x3584xi32, #tpu.memory_space<vmem>>, vector<16xi32>,
          %parallel_loop3A_272 = arith.constant 65535 : i32
          %parallel_loop3A_273 = vector.broadcast %parallel_loop3A_272 : i32 to vector<16xi32>
          %parallel_loop3A_274 = arith.andi %parallel_loop3A_271, %parallel_loop3A_273 : vector<16xi32>
          %parallel_loop3A_275 = arith.constant 16 : i32
          %parallel_loop3A_276 = vector.broadcast %parallel_loop3A_275 : i32 to vector<16xi32>
          %parallel_loop3A_277 = arith.shrui %parallel_loop3A_271, %parallel_loop3A_276 : vector<16xi32>
          %parallel_loop3A_278 = tpu.vector_load_idx %arg6[%parallel_loop3A_274] : memref<50400xf32, #tpu.memory_space<vmem>>[vector<16xi32>], vector<16xf32>,
          %parallel_loop3A_279 = arith.index_cast %rem3A_131 : i32 to index
          %parallel_loop3A_280 = arith.index_cast %parallel_loop3A_180 : i32 to index
          %parallel_loop3A_281 = arith.constant 128 : index
          %parallel_loop3A_282 = tpu.vector_load %arg8[%parallel_loop3A_279, %parallel_loop3A_280, %parallel_loop3A_281] {strides = array<i32>} : memref<2x8x896xf32, #tpu.memory_space<vmem>>, vector<16xf32>,
          tpu.vector_store %arg8[%parallel_loop3A_279, %parallel_loop3A_280, %parallel_loop3A_281], %parallel_loop3A_278 {strides = array<i32>} : memref<2x8x896xf32, #tpu.memory_space<vmem>>, vector<16xf32>,
          %parallel_loop3A_283 = tpu.vector_load_idx %arg6[%parallel_loop3A_277] : memref<50400xf32, #tpu.memory_space<vmem>>[vector<16xi32>], vector<16xf32>,
          %parallel_loop3A_284 = arith.index_cast %rem3A_131 : i32 to index
          %parallel_loop3A_285 = arith.index_cast %parallel_loop3A_180 : i32 to index
          %parallel_loop3A_286 = arith.constant 144 : index
          %parallel_loop3A_287 = tpu.vector_load %arg8[%parallel_loop3A_284, %parallel_loop3A_285, %parallel_loop3A_286] {strides = array<i32>} : memref<2x8x896xf32, #tpu.memory_space<vmem>>, vector<16xf32>,
          tpu.vector_store %arg8[%parallel_loop3A_284, %parallel_loop3A_285, %parallel_loop3A_286], %parallel_loop3A_283 {strides = array<i32>} : memref<2x8x896xf32, #tpu.memory_space<vmem>>, vector<16xf32>,
          %parallel_loop3A_288 = arith.constant 80 : i32
          %parallel_loop3A_289 = arith.addi %parallel_loop3A_182, %parallel_loop3A_288 : i32
          %parallel_loop3A_290 = arith.index_cast %rem3A_131 : i32 to index
          %parallel_loop3A_291 = arith.index_cast %parallel_loop3A_289 : i32 to index
          %parallel_loop3A_292 = tpu.vector_load %arg7[%parallel_loop3A_290, %parallel_loop3A_291] {strides = array<i32>} : memref<2x3584xi32, #tpu.memory_space<vmem>>, vector<16xi32>,
          %parallel_loop3A_293 = arith.constant 65535 : i32
          %parallel_loop3A_294 = vector.broadcast %parallel_loop3A_293 : i32 to vector<16xi32>
          %parallel_loop3A_295 = arith.andi %parallel_loop3A_292, %parallel_loop3A_294 : vector<16xi32>
          %parallel_loop3A_296 = arith.constant 16 : i32
          %parallel_loop3A_297 = vector.broadcast %parallel_loop3A_296 : i32 to vector<16xi32>
          %parallel_loop3A_298 = arith.shrui %parallel_loop3A_292, %parallel_loop3A_297 : vector<16xi32>
          %parallel_loop3A_299 = tpu.vector_load_idx %arg6[%parallel_loop3A_295] : memref<50400xf32, #tpu.memory_space<vmem>>[vector<16xi32>], vector<16xf32>,
          %parallel_loop3A_300 = arith.index_cast %rem3A_131 : i32 to index
          %parallel_loop3A_301 = arith.index_cast %parallel_loop3A_180 : i32 to index
          %parallel_loop3A_302 = arith.constant 160 : index
          %parallel_loop3A_303 = tpu.vector_load %arg8[%parallel_loop3A_300, %parallel_loop3A_301, %parallel_loop3A_302] {strides = array<i32>} : memref<2x8x896xf32, #tpu.memory_space<vmem>>, vector<16xf32>,
          tpu.vector_store %arg8[%parallel_loop3A_300, %parallel_loop3A_301, %parallel_loop3A_302], %parallel_loop3A_299 {strides = array<i32>} : memref<2x8x896xf32, #tpu.memory_space<vmem>>, vector<16xf32>,
          %parallel_loop3A_304 = tpu.vector_load_idx %arg6[%parallel_loop3A_298] : memref<50400xf32, #tpu.memory_space<vmem>>[vector<16xi32>], vector<16xf32>,
          %parallel_loop3A_305 = arith.index_cast %rem3A_131 : i32 to index
          %parallel_loop3A_306 = arith.index_cast %parallel_loop3A_180 : i32 to index
          %parallel_loop3A_307 = arith.constant 176 : index
          %parallel_loop3A_308 = tpu.vector_load %arg8[%parallel_loop3A_305, %parallel_loop3A_306, %parallel_loop3A_307] {strides = array<i32>} : memref<2x8x896xf32, #tpu.memory_space<vmem>>, vector<16xf32>,
          tpu.vector_store %arg8[%parallel_loop3A_305, %parallel_loop3A_306, %parallel_loop3A_307], %parallel_loop3A_304 {strides = array<i32>} : memref<2x8x896xf32, #tpu.memory_space<vmem>>, vector<16xf32>,
          %parallel_loop3A_309 = arith.constant 96 : i32
          %parallel_loop3A_310 = arith.addi %parallel_loop3A_182, %parallel_loop3A_309 : i32
          %parallel_loop3A_311 = arith.index_cast %rem3A_131 : i32 to index
          %parallel_loop3A_312 = arith.index_cast %parallel_loop3A_310 : i32 to index
          %parallel_loop3A_313 = tpu.vector_load %arg7[%parallel_loop3A_311, %parallel_loop3A_312] {strides = array<i32>} : memref<2x3584xi32, #tpu.memory_space<vmem>>, vector<16xi32>,
          %parallel_loop3A_314 = arith.constant 65535 : i32
          %parallel_loop3A_315 = vector.broadcast %parallel_loop3A_314 : i32 to vector<16xi32>
          %parallel_loop3A_316 = arith.andi %parallel_loop3A_313, %parallel_loop3A_315 : vector<16xi32>
          %parallel_loop3A_317 = arith.constant 16 : i32
          %parallel_loop3A_318 = vector.broadcast %parallel_loop3A_317 : i32 to vector<16xi32>
          %parallel_loop3A_319 = arith.shrui %parallel_loop3A_313, %parallel_loop3A_318 : vector<16xi32>
          %parallel_loop3A_320 = tpu.vector_load_idx %arg6[%parallel_loop3A_316] : memref<50400xf32, #tpu.memory_space<vmem>>[vector<16xi32>], vector<16xf32>,
          %parallel_loop3A_321 = arith.index_cast %rem3A_131 : i32 to index
          %parallel_loop3A_322 = arith.index_cast %parallel_loop3A_180 : i32 to index
          %parallel_loop3A_323 = arith.constant 192 : index
          %parallel_loop3A_324 = tpu.vector_load %arg8[%parallel_loop3A_321, %parallel_loop3A_322, %parallel_loop3A_323] {strides = array<i32>} : memref<2x8x896xf32, #tpu.memory_space<vmem>>, vector<16xf32>,
          tpu.vector_store %arg8[%parallel_loop3A_321, %parallel_loop3A_322, %parallel_loop3A_323], %parallel_loop3A_320 {strides = array<i32>} : memref<2x8x896xf32, #tpu.memory_space<vmem>>, vector<16xf32>,
          %parallel_loop3A_325 = tpu.vector_load_idx %arg6[%parallel_loop3A_319] : memref<50400xf32, #tpu.memory_space<vmem>>[vector<16xi32>], vector<16xf32>,
          %parallel_loop3A_326 = arith.index_cast %rem3A_131 : i32 to index
          %parallel_loop3A_327 = arith.index_cast %parallel_loop3A_180 : i32 to index
          %parallel_loop3A_328 = arith.constant 208 : index
          %parallel_loop3A_329 = tpu.vector_load %arg8[%parallel_loop3A_326, %parallel_loop3A_327, %parallel_loop3A_328] {strides = array<i32>} : memref<2x8x896xf32, #tpu.memory_space<vmem>>, vector<16xf32>,
          tpu.vector_store %arg8[%parallel_loop3A_326, %parallel_loop3A_327, %parallel_loop3A_328], %parallel_loop3A_325 {strides = array<i32>} : memref<2x8x896xf32, #tpu.memory_space<vmem>>, vector<16xf32>,
          %parallel_loop3A_330 = arith.constant 112 : i32
          %parallel_loop3A_331 = arith.addi %parallel_loop3A_182, %parallel_loop3A_330 : i32
          %parallel_loop3A_332 = arith.index_cast %rem3A_131 : i32 to index
          %parallel_loop3A_333 = arith.index_cast %parallel_loop3A_331 : i32 to index
          %parallel_loop3A_334 = tpu.vector_load %arg7[%parallel_loop3A_332, %parallel_loop3A_333] {strides = array<i32>} : memref<2x3584xi32, #tpu.memory_space<vmem>>, vector<16xi32>,
          %parallel_loop3A_335 = arith.constant 65535 : i32
          %parallel_loop3A_336 = vector.broadcast %parallel_loop3A_335 : i32 to vector<16xi32>
          %parallel_loop3A_337 = arith.andi %parallel_loop3A_334, %parallel_loop3A_336 : vector<16xi32>
          %parallel_loop3A_338 = arith.constant 16 : i32
          %parallel_loop3A_339 = vector.broadcast %parallel_loop3A_338 : i32 to vector<16xi32>
          %parallel_loop3A_340 = arith.shrui %parallel_loop3A_334, %parallel_loop3A_339 : vector<16xi32>
          %parallel_loop3A_341 = tpu.vector_load_idx %arg6[%parallel_loop3A_337] : memref<50400xf32, #tpu.memory_space<vmem>>[vector<16xi32>], vector<16xf32>,
          %parallel_loop3A_342 = arith.index_cast %rem3A_131 : i32 to index
          %parallel_loop3A_343 = arith.index_cast %parallel_loop3A_180 : i32 to index
          %parallel_loop3A_344 = arith.constant 224 : index
          %parallel_loop3A_345 = tpu.vector_load %arg8[%parallel_loop3A_342, %parallel_loop3A_343, %parallel_loop3A_344] {strides = array<i32>} : memref<2x8x896xf32, #tpu.memory_space<vmem>>, vector<16xf32>,
          tpu.vector_store %arg8[%parallel_loop3A_342, %parallel_loop3A_343, %parallel_loop3A_344], %parallel_loop3A_341 {strides = array<i32>} : memref<2x8x896xf32, #tpu.memory_space<vmem>>, vector<16xf32>,
          %parallel_loop3A_346 = tpu.vector_load_idx %arg6[%parallel_loop3A_340] : memref<50400xf32, #tpu.memory_space<vmem>>[vector<16xi32>], vector<16xf32>,
          %parallel_loop3A_347 = arith.index_cast %rem3A_131 : i32 to index
          %parallel_loop3A_348 = arith.index_cast %parallel_loop3A_180 : i32 to index
          %parallel_loop3A_349 = arith.constant 240 : index
          %parallel_loop3A_350 = tpu.vector_load %arg8[%parallel_loop3A_347, %parallel_loop3A_348, %parallel_loop3A_349] {strides = array<i32>} : memref<2x8x896xf32, #tpu.memory_space<vmem>>, vector<16xf32>,
          tpu.vector_store %arg8[%parallel_loop3A_347, %parallel_loop3A_348, %parallel_loop3A_349], %parallel_loop3A_346 {strides = array<i32>} : memref<2x8x896xf32, #tpu.memory_space<vmem>>, vector<16xf32>,
          %parallel_loop3A_351 = arith.constant 128 : i32
          %parallel_loop3A_352 = arith.addi %parallel_loop3A_182, %parallel_loop3A_351 : i32
          %parallel_loop3A_353 = arith.index_cast %rem3A_131 : i32 to index
          %parallel_loop3A_354 = arith.index_cast %parallel_loop3A_352 : i32 to index
          %parallel_loop3A_355 = tpu.vector_load %arg7[%parallel_loop3A_353, %parallel_loop3A_354] {strides = array<i32>} : memref<2x3584xi32, #tpu.memory_space<vmem>>, vector<16xi32>,
          %parallel_loop3A_356 = arith.constant 65535 : i32
          %parallel_loop3A_357 = vector.broadcast %parallel_loop3A_356 : i32 to vector<16xi32>
          %parallel_loop3A_358 = arith.andi %parallel_loop3A_355, %parallel_loop3A_357 : vector<16xi32>
          %parallel_loop3A_359 = arith.constant 16 : i32
          %parallel_loop3A_360 = vector.broadcast %parallel_loop3A_359 : i32 to vector<16xi32>
          %parallel_loop3A_361 = arith.shrui %parallel_loop3A_355, %parallel_loop3A_360 : vector<16xi32>
          %parallel_loop3A_362 = tpu.vector_load_idx %arg6[%parallel_loop3A_358] : memref<50400xf32, #tpu.memory_space<vmem>>[vector<16xi32>], vector<16xf32>,
          %parallel_loop3A_363 = arith.index_cast %rem3A_131 : i32 to index
          %parallel_loop3A_364 = arith.index_cast %parallel_loop3A_180 : i32 to index
          %parallel_loop3A_365 = arith.constant 256 : index
          %parallel_loop3A_366 = tpu.vector_load %arg8[%parallel_loop3A_363, %parallel_loop3A_364, %parallel_loop3A_365] {strides = array<i32>} : memref<2x8x896xf32, #tpu.memory_space<vmem>>, vector<16xf32>,
          tpu.vector_store %arg8[%parallel_loop3A_363, %parallel_loop3A_364, %parallel_loop3A_365], %parallel_loop3A_362 {strides = array<i32>} : memref<2x8x896xf32, #tpu.memory_space<vmem>>, vector<16xf32>,
          %parallel_loop3A_367 = tpu.vector_load_idx %arg6[%parallel_loop3A_361] : memref<50400xf32, #tpu.memory_space<vmem>>[vector<16xi32>], vector<16xf32>,
          %parallel_loop3A_368 = arith.index_cast %rem3A_131 : i32 to index
          %parallel_loop3A_369 = arith.index_cast %parallel_loop3A_180 : i32 to index
          %parallel_loop3A_370 = arith.constant 272 : index
          %parallel_loop3A_371 = tpu.vector_load %arg8[%parallel_loop3A_368, %parallel_loop3A_369, %parallel_loop3A_370] {strides = array<i32>} : memref<2x8x896xf32, #tpu.memory_space<vmem>>, vector<16xf32>,
          tpu.vector_store %arg8[%parallel_loop3A_368, %parallel_loop3A_369, %parallel_loop3A_370], %parallel_loop3A_367 {strides = array<i32>} : memref<2x8x896xf32, #tpu.memory_space<vmem>>, vector<16xf32>,
          %parallel_loop3A_372 = arith.constant 144 : i32
          %parallel_loop3A_373 = arith.addi %parallel_loop3A_182, %parallel_loop3A_372 : i32
          %parallel_loop3A_374 = arith.index_cast %rem3A_131 : i32 to index
          %parallel_loop3A_375 = arith.index_cast %parallel_loop3A_373 : i32 to index
          %parallel_loop3A_376 = tpu.vector_load %arg7[%parallel_loop3A_374, %parallel_loop3A_375] {strides = array<i32>} : memref<2x3584xi32, #tpu.memory_space<vmem>>, vector<16xi32>,
          %parallel_loop3A_377 = arith.constant 65535 : i32
          %parallel_loop3A_378 = vector.broadcast %parallel_loop3A_377 : i32 to vector<16xi32>
          %parallel_loop3A_379 = arith.andi %parallel_loop3A_376, %parallel_loop3A_378 : vector<16xi32>
          %parallel_loop3A_380 = arith.constant 16 : i32
          %parallel_loop3A_381 = vector.broadcast %parallel_loop3A_380 : i32 to vector<16xi32>
          %parallel_loop3A_382 = arith.shrui %parallel_loop3A_376, %parallel_loop3A_381 : vector<16xi32>
          %parallel_loop3A_383 = tpu.vector_load_idx %arg6[%parallel_loop3A_379] : memref<50400xf32, #tpu.memory_space<vmem>>[vector<16xi32>], vector<16xf32>,
          %parallel_loop3A_384 = arith.index_cast %rem3A_131 : i32 to index
          %parallel_loop3A_385 = arith.index_cast %parallel_loop3A_180 : i32 to index
          %parallel_loop3A_386 = arith.constant 288 : index
          %parallel_loop3A_387 = tpu.vector_load %arg8[%parallel_loop3A_384, %parallel_loop3A_385, %parallel_loop3A_386] {strides = array<i32>} : memref<2x8x896xf32, #tpu.memory_space<vmem>>, vector<16xf32>,
          tpu.vector_store %arg8[%parallel_loop3A_384, %parallel_loop3A_385, %parallel_loop3A_386], %parallel_loop3A_383 {strides = array<i32>} : memref<2x8x896xf32, #tpu.memory_space<vmem>>, vector<16xf32>,
          %parallel_loop3A_388 = tpu.vector_load_idx %arg6[%parallel_loop3A_382] : memref<50400xf32, #tpu.memory_space<vmem>>[vector<16xi32>], vector<16xf32>,
          %parallel_loop3A_389 = arith.index_cast %rem3A_131 : i32 to index
          %parallel_loop3A_390 = arith.index_cast %parallel_loop3A_180 : i32 to index
          %parallel_loop3A_391 = arith.constant 304 : index
          %parallel_loop3A_392 = tpu.vector_load %arg8[%parallel_loop3A_389, %parallel_loop3A_390, %parallel_loop3A_391] {strides = array<i32>} : memref<2x8x896xf32, #tpu.memory_space<vmem>>, vector<16xf32>,
          tpu.vector_store %arg8[%parallel_loop3A_389, %parallel_loop3A_390, %parallel_loop3A_391], %parallel_loop3A_388 {strides = array<i32>} : memref<2x8x896xf32, #tpu.memory_space<vmem>>, vector<16xf32>,
          %parallel_loop3A_393 = arith.constant 160 : i32
          %parallel_loop3A_394 = arith.addi %parallel_loop3A_182, %parallel_loop3A_393 : i32
          %parallel_loop3A_395 = arith.index_cast %rem3A_131 : i32 to index
          %parallel_loop3A_396 = arith.index_cast %parallel_loop3A_394 : i32 to index
          %parallel_loop3A_397 = tpu.vector_load %arg7[%parallel_loop3A_395, %parallel_loop3A_396] {strides = array<i32>} : memref<2x3584xi32, #tpu.memory_space<vmem>>, vector<16xi32>,
          %parallel_loop3A_398 = arith.constant 65535 : i32
          %parallel_loop3A_399 = vector.broadcast %parallel_loop3A_398 : i32 to vector<16xi32>
          %parallel_loop3A_400 = arith.andi %parallel_loop3A_397, %parallel_loop3A_399 : vector<16xi32>
          %parallel_loop3A_401 = arith.constant 16 : i32
          %parallel_loop3A_402 = vector.broadcast %parallel_loop3A_401 : i32 to vector<16xi32>
          %parallel_loop3A_403 = arith.shrui %parallel_loop3A_397, %parallel_loop3A_402 : vector<16xi32>
          %parallel_loop3A_404 = tpu.vector_load_idx %arg6[%parallel_loop3A_400] : memref<50400xf32, #tpu.memory_space<vmem>>[vector<16xi32>], vector<16xf32>,
          %parallel_loop3A_405 = arith.index_cast %rem3A_131 : i32 to index
          %parallel_loop3A_406 = arith.index_cast %parallel_loop3A_180 : i32 to index
          %parallel_loop3A_407 = arith.constant 320 : index
          %parallel_loop3A_408 = tpu.vector_load %arg8[%parallel_loop3A_405, %parallel_loop3A_406, %parallel_loop3A_407] {strides = array<i32>} : memref<2x8x896xf32, #tpu.memory_space<vmem>>, vector<16xf32>,
          tpu.vector_store %arg8[%parallel_loop3A_405, %parallel_loop3A_406, %parallel_loop3A_407], %parallel_loop3A_404 {strides = array<i32>} : memref<2x8x896xf32, #tpu.memory_space<vmem>>, vector<16xf32>,
          %parallel_loop3A_409 = tpu.vector_load_idx %arg6[%parallel_loop3A_403] : memref<50400xf32, #tpu.memory_space<vmem>>[vector<16xi32>], vector<16xf32>,
          %parallel_loop3A_410 = arith.index_cast %rem3A_131 : i32 to index
          %parallel_loop3A_411 = arith.index_cast %parallel_loop3A_180 : i32 to index
          %parallel_loop3A_412 = arith.constant 336 : index
          %parallel_loop3A_413 = tpu.vector_load %arg8[%parallel_loop3A_410, %parallel_loop3A_411, %parallel_loop3A_412] {strides = array<i32>} : memref<2x8x896xf32, #tpu.memory_space<vmem>>, vector<16xf32>,
          tpu.vector_store %arg8[%parallel_loop3A_410, %parallel_loop3A_411, %parallel_loop3A_412], %parallel_loop3A_409 {strides = array<i32>} : memref<2x8x896xf32, #tpu.memory_space<vmem>>, vector<16xf32>,
          %parallel_loop3A_414 = arith.constant 176 : i32
          %parallel_loop3A_415 = arith.addi %parallel_loop3A_182, %parallel_loop3A_414 : i32
          %parallel_loop3A_416 = arith.index_cast %rem3A_131 : i32 to index
          %parallel_loop3A_417 = arith.index_cast %parallel_loop3A_415 : i32 to index
          %parallel_loop3A_418 = tpu.vector_load %arg7[%parallel_loop3A_416, %parallel_loop3A_417] {strides = array<i32>} : memref<2x3584xi32, #tpu.memory_space<vmem>>, vector<16xi32>,
          %parallel_loop3A_419 = arith.constant 65535 : i32
          %parallel_loop3A_420 = vector.broadcast %parallel_loop3A_419 : i32 to vector<16xi32>
          %parallel_loop3A_421 = arith.andi %parallel_loop3A_418, %parallel_loop3A_420 : vector<16xi32>
          %parallel_loop3A_422 = arith.constant 16 : i32
          %parallel_loop3A_423 = vector.broadcast %parallel_loop3A_422 : i32 to vector<16xi32>
          %parallel_loop3A_424 = arith.shrui %parallel_loop3A_418, %parallel_loop3A_423 : vector<16xi32>
          %parallel_loop3A_425 = tpu.vector_load_idx %arg6[%parallel_loop3A_421] : memref<50400xf32, #tpu.memory_space<vmem>>[vector<16xi32>], vector<16xf32>,
          %parallel_loop3A_426 = arith.index_cast %rem3A_131 : i32 to index
          %parallel_loop3A_427 = arith.index_cast %parallel_loop3A_180 : i32 to index
          %parallel_loop3A_428 = arith.constant 352 : index
          %parallel_loop3A_429 = tpu.vector_load %arg8[%parallel_loop3A_426, %parallel_loop3A_427, %parallel_loop3A_428] {strides = array<i32>} : memref<2x8x896xf32, #tpu.memory_space<vmem>>, vector<16xf32>,
          tpu.vector_store %arg8[%parallel_loop3A_426, %parallel_loop3A_427, %parallel_loop3A_428], %parallel_loop3A_425 {strides = array<i32>} : memref<2x8x896xf32, #tpu.memory_space<vmem>>, vector<16xf32>,
          %parallel_loop3A_430 = tpu.vector_load_idx %arg6[%parallel_loop3A_424] : memref<50400xf32, #tpu.memory_space<vmem>>[vector<16xi32>], vector<16xf32>,
          %parallel_loop3A_431 = arith.index_cast %rem3A_131 : i32 to index
          %parallel_loop3A_432 = arith.index_cast %parallel_loop3A_180 : i32 to index
          %parallel_loop3A_433 = arith.constant 368 : index
          %parallel_loop3A_434 = tpu.vector_load %arg8[%parallel_loop3A_431, %parallel_loop3A_432, %parallel_loop3A_433] {strides = array<i32>} : memref<2x8x896xf32, #tpu.memory_space<vmem>>, vector<16xf32>,
          tpu.vector_store %arg8[%parallel_loop3A_431, %parallel_loop3A_432, %parallel_loop3A_433], %parallel_loop3A_430 {strides = array<i32>} : memref<2x8x896xf32, #tpu.memory_space<vmem>>, vector<16xf32>,
          %parallel_loop3A_435 = arith.constant 192 : i32
          %parallel_loop3A_436 = arith.addi %parallel_loop3A_182, %parallel_loop3A_435 : i32
          %parallel_loop3A_437 = arith.index_cast %rem3A_131 : i32 to index
          %parallel_loop3A_438 = arith.index_cast %parallel_loop3A_436 : i32 to index
          %parallel_loop3A_439 = tpu.vector_load %arg7[%parallel_loop3A_437, %parallel_loop3A_438] {strides = array<i32>} : memref<2x3584xi32, #tpu.memory_space<vmem>>, vector<16xi32>,
          %parallel_loop3A_440 = arith.constant 65535 : i32
          %parallel_loop3A_441 = vector.broadcast %parallel_loop3A_440 : i32 to vector<16xi32>
          %parallel_loop3A_442 = arith.andi %parallel_loop3A_439, %parallel_loop3A_441 : vector<16xi32>
          %parallel_loop3A_443 = arith.constant 16 : i32
          %parallel_loop3A_444 = vector.broadcast %parallel_loop3A_443 : i32 to vector<16xi32>
          %parallel_loop3A_445 = arith.shrui %parallel_loop3A_439, %parallel_loop3A_444 : vector<16xi32>
          %parallel_loop3A_446 = tpu.vector_load_idx %arg6[%parallel_loop3A_442] : memref<50400xf32, #tpu.memory_space<vmem>>[vector<16xi32>], vector<16xf32>,
          %parallel_loop3A_447 = arith.index_cast %rem3A_131 : i32 to index
          %parallel_loop3A_448 = arith.index_cast %parallel_loop3A_180 : i32 to index
          %parallel_loop3A_449 = arith.constant 384 : index
          %parallel_loop3A_450 = tpu.vector_load %arg8[%parallel_loop3A_447, %parallel_loop3A_448, %parallel_loop3A_449] {strides = array<i32>} : memref<2x8x896xf32, #tpu.memory_space<vmem>>, vector<16xf32>,
          tpu.vector_store %arg8[%parallel_loop3A_447, %parallel_loop3A_448, %parallel_loop3A_449], %parallel_loop3A_446 {strides = array<i32>} : memref<2x8x896xf32, #tpu.memory_space<vmem>>, vector<16xf32>,
          %parallel_loop3A_451 = tpu.vector_load_idx %arg6[%parallel_loop3A_445] : memref<50400xf32, #tpu.memory_space<vmem>>[vector<16xi32>], vector<16xf32>,
          %parallel_loop3A_452 = arith.index_cast %rem3A_131 : i32 to index
          %parallel_loop3A_453 = arith.index_cast %parallel_loop3A_180 : i32 to index
          %parallel_loop3A_454 = arith.constant 400 : index
          %parallel_loop3A_455 = tpu.vector_load %arg8[%parallel_loop3A_452, %parallel_loop3A_453, %parallel_loop3A_454] {strides = array<i32>} : memref<2x8x896xf32, #tpu.memory_space<vmem>>, vector<16xf32>,
          tpu.vector_store %arg8[%parallel_loop3A_452, %parallel_loop3A_453, %parallel_loop3A_454], %parallel_loop3A_451 {strides = array<i32>} : memref<2x8x896xf32, #tpu.memory_space<vmem>>, vector<16xf32>,
          %parallel_loop3A_456 = arith.constant 208 : i32
          %parallel_loop3A_457 = arith.addi %parallel_loop3A_182, %parallel_loop3A_456 : i32
          %parallel_loop3A_458 = arith.index_cast %rem3A_131 : i32 to index
          %parallel_loop3A_459 = arith.index_cast %parallel_loop3A_457 : i32 to index
          %parallel_loop3A_460 = tpu.vector_load %arg7[%parallel_loop3A_458, %parallel_loop3A_459] {strides = array<i32>} : memref<2x3584xi32, #tpu.memory_space<vmem>>, vector<16xi32>,
          %parallel_loop3A_461 = arith.constant 65535 : i32
          %parallel_loop3A_462 = vector.broadcast %parallel_loop3A_461 : i32 to vector<16xi32>
          %parallel_loop3A_463 = arith.andi %parallel_loop3A_460, %parallel_loop3A_462 : vector<16xi32>
          %parallel_loop3A_464 = arith.constant 16 : i32
          %parallel_loop3A_465 = vector.broadcast %parallel_loop3A_464 : i32 to vector<16xi32>
          %parallel_loop3A_466 = arith.shrui %parallel_loop3A_460, %parallel_loop3A_465 : vector<16xi32>
          %parallel_loop3A_467 = tpu.vector_load_idx %arg6[%parallel_loop3A_463] : memref<50400xf32, #tpu.memory_space<vmem>>[vector<16xi32>], vector<16xf32>,
          %parallel_loop3A_468 = arith.index_cast %rem3A_131 : i32 to index
          %parallel_loop3A_469 = arith.index_cast %parallel_loop3A_180 : i32 to index
          %parallel_loop3A_470 = arith.constant 416 : index
          %parallel_loop3A_471 = tpu.vector_load %arg8[%parallel_loop3A_468, %parallel_loop3A_469, %parallel_loop3A_470] {strides = array<i32>} : memref<2x8x896xf32, #tpu.memory_space<vmem>>, vector<16xf32>,
          tpu.vector_store %arg8[%parallel_loop3A_468, %parallel_loop3A_469, %parallel_loop3A_470], %parallel_loop3A_467 {strides = array<i32>} : memref<2x8x896xf32, #tpu.memory_space<vmem>>, vector<16xf32>,
          %parallel_loop3A_472 = tpu.vector_load_idx %arg6[%parallel_loop3A_466] : memref<50400xf32, #tpu.memory_space<vmem>>[vector<16xi32>], vector<16xf32>,
          %parallel_loop3A_473 = arith.index_cast %rem3A_131 : i32 to index
          %parallel_loop3A_474 = arith.index_cast %parallel_loop3A_180 : i32 to index
          %parallel_loop3A_475 = arith.constant 432 : index
          %parallel_loop3A_476 = tpu.vector_load %arg8[%parallel_loop3A_473, %parallel_loop3A_474, %parallel_loop3A_475] {strides = array<i32>} : memref<2x8x896xf32, #tpu.memory_space<vmem>>, vector<16xf32>,
          tpu.vector_store %arg8[%parallel_loop3A_473, %parallel_loop3A_474, %parallel_loop3A_475], %parallel_loop3A_472 {strides = array<i32>} : memref<2x8x896xf32, #tpu.memory_space<vmem>>, vector<16xf32>,
          %parallel_loop3A_477 = arith.constant 224 : i32
          %parallel_loop3A_478 = arith.addi %parallel_loop3A_182, %parallel_loop3A_477 : i32
          %parallel_loop3A_479 = arith.index_cast %rem3A_131 : i32 to index
          %parallel_loop3A_480 = arith.index_cast %parallel_loop3A_478 : i32 to index
          %parallel_loop3A_481 = tpu.vector_load %arg7[%parallel_loop3A_479, %parallel_loop3A_480] {strides = array<i32>} : memref<2x3584xi32, #tpu.memory_space<vmem>>, vector<16xi32>,
          %parallel_loop3A_482 = arith.constant 65535 : i32
          %parallel_loop3A_483 = vector.broadcast %parallel_loop3A_482 : i32 to vector<16xi32>
          %parallel_loop3A_484 = arith.andi %parallel_loop3A_481, %parallel_loop3A_483 : vector<16xi32>
          %parallel_loop3A_485 = arith.constant 16 : i32
          %parallel_loop3A_486 = vector.broadcast %parallel_loop3A_485 : i32 to vector<16xi32>
          %parallel_loop3A_487 = arith.shrui %parallel_loop3A_481, %parallel_loop3A_486 : vector<16xi32>
          %parallel_loop3A_488 = tpu.vector_load_idx %arg6[%parallel_loop3A_484] : memref<50400xf32, #tpu.memory_space<vmem>>[vector<16xi32>], vector<16xf32>,
          %parallel_loop3A_489 = arith.index_cast %rem3A_131 : i32 to index
          %parallel_loop3A_490 = arith.index_cast %parallel_loop3A_180 : i32 to index
          %parallel_loop3A_491 = arith.constant 448 : index
          %parallel_loop3A_492 = tpu.vector_load %arg8[%parallel_loop3A_489, %parallel_loop3A_490, %parallel_loop3A_491] {strides = array<i32>} : memref<2x8x896xf32, #tpu.memory_space<vmem>>, vector<16xf32>,
          tpu.vector_store %arg8[%parallel_loop3A_489, %parallel_loop3A_490, %parallel_loop3A_491], %parallel_loop3A_488 {strides = array<i32>} : memref<2x8x896xf32, #tpu.memory_space<vmem>>, vector<16xf32>,
          %parallel_loop3A_493 = tpu.vector_load_idx %arg6[%parallel_loop3A_487] : memref<50400xf32, #tpu.memory_space<vmem>>[vector<16xi32>], vector<16xf32>,
          %parallel_loop3A_494 = arith.index_cast %rem3A_131 : i32 to index
          %parallel_loop3A_495 = arith.index_cast %parallel_loop3A_180 : i32 to index
          %parallel_loop3A_496 = arith.constant 464 : index
          %parallel_loop3A_497 = tpu.vector_load %arg8[%parallel_loop3A_494, %parallel_loop3A_495, %parallel_loop3A_496] {strides = array<i32>} : memref<2x8x896xf32, #tpu.memory_space<vmem>>, vector<16xf32>,
          tpu.vector_store %arg8[%parallel_loop3A_494, %parallel_loop3A_495, %parallel_loop3A_496], %parallel_loop3A_493 {strides = array<i32>} : memref<2x8x896xf32, #tpu.memory_space<vmem>>, vector<16xf32>,
          %parallel_loop3A_498 = arith.constant 240 : i32
          %parallel_loop3A_499 = arith.addi %parallel_loop3A_182, %parallel_loop3A_498 : i32
          %parallel_loop3A_500 = arith.index_cast %rem3A_131 : i32 to index
          %parallel_loop3A_501 = arith.index_cast %parallel_loop3A_499 : i32 to index
          %parallel_loop3A_502 = tpu.vector_load %arg7[%parallel_loop3A_500, %parallel_loop3A_501] {strides = array<i32>} : memref<2x3584xi32, #tpu.memory_space<vmem>>, vector<16xi32>,
          %parallel_loop3A_503 = arith.constant 65535 : i32
          %parallel_loop3A_504 = vector.broadcast %parallel_loop3A_503 : i32 to vector<16xi32>
          %parallel_loop3A_505 = arith.andi %parallel_loop3A_502, %parallel_loop3A_504 : vector<16xi32>
          %parallel_loop3A_506 = arith.constant 16 : i32
          %parallel_loop3A_507 = vector.broadcast %parallel_loop3A_506 : i32 to vector<16xi32>
          %parallel_loop3A_508 = arith.shrui %parallel_loop3A_502, %parallel_loop3A_507 : vector<16xi32>
          %parallel_loop3A_509 = tpu.vector_load_idx %arg6[%parallel_loop3A_505] : memref<50400xf32, #tpu.memory_space<vmem>>[vector<16xi32>], vector<16xf32>,
          %parallel_loop3A_510 = arith.index_cast %rem3A_131 : i32 to index
          %parallel_loop3A_511 = arith.index_cast %parallel_loop3A_180 : i32 to index
          %parallel_loop3A_512 = arith.constant 480 : index
          %parallel_loop3A_513 = tpu.vector_load %arg8[%parallel_loop3A_510, %parallel_loop3A_511, %parallel_loop3A_512] {strides = array<i32>} : memref<2x8x896xf32, #tpu.memory_space<vmem>>, vector<16xf32>,
          tpu.vector_store %arg8[%parallel_loop3A_510, %parallel_loop3A_511, %parallel_loop3A_512], %parallel_loop3A_509 {strides = array<i32>} : memref<2x8x896xf32, #tpu.memory_space<vmem>>, vector<16xf32>,
          %parallel_loop3A_514 = tpu.vector_load_idx %arg6[%parallel_loop3A_508] : memref<50400xf32, #tpu.memory_space<vmem>>[vector<16xi32>], vector<16xf32>,
          %parallel_loop3A_515 = arith.index_cast %rem3A_131 : i32 to index
          %parallel_loop3A_516 = arith.index_cast %parallel_loop3A_180 : i32 to index
          %parallel_loop3A_517 = arith.constant 496 : index
          %parallel_loop3A_518 = tpu.vector_load %arg8[%parallel_loop3A_515, %parallel_loop3A_516, %parallel_loop3A_517] {strides = array<i32>} : memref<2x8x896xf32, #tpu.memory_space<vmem>>, vector<16xf32>,
          tpu.vector_store %arg8[%parallel_loop3A_515, %parallel_loop3A_516, %parallel_loop3A_517], %parallel_loop3A_514 {strides = array<i32>} : memref<2x8x896xf32, #tpu.memory_space<vmem>>, vector<16xf32>,
          %parallel_loop3A_519 = arith.constant 256 : i32
          %parallel_loop3A_520 = arith.addi %parallel_loop3A_182, %parallel_loop3A_519 : i32
          %parallel_loop3A_521 = arith.index_cast %rem3A_131 : i32 to index
          %parallel_loop3A_522 = arith.index_cast %parallel_loop3A_520 : i32 to index
          %parallel_loop3A_523 = tpu.vector_load %arg7[%parallel_loop3A_521, %parallel_loop3A_522] {strides = array<i32>} : memref<2x3584xi32, #tpu.memory_space<vmem>>, vector<16xi32>,
          %parallel_loop3A_524 = arith.constant 65535 : i32
          %parallel_loop3A_525 = vector.broadcast %parallel_loop3A_524 : i32 to vector<16xi32>
          %parallel_loop3A_526 = arith.andi %parallel_loop3A_523, %parallel_loop3A_525 : vector<16xi32>
          %parallel_loop3A_527 = arith.constant 16 : i32
          %parallel_loop3A_528 = vector.broadcast %parallel_loop3A_527 : i32 to vector<16xi32>
          %parallel_loop3A_529 = arith.shrui %parallel_loop3A_523, %parallel_loop3A_528 : vector<16xi32>
          %parallel_loop3A_530 = tpu.vector_load_idx %arg6[%parallel_loop3A_526] : memref<50400xf32, #tpu.memory_space<vmem>>[vector<16xi32>], vector<16xf32>,
          %parallel_loop3A_531 = arith.index_cast %rem3A_131 : i32 to index
          %parallel_loop3A_532 = arith.index_cast %parallel_loop3A_180 : i32 to index
          %parallel_loop3A_533 = arith.constant 512 : index
          %parallel_loop3A_534 = tpu.vector_load %arg8[%parallel_loop3A_531, %parallel_loop3A_532, %parallel_loop3A_533] {strides = array<i32>} : memref<2x8x896xf32, #tpu.memory_space<vmem>>, vector<16xf32>,
          tpu.vector_store %arg8[%parallel_loop3A_531, %parallel_loop3A_532, %parallel_loop3A_533], %parallel_loop3A_530 {strides = array<i32>} : memref<2x8x896xf32, #tpu.memory_space<vmem>>, vector<16xf32>,
          %parallel_loop3A_535 = tpu.vector_load_idx %arg6[%parallel_loop3A_529] : memref<50400xf32, #tpu.memory_space<vmem>>[vector<16xi32>], vector<16xf32>,
          %parallel_loop3A_536 = arith.index_cast %rem3A_131 : i32 to index
          %parallel_loop3A_537 = arith.index_cast %parallel_loop3A_180 : i32 to index
          %parallel_loop3A_538 = arith.constant 528 : index
          %parallel_loop3A_539 = tpu.vector_load %arg8[%parallel_loop3A_536, %parallel_loop3A_537, %parallel_loop3A_538] {strides = array<i32>} : memref<2x8x896xf32, #tpu.memory_space<vmem>>, vector<16xf32>,
          tpu.vector_store %arg8[%parallel_loop3A_536, %parallel_loop3A_537, %parallel_loop3A_538], %parallel_loop3A_535 {strides = array<i32>} : memref<2x8x896xf32, #tpu.memory_space<vmem>>, vector<16xf32>,
          %parallel_loop3A_540 = arith.constant 272 : i32
          %parallel_loop3A_541 = arith.addi %parallel_loop3A_182, %parallel_loop3A_540 : i32
          %parallel_loop3A_542 = arith.index_cast %rem3A_131 : i32 to index
          %parallel_loop3A_543 = arith.index_cast %parallel_loop3A_541 : i32 to index
          %parallel_loop3A_544 = tpu.vector_load %arg7[%parallel_loop3A_542, %parallel_loop3A_543] {strides = array<i32>} : memref<2x3584xi32, #tpu.memory_space<vmem>>, vector<16xi32>,
          %parallel_loop3A_545 = arith.constant 65535 : i32
          %parallel_loop3A_546 = vector.broadcast %parallel_loop3A_545 : i32 to vector<16xi32>
          %parallel_loop3A_547 = arith.andi %parallel_loop3A_544, %parallel_loop3A_546 : vector<16xi32>
          %parallel_loop3A_548 = arith.constant 16 : i32
          %parallel_loop3A_549 = vector.broadcast %parallel_loop3A_548 : i32 to vector<16xi32>
          %parallel_loop3A_550 = arith.shrui %parallel_loop3A_544, %parallel_loop3A_549 : vector<16xi32>
          %parallel_loop3A_551 = tpu.vector_load_idx %arg6[%parallel_loop3A_547] : memref<50400xf32, #tpu.memory_space<vmem>>[vector<16xi32>], vector<16xf32>,
          %parallel_loop3A_552 = arith.index_cast %rem3A_131 : i32 to index
          %parallel_loop3A_553 = arith.index_cast %parallel_loop3A_180 : i32 to index
          %parallel_loop3A_554 = arith.constant 544 : index
          %parallel_loop3A_555 = tpu.vector_load %arg8[%parallel_loop3A_552, %parallel_loop3A_553, %parallel_loop3A_554] {strides = array<i32>} : memref<2x8x896xf32, #tpu.memory_space<vmem>>, vector<16xf32>,
          tpu.vector_store %arg8[%parallel_loop3A_552, %parallel_loop3A_553, %parallel_loop3A_554], %parallel_loop3A_551 {strides = array<i32>} : memref<2x8x896xf32, #tpu.memory_space<vmem>>, vector<16xf32>,
          %parallel_loop3A_556 = tpu.vector_load_idx %arg6[%parallel_loop3A_550] : memref<50400xf32, #tpu.memory_space<vmem>>[vector<16xi32>], vector<16xf32>,
          %parallel_loop3A_557 = arith.index_cast %rem3A_131 : i32 to index
          %parallel_loop3A_558 = arith.index_cast %parallel_loop3A_180 : i32 to index
          %parallel_loop3A_559 = arith.constant 560 : index
          %parallel_loop3A_560 = tpu.vector_load %arg8[%parallel_loop3A_557, %parallel_loop3A_558, %parallel_loop3A_559] {strides = array<i32>} : memref<2x8x896xf32, #tpu.memory_space<vmem>>, vector<16xf32>,
          tpu.vector_store %arg8[%parallel_loop3A_557, %parallel_loop3A_558, %parallel_loop3A_559], %parallel_loop3A_556 {strides = array<i32>} : memref<2x8x896xf32, #tpu.memory_space<vmem>>, vector<16xf32>,
          %parallel_loop3A_561 = arith.constant 288 : i32
          %parallel_loop3A_562 = arith.addi %parallel_loop3A_182, %parallel_loop3A_561 : i32
          %parallel_loop3A_563 = arith.index_cast %rem3A_131 : i32 to index
          %parallel_loop3A_564 = arith.index_cast %parallel_loop3A_562 : i32 to index
          %parallel_loop3A_565 = tpu.vector_load %arg7[%parallel_loop3A_563, %parallel_loop3A_564] {strides = array<i32>} : memref<2x3584xi32, #tpu.memory_space<vmem>>, vector<16xi32>,
          %parallel_loop3A_566 = arith.constant 65535 : i32
          %parallel_loop3A_567 = vector.broadcast %parallel_loop3A_566 : i32 to vector<16xi32>
          %parallel_loop3A_568 = arith.andi %parallel_loop3A_565, %parallel_loop3A_567 : vector<16xi32>
          %parallel_loop3A_569 = arith.constant 16 : i32
          %parallel_loop3A_570 = vector.broadcast %parallel_loop3A_569 : i32 to vector<16xi32>
          %parallel_loop3A_571 = arith.shrui %parallel_loop3A_565, %parallel_loop3A_570 : vector<16xi32>
          %parallel_loop3A_572 = tpu.vector_load_idx %arg6[%parallel_loop3A_568] : memref<50400xf32, #tpu.memory_space<vmem>>[vector<16xi32>], vector<16xf32>,
          %parallel_loop3A_573 = arith.index_cast %rem3A_131 : i32 to index
          %parallel_loop3A_574 = arith.index_cast %parallel_loop3A_180 : i32 to index
          %parallel_loop3A_575 = arith.constant 576 : index
          %parallel_loop3A_576 = tpu.vector_load %arg8[%parallel_loop3A_573, %parallel_loop3A_574, %parallel_loop3A_575] {strides = array<i32>} : memref<2x8x896xf32, #tpu.memory_space<vmem>>, vector<16xf32>,
          tpu.vector_store %arg8[%parallel_loop3A_573, %parallel_loop3A_574, %parallel_loop3A_575], %parallel_loop3A_572 {strides = array<i32>} : memref<2x8x896xf32, #tpu.memory_space<vmem>>, vector<16xf32>,
          %parallel_loop3A_577 = tpu.vector_load_idx %arg6[%parallel_loop3A_571] : memref<50400xf32, #tpu.memory_space<vmem>>[vector<16xi32>], vector<16xf32>,
          %parallel_loop3A_578 = arith.index_cast %rem3A_131 : i32 to index
          %parallel_loop3A_579 = arith.index_cast %parallel_loop3A_180 : i32 to index
          %parallel_loop3A_580 = arith.constant 592 : index
          %parallel_loop3A_581 = tpu.vector_load %arg8[%parallel_loop3A_578, %parallel_loop3A_579, %parallel_loop3A_580] {strides = array<i32>} : memref<2x8x896xf32, #tpu.memory_space<vmem>>, vector<16xf32>,
          tpu.vector_store %arg8[%parallel_loop3A_578, %parallel_loop3A_579, %parallel_loop3A_580], %parallel_loop3A_577 {strides = array<i32>} : memref<2x8x896xf32, #tpu.memory_space<vmem>>, vector<16xf32>,
          %parallel_loop3A_582 = arith.constant 304 : i32
          %parallel_loop3A_583 = arith.addi %parallel_loop3A_182, %parallel_loop3A_582 : i32
          %parallel_loop3A_584 = arith.index_cast %rem3A_131 : i32 to index
          %parallel_loop3A_585 = arith.index_cast %parallel_loop3A_583 : i32 to index
          %parallel_loop3A_586 = tpu.vector_load %arg7[%parallel_loop3A_584, %parallel_loop3A_585] {strides = array<i32>} : memref<2x3584xi32, #tpu.memory_space<vmem>>, vector<16xi32>,
          %parallel_loop3A_587 = arith.constant 65535 : i32
          %parallel_loop3A_588 = vector.broadcast %parallel_loop3A_587 : i32 to vector<16xi32>
          %parallel_loop3A_589 = arith.andi %parallel_loop3A_586, %parallel_loop3A_588 : vector<16xi32>
          %parallel_loop3A_590 = arith.constant 16 : i32
          %parallel_loop3A_591 = vector.broadcast %parallel_loop3A_590 : i32 to vector<16xi32>
          %parallel_loop3A_592 = arith.shrui %parallel_loop3A_586, %parallel_loop3A_591 : vector<16xi32>
          %parallel_loop3A_593 = tpu.vector_load_idx %arg6[%parallel_loop3A_589] : memref<50400xf32, #tpu.memory_space<vmem>>[vector<16xi32>], vector<16xf32>,
          %parallel_loop3A_594 = arith.index_cast %rem3A_131 : i32 to index
          %parallel_loop3A_595 = arith.index_cast %parallel_loop3A_180 : i32 to index
          %parallel_loop3A_596 = arith.constant 608 : index
          %parallel_loop3A_597 = tpu.vector_load %arg8[%parallel_loop3A_594, %parallel_loop3A_595, %parallel_loop3A_596] {strides = array<i32>} : memref<2x8x896xf32, #tpu.memory_space<vmem>>, vector<16xf32>,
          tpu.vector_store %arg8[%parallel_loop3A_594, %parallel_loop3A_595, %parallel_loop3A_596], %parallel_loop3A_593 {strides = array<i32>} : memref<2x8x896xf32, #tpu.memory_space<vmem>>, vector<16xf32>,
          %parallel_loop3A_598 = tpu.vector_load_idx %arg6[%parallel_loop3A_592] : memref<50400xf32, #tpu.memory_space<vmem>>[vector<16xi32>], vector<16xf32>,
          %parallel_loop3A_599 = arith.index_cast %rem3A_131 : i32 to index
          %parallel_loop3A_600 = arith.index_cast %parallel_loop3A_180 : i32 to index
          %parallel_loop3A_601 = arith.constant 624 : index
          %parallel_loop3A_602 = tpu.vector_load %arg8[%parallel_loop3A_599, %parallel_loop3A_600, %parallel_loop3A_601] {strides = array<i32>} : memref<2x8x896xf32, #tpu.memory_space<vmem>>, vector<16xf32>,
          tpu.vector_store %arg8[%parallel_loop3A_599, %parallel_loop3A_600, %parallel_loop3A_601], %parallel_loop3A_598 {strides = array<i32>} : memref<2x8x896xf32, #tpu.memory_space<vmem>>, vector<16xf32>,
          %parallel_loop3A_603 = arith.constant 320 : i32
          %parallel_loop3A_604 = arith.addi %parallel_loop3A_182, %parallel_loop3A_603 : i32
          %parallel_loop3A_605 = arith.index_cast %rem3A_131 : i32 to index
          %parallel_loop3A_606 = arith.index_cast %parallel_loop3A_604 : i32 to index
          %parallel_loop3A_607 = tpu.vector_load %arg7[%parallel_loop3A_605, %parallel_loop3A_606] {strides = array<i32>} : memref<2x3584xi32, #tpu.memory_space<vmem>>, vector<16xi32>,
          %parallel_loop3A_608 = arith.constant 65535 : i32
          %parallel_loop3A_609 = vector.broadcast %parallel_loop3A_608 : i32 to vector<16xi32>
          %parallel_loop3A_610 = arith.andi %parallel_loop3A_607, %parallel_loop3A_609 : vector<16xi32>
          %parallel_loop3A_611 = arith.constant 16 : i32
          %parallel_loop3A_612 = vector.broadcast %parallel_loop3A_611 : i32 to vector<16xi32>
          %parallel_loop3A_613 = arith.shrui %parallel_loop3A_607, %parallel_loop3A_612 : vector<16xi32>
          %parallel_loop3A_614 = tpu.vector_load_idx %arg6[%parallel_loop3A_610] : memref<50400xf32, #tpu.memory_space<vmem>>[vector<16xi32>], vector<16xf32>,
          %parallel_loop3A_615 = arith.index_cast %rem3A_131 : i32 to index
          %parallel_loop3A_616 = arith.index_cast %parallel_loop3A_180 : i32 to index
          %parallel_loop3A_617 = arith.constant 640 : index
          %parallel_loop3A_618 = tpu.vector_load %arg8[%parallel_loop3A_615, %parallel_loop3A_616, %parallel_loop3A_617] {strides = array<i32>} : memref<2x8x896xf32, #tpu.memory_space<vmem>>, vector<16xf32>,
          tpu.vector_store %arg8[%parallel_loop3A_615, %parallel_loop3A_616, %parallel_loop3A_617], %parallel_loop3A_614 {strides = array<i32>} : memref<2x8x896xf32, #tpu.memory_space<vmem>>, vector<16xf32>,
          %parallel_loop3A_619 = tpu.vector_load_idx %arg6[%parallel_loop3A_613] : memref<50400xf32, #tpu.memory_space<vmem>>[vector<16xi32>], vector<16xf32>,
          %parallel_loop3A_620 = arith.index_cast %rem3A_131 : i32 to index
          %parallel_loop3A_621 = arith.index_cast %parallel_loop3A_180 : i32 to index
          %parallel_loop3A_622 = arith.constant 656 : index
          %parallel_loop3A_623 = tpu.vector_load %arg8[%parallel_loop3A_620, %parallel_loop3A_621, %parallel_loop3A_622] {strides = array<i32>} : memref<2x8x896xf32, #tpu.memory_space<vmem>>, vector<16xf32>,
          tpu.vector_store %arg8[%parallel_loop3A_620, %parallel_loop3A_621, %parallel_loop3A_622], %parallel_loop3A_619 {strides = array<i32>} : memref<2x8x896xf32, #tpu.memory_space<vmem>>, vector<16xf32>,
          %parallel_loop3A_624 = arith.constant 336 : i32
          %parallel_loop3A_625 = arith.addi %parallel_loop3A_182, %parallel_loop3A_624 : i32
          %parallel_loop3A_626 = arith.index_cast %rem3A_131 : i32 to index
          %parallel_loop3A_627 = arith.index_cast %parallel_loop3A_625 : i32 to index
          %parallel_loop3A_628 = tpu.vector_load %arg7[%parallel_loop3A_626, %parallel_loop3A_627] {strides = array<i32>} : memref<2x3584xi32, #tpu.memory_space<vmem>>, vector<16xi32>,
          %parallel_loop3A_629 = arith.constant 65535 : i32
          %parallel_loop3A_630 = vector.broadcast %parallel_loop3A_629 : i32 to vector<16xi32>
          %parallel_loop3A_631 = arith.andi %parallel_loop3A_628, %parallel_loop3A_630 : vector<16xi32>
          %parallel_loop3A_632 = arith.constant 16 : i32
          %parallel_loop3A_633 = vector.broadcast %parallel_loop3A_632 : i32 to vector<16xi32>
          %parallel_loop3A_634 = arith.shrui %parallel_loop3A_628, %parallel_loop3A_633 : vector<16xi32>
          %parallel_loop3A_635 = tpu.vector_load_idx %arg6[%parallel_loop3A_631] : memref<50400xf32, #tpu.memory_space<vmem>>[vector<16xi32>], vector<16xf32>,
          %parallel_loop3A_636 = arith.index_cast %rem3A_131 : i32 to index
          %parallel_loop3A_637 = arith.index_cast %parallel_loop3A_180 : i32 to index
          %parallel_loop3A_638 = arith.constant 672 : index
          %parallel_loop3A_639 = tpu.vector_load %arg8[%parallel_loop3A_636, %parallel_loop3A_637, %parallel_loop3A_638] {strides = array<i32>} : memref<2x8x896xf32, #tpu.memory_space<vmem>>, vector<16xf32>,
          tpu.vector_store %arg8[%parallel_loop3A_636, %parallel_loop3A_637, %parallel_loop3A_638], %parallel_loop3A_635 {strides = array<i32>} : memref<2x8x896xf32, #tpu.memory_space<vmem>>, vector<16xf32>,
          %parallel_loop3A_640 = tpu.vector_load_idx %arg6[%parallel_loop3A_634] : memref<50400xf32, #tpu.memory_space<vmem>>[vector<16xi32>], vector<16xf32>,
          %parallel_loop3A_641 = arith.index_cast %rem3A_131 : i32 to index
          %parallel_loop3A_642 = arith.index_cast %parallel_loop3A_180 : i32 to index
          %parallel_loop3A_643 = arith.constant 688 : index
          %parallel_loop3A_644 = tpu.vector_load %arg8[%parallel_loop3A_641, %parallel_loop3A_642, %parallel_loop3A_643] {strides = array<i32>} : memref<2x8x896xf32, #tpu.memory_space<vmem>>, vector<16xf32>,
          tpu.vector_store %arg8[%parallel_loop3A_641, %parallel_loop3A_642, %parallel_loop3A_643], %parallel_loop3A_640 {strides = array<i32>} : memref<2x8x896xf32, #tpu.memory_space<vmem>>, vector<16xf32>,
          %parallel_loop3A_645 = arith.constant 352 : i32
          %parallel_loop3A_646 = arith.addi %parallel_loop3A_182, %parallel_loop3A_645 : i32
          %parallel_loop3A_647 = arith.index_cast %rem3A_131 : i32 to index
          %parallel_loop3A_648 = arith.index_cast %parallel_loop3A_646 : i32 to index
          %parallel_loop3A_649 = tpu.vector_load %arg7[%parallel_loop3A_647, %parallel_loop3A_648] {strides = array<i32>} : memref<2x3584xi32, #tpu.memory_space<vmem>>, vector<16xi32>,
          %parallel_loop3A_650 = arith.constant 65535 : i32
          %parallel_loop3A_651 = vector.broadcast %parallel_loop3A_650 : i32 to vector<16xi32>
          %parallel_loop3A_652 = arith.andi %parallel_loop3A_649, %parallel_loop3A_651 : vector<16xi32>
          %parallel_loop3A_653 = arith.constant 16 : i32
          %parallel_loop3A_654 = vector.broadcast %parallel_loop3A_653 : i32 to vector<16xi32>
          %parallel_loop3A_655 = arith.shrui %parallel_loop3A_649, %parallel_loop3A_654 : vector<16xi32>
          %parallel_loop3A_656 = tpu.vector_load_idx %arg6[%parallel_loop3A_652] : memref<50400xf32, #tpu.memory_space<vmem>>[vector<16xi32>], vector<16xf32>,
          %parallel_loop3A_657 = arith.index_cast %rem3A_131 : i32 to index
          %parallel_loop3A_658 = arith.index_cast %parallel_loop3A_180 : i32 to index
          %parallel_loop3A_659 = arith.constant 704 : index
          %parallel_loop3A_660 = tpu.vector_load %arg8[%parallel_loop3A_657, %parallel_loop3A_658, %parallel_loop3A_659] {strides = array<i32>} : memref<2x8x896xf32, #tpu.memory_space<vmem>>, vector<16xf32>,
          tpu.vector_store %arg8[%parallel_loop3A_657, %parallel_loop3A_658, %parallel_loop3A_659], %parallel_loop3A_656 {strides = array<i32>} : memref<2x8x896xf32, #tpu.memory_space<vmem>>, vector<16xf32>,
          %parallel_loop3A_661 = tpu.vector_load_idx %arg6[%parallel_loop3A_655] : memref<50400xf32, #tpu.memory_space<vmem>>[vector<16xi32>], vector<16xf32>,
          %parallel_loop3A_662 = arith.index_cast %rem3A_131 : i32 to index
          %parallel_loop3A_663 = arith.index_cast %parallel_loop3A_180 : i32 to index
          %parallel_loop3A_664 = arith.constant 720 : index
          %parallel_loop3A_665 = tpu.vector_load %arg8[%parallel_loop3A_662, %parallel_loop3A_663, %parallel_loop3A_664] {strides = array<i32>} : memref<2x8x896xf32, #tpu.memory_space<vmem>>, vector<16xf32>,
          tpu.vector_store %arg8[%parallel_loop3A_662, %parallel_loop3A_663, %parallel_loop3A_664], %parallel_loop3A_661 {strides = array<i32>} : memref<2x8x896xf32, #tpu.memory_space<vmem>>, vector<16xf32>,
          %parallel_loop3A_666 = arith.constant 368 : i32
          %parallel_loop3A_667 = arith.addi %parallel_loop3A_182, %parallel_loop3A_666 : i32
          %parallel_loop3A_668 = arith.index_cast %rem3A_131 : i32 to index
          %parallel_loop3A_669 = arith.index_cast %parallel_loop3A_667 : i32 to index
          %parallel_loop3A_670 = tpu.vector_load %arg7[%parallel_loop3A_668, %parallel_loop3A_669] {strides = array<i32>} : memref<2x3584xi32, #tpu.memory_space<vmem>>, vector<16xi32>,
          %parallel_loop3A_671 = arith.constant 65535 : i32
          %parallel_loop3A_672 = vector.broadcast %parallel_loop3A_671 : i32 to vector<16xi32>
          %parallel_loop3A_673 = arith.andi %parallel_loop3A_670, %parallel_loop3A_672 : vector<16xi32>
          %parallel_loop3A_674 = arith.constant 16 : i32
          %parallel_loop3A_675 = vector.broadcast %parallel_loop3A_674 : i32 to vector<16xi32>
          %parallel_loop3A_676 = arith.shrui %parallel_loop3A_670, %parallel_loop3A_675 : vector<16xi32>
          %parallel_loop3A_677 = tpu.vector_load_idx %arg6[%parallel_loop3A_673] : memref<50400xf32, #tpu.memory_space<vmem>>[vector<16xi32>], vector<16xf32>,
          %parallel_loop3A_678 = arith.index_cast %rem3A_131 : i32 to index
          %parallel_loop3A_679 = arith.index_cast %parallel_loop3A_180 : i32 to index
          %parallel_loop3A_680 = arith.constant 736 : index
          %parallel_loop3A_681 = tpu.vector_load %arg8[%parallel_loop3A_678, %parallel_loop3A_679, %parallel_loop3A_680] {strides = array<i32>} : memref<2x8x896xf32, #tpu.memory_space<vmem>>, vector<16xf32>,
          tpu.vector_store %arg8[%parallel_loop3A_678, %parallel_loop3A_679, %parallel_loop3A_680], %parallel_loop3A_677 {strides = array<i32>} : memref<2x8x896xf32, #tpu.memory_space<vmem>>, vector<16xf32>,
          %parallel_loop3A_682 = tpu.vector_load_idx %arg6[%parallel_loop3A_676] : memref<50400xf32, #tpu.memory_space<vmem>>[vector<16xi32>], vector<16xf32>,
          %parallel_loop3A_683 = arith.index_cast %rem3A_131 : i32 to index
          %parallel_loop3A_684 = arith.index_cast %parallel_loop3A_180 : i32 to index
          %parallel_loop3A_685 = arith.constant 752 : index
          %parallel_loop3A_686 = tpu.vector_load %arg8[%parallel_loop3A_683, %parallel_loop3A_684, %parallel_loop3A_685] {strides = array<i32>} : memref<2x8x896xf32, #tpu.memory_space<vmem>>, vector<16xf32>,
          tpu.vector_store %arg8[%parallel_loop3A_683, %parallel_loop3A_684, %parallel_loop3A_685], %parallel_loop3A_682 {strides = array<i32>} : memref<2x8x896xf32, #tpu.memory_space<vmem>>, vector<16xf32>,
          %parallel_loop3A_687 = arith.constant 384 : i32
          %parallel_loop3A_688 = arith.addi %parallel_loop3A_182, %parallel_loop3A_687 : i32
          %parallel_loop3A_689 = arith.index_cast %rem3A_131 : i32 to index
          %parallel_loop3A_690 = arith.index_cast %parallel_loop3A_688 : i32 to index
          %parallel_loop3A_691 = tpu.vector_load %arg7[%parallel_loop3A_689, %parallel_loop3A_690] {strides = array<i32>} : memref<2x3584xi32, #tpu.memory_space<vmem>>, vector<16xi32>,
          %parallel_loop3A_692 = arith.constant 65535 : i32
          %parallel_loop3A_693 = vector.broadcast %parallel_loop3A_692 : i32 to vector<16xi32>
          %parallel_loop3A_694 = arith.andi %parallel_loop3A_691, %parallel_loop3A_693 : vector<16xi32>
          %parallel_loop3A_695 = arith.constant 16 : i32
          %parallel_loop3A_696 = vector.broadcast %parallel_loop3A_695 : i32 to vector<16xi32>
          %parallel_loop3A_697 = arith.shrui %parallel_loop3A_691, %parallel_loop3A_696 : vector<16xi32>
          %parallel_loop3A_698 = tpu.vector_load_idx %arg6[%parallel_loop3A_694] : memref<50400xf32, #tpu.memory_space<vmem>>[vector<16xi32>], vector<16xf32>,
          %parallel_loop3A_699 = arith.index_cast %rem3A_131 : i32 to index
          %parallel_loop3A_700 = arith.index_cast %parallel_loop3A_180 : i32 to index
          %parallel_loop3A_701 = arith.constant 768 : index
          %parallel_loop3A_702 = tpu.vector_load %arg8[%parallel_loop3A_699, %parallel_loop3A_700, %parallel_loop3A_701] {strides = array<i32>} : memref<2x8x896xf32, #tpu.memory_space<vmem>>, vector<16xf32>,
          tpu.vector_store %arg8[%parallel_loop3A_699, %parallel_loop3A_700, %parallel_loop3A_701], %parallel_loop3A_698 {strides = array<i32>} : memref<2x8x896xf32, #tpu.memory_space<vmem>>, vector<16xf32>,
          %parallel_loop3A_703 = tpu.vector_load_idx %arg6[%parallel_loop3A_697] : memref<50400xf32, #tpu.memory_space<vmem>>[vector<16xi32>], vector<16xf32>,
          %parallel_loop3A_704 = arith.index_cast %rem3A_131 : i32 to index
          %parallel_loop3A_705 = arith.index_cast %parallel_loop3A_180 : i32 to index
          %parallel_loop3A_706 = arith.constant 784 : index
          %parallel_loop3A_707 = tpu.vector_load %arg8[%parallel_loop3A_704, %parallel_loop3A_705, %parallel_loop3A_706] {strides = array<i32>} : memref<2x8x896xf32, #tpu.memory_space<vmem>>, vector<16xf32>,
          tpu.vector_store %arg8[%parallel_loop3A_704, %parallel_loop3A_705, %parallel_loop3A_706], %parallel_loop3A_703 {strides = array<i32>} : memref<2x8x896xf32, #tpu.memory_space<vmem>>, vector<16xf32>,
          %parallel_loop3A_708 = arith.constant 400 : i32
          %parallel_loop3A_709 = arith.addi %parallel_loop3A_182, %parallel_loop3A_708 : i32
          %parallel_loop3A_710 = arith.index_cast %rem3A_131 : i32 to index
          %parallel_loop3A_711 = arith.index_cast %parallel_loop3A_709 : i32 to index
          %parallel_loop3A_712 = tpu.vector_load %arg7[%parallel_loop3A_710, %parallel_loop3A_711] {strides = array<i32>} : memref<2x3584xi32, #tpu.memory_space<vmem>>, vector<16xi32>,
          %parallel_loop3A_713 = arith.constant 65535 : i32
          %parallel_loop3A_714 = vector.broadcast %parallel_loop3A_713 : i32 to vector<16xi32>
          %parallel_loop3A_715 = arith.andi %parallel_loop3A_712, %parallel_loop3A_714 : vector<16xi32>
          %parallel_loop3A_716 = arith.constant 16 : i32
          %parallel_loop3A_717 = vector.broadcast %parallel_loop3A_716 : i32 to vector<16xi32>
          %parallel_loop3A_718 = arith.shrui %parallel_loop3A_712, %parallel_loop3A_717 : vector<16xi32>
          %parallel_loop3A_719 = tpu.vector_load_idx %arg6[%parallel_loop3A_715] : memref<50400xf32, #tpu.memory_space<vmem>>[vector<16xi32>], vector<16xf32>,
          %parallel_loop3A_720 = arith.index_cast %rem3A_131 : i32 to index
          %parallel_loop3A_721 = arith.index_cast %parallel_loop3A_180 : i32 to index
          %parallel_loop3A_722 = arith.constant 800 : index
          %parallel_loop3A_723 = tpu.vector_load %arg8[%parallel_loop3A_720, %parallel_loop3A_721, %parallel_loop3A_722] {strides = array<i32>} : memref<2x8x896xf32, #tpu.memory_space<vmem>>, vector<16xf32>,
          tpu.vector_store %arg8[%parallel_loop3A_720, %parallel_loop3A_721, %parallel_loop3A_722], %parallel_loop3A_719 {strides = array<i32>} : memref<2x8x896xf32, #tpu.memory_space<vmem>>, vector<16xf32>,
          %parallel_loop3A_724 = tpu.vector_load_idx %arg6[%parallel_loop3A_718] : memref<50400xf32, #tpu.memory_space<vmem>>[vector<16xi32>], vector<16xf32>,
          %parallel_loop3A_725 = arith.index_cast %rem3A_131 : i32 to index
          %parallel_loop3A_726 = arith.index_cast %parallel_loop3A_180 : i32 to index
          %parallel_loop3A_727 = arith.constant 816 : index
          %parallel_loop3A_728 = tpu.vector_load %arg8[%parallel_loop3A_725, %parallel_loop3A_726, %parallel_loop3A_727] {strides = array<i32>} : memref<2x8x896xf32, #tpu.memory_space<vmem>>, vector<16xf32>,
          tpu.vector_store %arg8[%parallel_loop3A_725, %parallel_loop3A_726, %parallel_loop3A_727], %parallel_loop3A_724 {strides = array<i32>} : memref<2x8x896xf32, #tpu.memory_space<vmem>>, vector<16xf32>,
          %parallel_loop3A_729 = arith.constant 416 : i32
          %parallel_loop3A_730 = arith.addi %parallel_loop3A_182, %parallel_loop3A_729 : i32
          %parallel_loop3A_731 = arith.index_cast %rem3A_131 : i32 to index
          %parallel_loop3A_732 = arith.index_cast %parallel_loop3A_730 : i32 to index
          %parallel_loop3A_733 = tpu.vector_load %arg7[%parallel_loop3A_731, %parallel_loop3A_732] {strides = array<i32>} : memref<2x3584xi32, #tpu.memory_space<vmem>>, vector<16xi32>,
          %parallel_loop3A_734 = arith.constant 65535 : i32
          %parallel_loop3A_735 = vector.broadcast %parallel_loop3A_734 : i32 to vector<16xi32>
          %parallel_loop3A_736 = arith.andi %parallel_loop3A_733, %parallel_loop3A_735 : vector<16xi32>
          %parallel_loop3A_737 = arith.constant 16 : i32
          %parallel_loop3A_738 = vector.broadcast %parallel_loop3A_737 : i32 to vector<16xi32>
          %parallel_loop3A_739 = arith.shrui %parallel_loop3A_733, %parallel_loop3A_738 : vector<16xi32>
          %parallel_loop3A_740 = tpu.vector_load_idx %arg6[%parallel_loop3A_736] : memref<50400xf32, #tpu.memory_space<vmem>>[vector<16xi32>], vector<16xf32>,
          %parallel_loop3A_741 = arith.index_cast %rem3A_131 : i32 to index
          %parallel_loop3A_742 = arith.index_cast %parallel_loop3A_180 : i32 to index
          %parallel_loop3A_743 = arith.constant 832 : index
          %parallel_loop3A_744 = tpu.vector_load %arg8[%parallel_loop3A_741, %parallel_loop3A_742, %parallel_loop3A_743] {strides = array<i32>} : memref<2x8x896xf32, #tpu.memory_space<vmem>>, vector<16xf32>,
          tpu.vector_store %arg8[%parallel_loop3A_741, %parallel_loop3A_742, %parallel_loop3A_743], %parallel_loop3A_740 {strides = array<i32>} : memref<2x8x896xf32, #tpu.memory_space<vmem>>, vector<16xf32>,
          %parallel_loop3A_745 = tpu.vector_load_idx %arg6[%parallel_loop3A_739] : memref<50400xf32, #tpu.memory_space<vmem>>[vector<16xi32>], vector<16xf32>,
          %parallel_loop3A_746 = arith.index_cast %rem3A_131 : i32 to index
          %parallel_loop3A_747 = arith.index_cast %parallel_loop3A_180 : i32 to index
          %parallel_loop3A_748 = arith.constant 848 : index
          %parallel_loop3A_749 = tpu.vector_load %arg8[%parallel_loop3A_746, %parallel_loop3A_747, %parallel_loop3A_748] {strides = array<i32>} : memref<2x8x896xf32, #tpu.memory_space<vmem>>, vector<16xf32>,
          tpu.vector_store %arg8[%parallel_loop3A_746, %parallel_loop3A_747, %parallel_loop3A_748], %parallel_loop3A_745 {strides = array<i32>} : memref<2x8x896xf32, #tpu.memory_space<vmem>>, vector<16xf32>,
          %parallel_loop3A_750 = arith.constant 432 : i32
          %parallel_loop3A_751 = arith.addi %parallel_loop3A_182, %parallel_loop3A_750 : i32
          %parallel_loop3A_752 = arith.index_cast %rem3A_131 : i32 to index
          %parallel_loop3A_753 = arith.index_cast %parallel_loop3A_751 : i32 to index
          %parallel_loop3A_754 = tpu.vector_load %arg7[%parallel_loop3A_752, %parallel_loop3A_753] {strides = array<i32>} : memref<2x3584xi32, #tpu.memory_space<vmem>>, vector<16xi32>,
          %parallel_loop3A_755 = arith.constant 65535 : i32
          %parallel_loop3A_756 = vector.broadcast %parallel_loop3A_755 : i32 to vector<16xi32>
          %parallel_loop3A_757 = arith.andi %parallel_loop3A_754, %parallel_loop3A_756 : vector<16xi32>
          %parallel_loop3A_758 = arith.constant 16 : i32
          %parallel_loop3A_759 = vector.broadcast %parallel_loop3A_758 : i32 to vector<16xi32>
          %parallel_loop3A_760 = arith.shrui %parallel_loop3A_754, %parallel_loop3A_759 : vector<16xi32>
          %parallel_loop3A_761 = tpu.vector_load_idx %arg6[%parallel_loop3A_757] : memref<50400xf32, #tpu.memory_space<vmem>>[vector<16xi32>], vector<16xf32>,
          %parallel_loop3A_762 = arith.index_cast %rem3A_131 : i32 to index
          %parallel_loop3A_763 = arith.index_cast %parallel_loop3A_180 : i32 to index
          %parallel_loop3A_764 = arith.constant 864 : index
          %parallel_loop3A_765 = tpu.vector_load %arg8[%parallel_loop3A_762, %parallel_loop3A_763, %parallel_loop3A_764] {strides = array<i32>} : memref<2x8x896xf32, #tpu.memory_space<vmem>>, vector<16xf32>,
          tpu.vector_store %arg8[%parallel_loop3A_762, %parallel_loop3A_763, %parallel_loop3A_764], %parallel_loop3A_761 {strides = array<i32>} : memref<2x8x896xf32, #tpu.memory_space<vmem>>, vector<16xf32>,
          %parallel_loop3A_766 = tpu.vector_load_idx %arg6[%parallel_loop3A_760] : memref<50400xf32, #tpu.memory_space<vmem>>[vector<16xi32>], vector<16xf32>,
          %parallel_loop3A_767 = arith.index_cast %rem3A_131 : i32 to index
          %parallel_loop3A_768 = arith.index_cast %parallel_loop3A_180 : i32 to index
          %parallel_loop3A_769 = arith.constant 880 : index
          %parallel_loop3A_770 = tpu.vector_load %arg8[%parallel_loop3A_767, %parallel_loop3A_768, %parallel_loop3A_769] {strides = array<i32>} : memref<2x8x896xf32, #tpu.memory_space<vmem>>, vector<16xf32>,
          tpu.vector_store %arg8[%parallel_loop3A_767, %parallel_loop3A_768, %parallel_loop3A_769], %parallel_loop3A_766 {strides = array<i32>} : memref<2x8x896xf32, #tpu.memory_space<vmem>>, vector<16xf32>,
        } {sc.loop_unroll_factor = 2 : i64, sc.parallel_access}
        %mul3A_164 = arith.constant 8 : i32
        %mul3A_165 = arith.muli %scan3A_129, %mul3A_164 : i32
        %dma_start3A_166 = arith.constant 0 : i32
        %dma_start3A_167 = arith.constant 0 : i32
        %dma_start3A_168 = tpu.memref_slice %arg8[%rem3A_131, %dma_start3A_166, %dma_start3A_167] : memref<2x8x896xf32, #tpu.memory_space<vmem>> -> memref<1x8x896xf32, #tpu.memory_space<vmem>>
        %dma_start3A_169 = tpu.memref_squeeze %dma_start3A_168 : memref<1x8x896xf32, #tpu.memory_space<vmem>> -> memref<8x896xf32, #tpu.memory_space<vmem>>
        %dma_start3A_170 = arith.constant 0 : i32
        %dma_start3A_171 = tpu.memref_slice %arg4[%div3A_55, %rem3A_57, %mul3A_165, %dma_start3A_170] : memref<4x192x112x896xf32, #tpu.memory_space<hbm>> -> memref<1x1x8x896xf32, #tpu.memory_space<hbm>>
        %dma_start3A_172 = tpu.memref_squeeze %dma_start3A_171 : memref<1x1x8x896xf32, #tpu.memory_space<hbm>> -> memref<8x896xf32, #tpu.memory_space<hbm>>
        %dma_start3A_173 = arith.constant 0 : i32
        %dma_start3A_174 = tpu.memref_slice %arg4[%div3A_55, %rem3A_57, %mul3A_165, %dma_start3A_173] : memref<4x192x112x896xf32, #tpu.memory_space<hbm>> -> memref<1x1x8x896xf32, #tpu.memory_space<hbm>>
        %dma_start3A_175 = tpu.memref_squeeze %dma_start3A_174 : memref<1x1x8x896xf32, #tpu.memory_space<hbm>> -> memref<8x896xf32, #tpu.memory_space<hbm>>
        %dma_start3A_176 = arith.constant 0 : i32
        %dma_start3A_177 = arith.constant 0 : i32
        %dma_start3A_178 = tpu.memref_slice %arg8[%rem3A_131, %dma_start3A_176, %dma_start3A_177] : memref<2x8x896xf32, #tpu.memory_space<vmem>> -> memref<1x8x896xf32, #tpu.memory_space<vmem>>
        %dma_start3A_179 = tpu.memref_squeeze %dma_start3A_178 : memref<1x8x896xf32, #tpu.memory_space<vmem>> -> memref<8x896xf32, #tpu.memory_space<vmem>>
        tpu.enqueue_dma source(%dma_start3A_179 : memref<8x896xf32, #tpu.memory_space<vmem>>) target(%dma_start3A_175 : memref<8x896xf32, #tpu.memory_space<hbm>>) target_semaphore(%arg11 : memref<!tpu.dma_semaphore, #tpu.memory_space<semaphore_mem>>)
      }
      %scan3A_90 = arith.constant 14 : i32
      %dma_wait3A_91 = arith.constant 0 : i32
      %dma_wait3A_92 = arith.constant 0 : i32
      %dma_wait3A_93 = arith.constant 0 : i32
      %dma_wait3A_94 = arith.constant 0 : i32
      %dma_wait3A_95 = arith.constant 0 : i32
      %dma_wait3A_96 = tpu.memref_slice %arg8[%dma_wait3A_93, %dma_wait3A_94, %dma_wait3A_95] : memref<2x8x896xf32, #tpu.memory_space<vmem>> -> memref<1x8x896xf32, #tpu.memory_space<vmem>>
      %dma_wait3A_97 = tpu.memref_squeeze %dma_wait3A_96 : memref<1x8x896xf32, #tpu.memory_space<vmem>> -> memref<8x896xf32, #tpu.memory_space<vmem>>
      %dma_wait3A_98 = arith.constant 0 : i32
      %dma_wait3A_99 = arith.constant 0 : i32
      %dma_wait3A_100 = tpu.memref_slice %arg4[%dma_wait3A_91, %dma_wait3A_92, %dma_wait3A_98, %dma_wait3A_99] : memref<4x192x112x896xf32, #tpu.memory_space<hbm>> -> memref<1x1x8x896xf32, #tpu.memory_space<hbm>>
      %dma_wait3A_101 = tpu.memref_squeeze %dma_wait3A_100 : memref<1x1x8x896xf32, #tpu.memory_space<hbm>> -> memref<8x896xf32, #tpu.memory_space<hbm>>
      %dma_wait3A_102 = arith.constant 0 : i32
      %dma_wait3A_103 = arith.constant 0 : i32
      %dma_wait3A_104 = tpu.memref_slice %arg8[%dma_wait3A_93, %dma_wait3A_102, %dma_wait3A_103] : memref<2x8x896xf32, #tpu.memory_space<vmem>> -> memref<1x8x896xf32, #tpu.memory_space<vmem>>
      %dma_wait3A_105 = tpu.memref_squeeze %dma_wait3A_104 : memref<1x8x896xf32, #tpu.memory_space<vmem>> -> memref<8x896xf32, #tpu.memory_space<vmem>>
      %dma_wait3A_106 = arith.constant 0 : i32
      %dma_wait3A_107 = arith.constant 0 : i32
      %dma_wait3A_108 = tpu.memref_slice %arg4[%dma_wait3A_91, %dma_wait3A_92, %dma_wait3A_106, %dma_wait3A_107] : memref<4x192x112x896xf32, #tpu.memory_space<hbm>> -> memref<1x1x8x896xf32, #tpu.memory_space<hbm>>
      %dma_wait3A_109 = tpu.memref_squeeze %dma_wait3A_108 : memref<1x1x8x896xf32, #tpu.memory_space<hbm>> -> memref<8x896xf32, #tpu.memory_space<hbm>>
      tpu.wait_dma2 semaphore(%arg11 : memref<!tpu.dma_semaphore, #tpu.memory_space<semaphore_mem>>) src(%dma_wait3A_109 : memref<8x896xf32, #tpu.memory_space<hbm>>) dst(%dma_wait3A_105 : memref<8x896xf32, #tpu.memory_space<vmem>>)
      %dma_wait3A_110 = arith.constant 0 : i32
      %dma_wait3A_111 = arith.constant 0 : i32
      %dma_wait3A_112 = arith.constant 0 : i32
      %dma_wait3A_113 = arith.constant 0 : i32
      %dma_wait3A_114 = arith.constant 0 : i32
      %dma_wait3A_115 = tpu.memref_slice %arg8[%dma_wait3A_112, %dma_wait3A_113, %dma_wait3A_114] : memref<2x8x896xf32, #tpu.memory_space<vmem>> -> memref<1x8x896xf32, #tpu.memory_space<vmem>>
      %dma_wait3A_116 = tpu.memref_squeeze %dma_wait3A_115 : memref<1x8x896xf32, #tpu.memory_space<vmem>> -> memref<8x896xf32, #tpu.memory_space<vmem>>
      %dma_wait3A_117 = arith.constant 0 : i32
      %dma_wait3A_118 = arith.constant 0 : i32
      %dma_wait3A_119 = tpu.memref_slice %arg4[%dma_wait3A_110, %dma_wait3A_111, %dma_wait3A_117, %dma_wait3A_118] : memref<4x192x112x896xf32, #tpu.memory_space<hbm>> -> memref<1x1x8x896xf32, #tpu.memory_space<hbm>>
      %dma_wait3A_120 = tpu.memref_squeeze %dma_wait3A_119 : memref<1x1x8x896xf32, #tpu.memory_space<hbm>> -> memref<8x896xf32, #tpu.memory_space<hbm>>
      %dma_wait3A_121 = arith.constant 0 : i32
      %dma_wait3A_122 = arith.constant 0 : i32
      %dma_wait3A_123 = tpu.memref_slice %arg8[%dma_wait3A_112, %dma_wait3A_121, %dma_wait3A_122] : memref<2x8x896xf32, #tpu.memory_space<vmem>> -> memref<1x8x896xf32, #tpu.memory_space<vmem>>
      %dma_wait3A_124 = tpu.memref_squeeze %dma_wait3A_123 : memref<1x8x896xf32, #tpu.memory_space<vmem>> -> memref<8x896xf32, #tpu.memory_space<vmem>>
      %dma_wait3A_125 = arith.constant 0 : i32
      %dma_wait3A_126 = arith.constant 0 : i32
      %dma_wait3A_127 = tpu.memref_slice %arg4[%dma_wait3A_110, %dma_wait3A_111, %dma_wait3A_125, %dma_wait3A_126] : memref<4x192x112x896xf32, #tpu.memory_space<hbm>> -> memref<1x1x8x896xf32, #tpu.memory_space<hbm>>
      %dma_wait3A_128 = tpu.memref_squeeze %dma_wait3A_127 : memref<1x1x8x896xf32, #tpu.memory_space<hbm>> -> memref<8x896xf32, #tpu.memory_space<hbm>>
      tpu.wait_dma2 semaphore(%arg11 : memref<!tpu.dma_semaphore, #tpu.memory_space<semaphore_mem>>) src(%dma_wait3A_128 : memref<8x896xf32, #tpu.memory_space<hbm>>) dst(%dma_wait3A_124 : memref<8x896xf32, #tpu.memory_space<vmem>>)
    }
    %scan3A_29 = arith.constant 24 : i32
    %dma_wait3A = arith.constant 0 : i32
    %dma_wait3A_30 = arith.constant 0 : i32
    %dma_wait3A_31 = arith.constant 0 : i32
    %dma_wait3A_32 = arith.constant 0 : i32
    %dma_wait3A_33 = tpu.memref_slice %arg2[%dma_wait3A, %dma_wait3A_30, %dma_wait3A_31, %dma_wait3A_32] : memref<4x192x224x224xf32, #tpu.memory_space<hbm>> -> memref<1x1x224x224xf32, #tpu.memory_space<hbm>>
    %dma_wait3A_34 = tpu.memref_squeeze %dma_wait3A_33 : memref<1x1x224x224xf32, #tpu.memory_space<hbm>> -> memref<224x224xf32, #tpu.memory_space<hbm>>
    %dma_wait3A_35 = arith.constant 0 : i32
    %dma_wait3A_36 = arith.constant 0 : i32
    %dma_wait3A_37 = tpu.memref_slice %arg2[%dma_wait3A, %dma_wait3A_30, %dma_wait3A_35, %dma_wait3A_36] : memref<4x192x224x224xf32, #tpu.memory_space<hbm>> -> memref<1x1x224x224xf32, #tpu.memory_space<hbm>>
    %dma_wait3A_38 = tpu.memref_squeeze %dma_wait3A_37 : memref<1x1x224x224xf32, #tpu.memory_space<hbm>> -> memref<224x224xf32, #tpu.memory_space<hbm>>
    tpu.wait_dma2 semaphore(%arg9 : memref<!tpu.dma_semaphore, #tpu.memory_space<semaphore_mem>>) src(%dma_wait3A_38 : memref<224x224xf32, #tpu.memory_space<hbm>>) dst(%arg5 : memref<224x224xf32, #tpu.memory_space<vmem>>)
    %dma_wait3A_39 = arith.constant 0 : i32
    %dma_wait3A_40 = arith.constant 0 : i32
    %dma_wait3A_41 = tpu.memref_slice %arg7[%dma_wait3A_39, %dma_wait3A_40] : memref<2x3584xi32, #tpu.memory_space<vmem>> -> memref<1x3584xi32, #tpu.memory_space<vmem>>
    %dma_wait3A_42 = tpu.memref_squeeze %dma_wait3A_41 : memref<1x3584xi32, #tpu.memory_space<vmem>> -> memref<3584xi32, #tpu.memory_space<vmem>>
    %dma_wait3A_43 = arith.constant 0 : i32
    %dma_wait3A_44 = tpu.memref_slice %arg3[%dma_wait3A_43] : memref<50176xi32, #tpu.memory_space<hbm>> -> memref<3584xi32, #tpu.memory_space<hbm>>
    %dma_wait3A_45 = arith.constant 0 : i32
    %dma_wait3A_46 = tpu.memref_slice %arg7[%dma_wait3A_39, %dma_wait3A_45] : memref<2x3584xi32, #tpu.memory_space<vmem>> -> memref<1x3584xi32, #tpu.memory_space<vmem>>
    %dma_wait3A_47 = tpu.memref_squeeze %dma_wait3A_46 : memref<1x3584xi32, #tpu.memory_space<vmem>> -> memref<3584xi32, #tpu.memory_space<vmem>>
    %dma_wait3A_48 = arith.constant 0 : i32
    %dma_wait3A_49 = tpu.memref_slice %arg3[%dma_wait3A_48] : memref<50176xi32, #tpu.memory_space<hbm>> -> memref<3584xi32, #tpu.memory_space<hbm>>
    tpu.wait_dma2 semaphore(%arg10 : memref<!tpu.dma_semaphore, #tpu.memory_space<semaphore_mem>>) src(%dma_wait3A_49 : memref<3584xi32, #tpu.memory_space<hbm>>) dst(%dma_wait3A_47 : memref<3584xi32, #tpu.memory_space<vmem>>)
    return
  }
}

</mosaic_0001>

<sc_bundles>
// kernel: kernel.3.cloned.1.call-start
scs
__scs_entry_jumppad:
0x0: {  	(pc) =	sbr.rel $0x88, $3  }
0x1: {  	(tag) =	ssettag $0x0;
	lr =	simm.s32 $0x1  }
0x2: {  	[smem:$0x3FA0] =	sst lr;
	_ =	strace $0xD0000000  }
0x3: {  	_ = 	snop  }
0x4: {  	_ = 	snop  }
0x5: {  	_ = 	snop  }
0x6: {  	_ = 	snop  }
0x7: {  	_ = 	snop  }
__scs_overlays_trampoline_lowered:
0x8: {  	[smem:$0x3FAF] =	sst s0  }
0x9: {  	[smem:$0x3FB0] =	sst s1  }
0xa: {  	[smem:$0x3FB1] =	sst s2  }
0xb: {  	[smem:$0x3FB2] =	sst s3  }
0xc: {  	[smem:$0x3FB3] =	sst s4  }
0xd: {  	[smem:$0x3FB4] =	sst s5  }
0xe: {  	[smem:$0x3FB5] =	sst s6  }
0xf: {  	[smem:$0x3FB6] =	sst s7  }
0x10: {  	[smem:$0x3FB7] =	sst s8  }
0x11: {  	[smem:$0x3FB8] =	sst s9;
	s0 =	simm.s32 @!p0 $0x0  }
0x12: {  	s1 =	sld [smem:$0x3F9E];
	s0 =	simm.s32 @p0 $0x1  }
0x13: {  	[smem:$0x3FB9] =	sst s0;
	s0 =	simm.s32 @!p1 $0x0  }
0x14: {  	s2 =	sld [smem:$0x3F9D];
	s0 =	simm.s32 @p1 $0x1  }
0x15: {  	[smem:$0x3FBA] =	sst s0;
	s0 =	simm.s32 @!p2 $0x0  }
0x16: {  	s3 =	sld [smem:$0x3FDB];
	s0 =	simm.s32 @p2 $0x1  }
0x17: {  	s4 =	simm.s32 $0x1BF5;
	[smem:$0x3FBC] =	sst s0  }
0x18: {  	s0 =	sld [smem:$0x3F9F];
	_ =	swait.ge [sflag:s4], $0x0  }
0x19: {  	s7 =	sld [smem:$0x3FA0]  }
0x1a: {  	s8 =	sadd.s32 $0xFFFFE003, lr  }
0x1b: {  	s9 =	sadd.s32 $0xFFFFFEF7, lr;
	s5 =	simm.s32 $0xFFFFFFFF;
	p2 =	slt.u32 s8, $0xFFFFF086  }
0x1c: {  	p1 =	slt.u32 s9, $0xF7A;
	s5 =	simm.s32 @!p2 $0x0  }
0x1d: {  	s5 =	simm.s32 @p1 $0x1;
	p0 =	seq.s32 s7, s2  }
0x1e: {  	s7 =	smul.u32 @!p0 $0xF7A, s2;
	p2 =	seq.s32 @!p0 s5, $0x0  }
0x1f: {  	s9 =	smul.u32 $0xF7A, s1;
	s8 =	simm.s32 @!p0 $0x1BF5;
	p2 =	por !p2, p0  }
0x20: {  	[sflag:s8] =	ssyncset.s32 @!p0 $0xFFFFF086;
	s6 =	sadd.s32 @!p0 s3, s7;
	s7 =	simm.s32 @!p0 $0x108  }
0x21: {  	s3 =	sadd.s32 s3, s9;
	s6 =	sadd.s32 @!p0 $0x88, s6;
	s7 =	simm.s32 @p2 $0x1082  }
0x22: {  	[simem:s7], [sflag:s8] =	dma.local @!p0 [hbm:s6], $0xF7A  }
0x23: {  	s9 =	sor.u32 $0xD0000000, s2;
	s6 =	simm.s32 $0x108;
	_ =	swait.ge @!p0 [sflag:s8], $0x0  }
0x24: {  	s3 =	sadd.s32 $0x88, s3;
	s6 =	simm.s32 @!p1 $0x1082;
	[sflag:s4] =	ssyncset.s32 $0xFFFFF086  }
0x25: {  	[simem:s6], [sflag:s4] =	dma.local [hbm:s3], $0xF7A  }
0x26: {  	[smem:$0x3FA0] =	sst s1;
	(tag) =	ssettag s2;
	_ =	strace s9  }
0x27: {  	s1 =	sld [smem:$0x3FB0]  }
0x28: {  	s2 =	sld [smem:$0x3FB1]  }
0x29: {  	s4 =	sld [smem:$0x3FB3]  }
0x2a: {  	p0 =	seq.s32 s5, $0x0;
	s5 =	sld [smem:$0x3FB4]  }
0x2b: {  	s6 =	sld [smem:$0x3FB5]  }
0x2c: {  	s7 =	sld [smem:$0x3FB6]  }
0x2d: {  	s3 =	simm.s32 $0x108;
	s8 =	sld [smem:$0x3FB7]  }
0x2e: {  	s3 =	simm.s32 @!p0 $0x1082;
	s9 =	sld [smem:$0x3FB8]  }
0x2f: {  	lr =	sadd.s32 s0, s3;
	s0 =	sld [smem:$0x3FAF]  }
0x30: {  	s3 =	sld [smem:$0x3FB2]  }
0x31: {  	[smem:$0x3FBB] =	sst s10  }
0x32: {  	s10 =	sld [smem:$0x3FB9];
	_ =	sdelay $0x3  }
0x33: {  	p0 =	seq.s32 s10, $0x1;
	s10 =	sld [smem:$0x3FBB];
	_ =	sdelay $0x3  }
0x34: {  	[smem:$0x3FBB] =	sst s10  }
0x35: {  	s10 =	sld [smem:$0x3FBA];
	_ =	sdelay $0x3  }
0x36: {  	p1 =	seq.s32 s10, $0x1;
	s10 =	sld [smem:$0x3FBB];
	_ =	sdelay $0x3  }
0x37: {  	[smem:$0x3FBB] =	sst s10  }
0x38: {  	s10 =	sld [smem:$0x3FBC]  }
0x39: {  	_ = 	snop;
	(pc) =	sbr.ind lr, $3  }
0x3a: {  	_ = 	snop  }
0x3b: {  	_ = 	snop  }
0x3c: {  	p2 =	seq.s32 s10, $0x1;
	s10 =	sld [smem:$0x3FBB]  }
0x3d: {  	_ =	shalt  }
0x3e: {  	_ =	shalt  }
0x3f: {  	_ =	shalt  }
0x40: {  	_ =	shalt  }
0x41: {  	_ =	shalt  }
0x42: {  	_ =	shalt  }
0x43: {  	_ =	shalt  }
0x44: {  	_ =	shalt  }
0x45: {  	_ =	shalt  }
0x46: {  	_ =	shalt  }
0x47: {  	_ =	shalt  }
0x48: {  	_ =	shalt  }
0x49: {  	_ =	shalt  }
0x4a: {  	_ =	shalt  }
0x4b: {  	_ =	shalt  }
0x4c: {  	_ =	shalt  }
0x4d: {  	_ =	shalt  }
0x4e: {  	_ =	shalt  }
0x4f: {  	_ =	shalt  }
0x50: {  	_ =	shalt  }
0x51: {  	_ =	shalt  }
0x52: {  	_ =	shalt  }
0x53: {  	_ =	shalt  }
0x54: {  	_ =	shalt  }
0x55: {  	_ =	shalt  }
0x56: {  	_ =	shalt  }
0x57: {  	_ =	shalt  }
0x58: {  	_ =	shalt  }
0x59: {  	_ =	shalt  }
0x5a: {  	_ =	shalt  }
0x5b: {  	_ =	shalt  }
0x5c: {  	_ =	shalt  }
0x5d: {  	_ =	shalt  }
0x5e: {  	_ =	shalt  }
0x5f: {  	_ =	shalt  }
0x60: {  	_ =	shalt  }
0x61: {  	_ =	shalt  }
0x62: {  	_ =	shalt  }
0x63: {  	_ =	shalt  }
0x64: {  	_ =	shalt  }
0x65: {  	_ =	shalt  }
0x66: {  	_ =	shalt  }
0x67: {  	_ =	shalt  }
0x68: {  	_ =	shalt  }
0x69: {  	_ =	shalt  }
0x6a: {  	_ =	shalt  }
0x6b: {  	_ =	shalt  }
0x6c: {  	_ =	shalt  }
0x6d: {  	_ =	shalt  }
0x6e: {  	_ =	shalt  }
0x6f: {  	_ =	shalt  }
0x70: {  	_ =	shalt  }
0x71: {  	_ =	shalt  }
0x72: {  	_ =	shalt  }
0x73: {  	_ =	shalt  }
0x74: {  	_ =	shalt  }
0x75: {  	_ =	shalt  }
0x76: {  	_ =	shalt  }
0x77: {  	_ =	shalt  }
0x78: {  	_ =	shalt  }
0x79: {  	_ =	shalt  }
0x7a: {  	_ =	shalt  }
0x7b: {  	_ =	shalt  }
0x7c: {  	_ =	shalt  }
0x7d: {  	_ =	shalt  }
0x7e: {  	_ =	shalt  }
0x7f: {  	_ =	shalt  }
0x80: {  	_ =	shalt  }
0x81: {  	_ =	shalt  }
0x82: {  	_ =	shalt  }
0x83: {  	_ =	shalt  }
0x84: {  	_ =	shalt  }
0x85: {  	_ =	shalt  }
0x86: {  	_ =	shalt  }
0x87: {  	_ =	shalt  }
.Lfunc_end0:
.L_simem_size_0:
called_computation_lowered:
.L_overlay_start_0:
0x88: {  	s2 =	sld [smem:$0x3FD9]  }
0x89: {  	s3 =	sld [smem:$0x3FFE];
	_ =	sdelay $0x1  }
0x8a: {  	s1 =	srdreg.scid  }
0x8b: {  	s0 =	sand.u32 $0x1, s1  }
0x8c: {  	s17 =	sshll.u32 s0, $0xA;
	s2 =	sadd.s32 s3, s2  }
0x8d: {  	s2 =	sadd.s32 s2, s17  }
0x8e: {  	[smem:$0x3FC7] =	sst s2  }
0x8f: {  	_ = 	snop  }
0x90: {  	s2 =	sld [smem:$0x3FC9]  }
0x91: {  	s18 =	sld [smem:$0x3FD0];
	(tm) =	ssettm $0x1  }
0x92: {  	s4 =	sld [smem:$0x3FFB];
	_ =	sdelay $0x3  }
0x93: {  	_ =	strace s4  }
0x94: {  	s4 =	sld [smem:$0x3FFC];
	_ =	sdelay $0x3  }
0x95: {  	_ =	strace s4  }
0x96: {  	s4 =	sld [smem:$0x3FFD];
	_ =	sdelay $0x3  }
0x97: {  	_ =	strace s4  }
0x98: {  	_ =	strace $0x8FFFFFFF  }
0x99: {  	s19 =	sld [smem:$0x3FDB];
	_ =	sdelay $0x1  }
0x9a: {  	s5 =	simm.s32 $_scs_section_size  }
0x9b: {  	s6 =	simm.s32 $_size__tile_overlayer_lowered;
	s7 =	simm.s32 $_tile_overlayer_lowered  }
0x9c: {  	s22 =	simm.s32 $0x1BFF;
	s21 =	sshll.u32 s7, $0x1;
	s4 =	sadd.s32 s5, s19  }
0x9d: {  	s8 =	simm.s32 $0x0;
	s20 =	sshll.u32 s6, $0x1;
	s6 =	sadd.s32 s21, s4  }
0x9e: {  	[timem:s8], [sflag:s22] =	dma.local [hbm:s6], s20  }
0x9f: {  	_ =	swait.ge [sflag:s22], s20  }
0xa0: {  	s5 =	ssub.s32 $0x0, s20;
	[sflag:s22] =	ssyncset.done $0x0  }
0xa1: {  	[sflag:s22] =	ssyncadd.s32 s5;
	_ =	sdelay $0x1  }
0xa2: {  	s23 =	simm.s32 $0x1B8B  }
0xa3: {  	_ =	swait.ge [sflag:s23], $0x1  }
0xa4: {  	[sflag:s23] =	ssyncset.done $0x0  }
0xa5: {  	s25 =	simm.s32 $0x1B8E;
	s24 =	sld [smem:$0x3FFE];
	[sflag:s23] =	ssyncadd.s32 $0xFFFFFFFF  }
0xa6: {  	s26 =	simm.s32 $execute0_lowered;
	[smem:$0x3FD2] =	sst s25  }
0xa7: {  	s6 =	sshll.u32 s26, $0x1;
	_ =	strace $0x80000046;
	[dreg:$0x1] =	wrdreg $0xFFFFFFFF  }
0xa8: {  	s28 =	simm.s32 $_size_execute0_lowered;
	s4 =	sadd.s32 s4, s6;
	[dreg:$0x0] =	wrdreg $0x0  }
0xa9: {  	s6 =	sshll.u32 s28, $0x1;
	[dreg:$0x2] =	wrdreg s4  }
0xaa: {  	[dreg:$0x3] =	wrdreg s6  }
0xab: {  	[dreg:$0x4] =	wrdreg $0xC0  }
0xac: {  	_ =	task [dreg:s8], $0x5FFFF  }
0xad: {  	[dreg:$0x1] =	wrdreg $0xFFFFFFFF  }
0xae: {  	[dreg:$0x0] =	wrdreg $0x60  }
0xaf: {  	[dreg:$0x2] =	wrdreg s2  }
0xb0: {  	[dreg:$0x3] =	wrdreg s24  }
0xb1: {  	[dreg:$0x4] =	wrdreg s18  }
0xb2: {  	[dreg:$0x5] =	wrdreg $0x9  }
0xb3: {  	_ =	task.clear_ibuf [dreg:s8], $0x6FFFF;
	_ =	strace $0x90000046  }
0xb4: {  	s29 =	simm.s32 $0x9;
	_ =	strace $0x80000048  }
0xb5: {  	_ =	swait.ge [sflag:s29], $0x1  }
0xb6: {  	[sflag:s29] =	ssyncadd.s32 $0xFFFFFFFF  }
0xb7: {  	_ =	strace $0x90000048  }
0xb8: {  	_ =	sfence  }
0xb9: {  	s30 =	sld [smem:$0x0];
	_ =	sdelay $0x2  }
0xba: {  	s31 =	sshll.u32 s1, $0xD;
	s1 =	sshrl.u32 s1, $0x2  }
0xbb: {  	s3 =	sand.u32 $0x4000, s31;
	s1 =	sadd.s32 s1, s30  }
0xbc: {  	s0 =	sor.u32 s3, s0;
	s1 =	sshll.u32 s1, $0x11  }
0xbd: {  	s0 =	sor.u32 s1, s0  }
0xbe: {  	s0 =	sadd.s32 $0x8F2B, s0  }
0xbf: {  	[sflag:s0] =	ssyncadd.remote.s32 $0x1  }
0xc0: {  	_ =	sfence.sel $0xFFFF  }
0xc1: {  	[dreg:$0x0] =	wrdreg $0xFFFFFFFF;
	(pc) =	sbr.abs _section_cstart, $3  }
0xc2: {  	[dreg:$0x1] =	wrdreg $0xFFFFFFFF  }
0xc3: {  	_ =	task.clear_ibuf [dreg:s8], $0x2FFFF;
	_ =	strace $0x9FFFFFFF  }
0xc4: {  	(tm) =	ssettm $0x7FFFFFFF  }
0xc5: {  	_ =	shalt  }
tec
execute0_lowered:
.L_overlay_start_1:
0x0: {  	(tag) =	ssettag $0x1  }
0x1: {  	s1 =	srdreg.scid;
	s0 =	stileid.u32  }
0x2: {  	s6 =	sand.u32 $0x1, s1;
	s29 =	sshll.u32 s0, $0x1  }
0x3: {  	s1 =	sor.u32 s6, s29  }
0x4: {  	s2 =	smul.u32 $0x4008, s1;
	_ =	sdelay $0x1  }
0x5: {  	s1 =	smul.u32 $0x18, s1;
	s2 =	sshrl.u32 s2, $0x11  }
0x6: {  	s7 =	rddreg [dreg:$0x1];
	s3 =	smul.u32 $0xC0, s2  }
0x7: {  	s5 =	simm.s32 $0x0;
	s11 =	simm.s32 $0xE000;
	s12 =	simm.s32 $0x3  }
0x8: {  	s13 =	simm.s32 $0x0;
	s4 =	sshrl.u32 s0, $0x2;
	s3 =	ssub.s32 s1, s3  }
0x9: {  	[smem:$0x7FF] =	sst s5;
	s8 =	smul.u32 $0xA80000, s4;
	s3 =	sand.u32 $0xFFF8, s3  }
0xa: {  	s4 =	rddreg [dreg:$0x2];
	s10 =	ssub.s32 $0x2, s6;
	s9 =	smul.u32 $0xE000, s3  }
0xb: {  	s6 =	sadd.s32 $0x400, s7;
	s31 =	sshrl.u32 s10, $0x1;
	s2 =	rddreg [dreg:$0x0]  }
0xc: {  	s3 =	rddreg [dreg:$0x3];
	_ =	strace $0x80000047;
	s30 =	sadd.s32 s8, s9  }
0xd: {  	s8 =	ssub.s32 s10, s31;
	s10 =	simm.s32 $0x2;
	s9 =	sshrl.u32 s30, $0x3  }
0xe: {  	s8 =	smax.u32 s8, $0x1;
	s7 =	sadd.s32 s2, s9;
	s9 =	simm.s32 $0x1  }
.LBB2_1:
0xf: {  	[tilespmem:s5], [sflag:$0x1] =	stream.linear.gather [hbm4b:s7+s5], $0xE000, $0x38;
	[tilespmem:$0x1F900] =	vst v63  }
0x10: {  	s15 =	simm.s32 $0x1A500;
	s14 =	sadd.s32 $0x0, s6;
	s16 =	simm.s32 $0x10  }
0x11: {  	[tilespmem:s15], [sflag:$0x2] =	stream.linear.gather [hbm4b:s14+s5], $0x80, $0x38;
	[tilespmem:$0x1F900] =	vst v63  }
.LBB2_2:
0x12: {  	p0 =	sne.s32 s16, $0x1B0  }
.Ltmp0:
0x13: {  	_ = 	snop;
	(pc) =	sbr.rel @p0 .LBB2_2-.Ltmp0, $4  }
0x14: {  	_ = 	snop  }
0x15: {  	s17 =	sadd.s32 s16, s6;
	s15 =	sadd.s32 $0x100, s15  }
0x16: {  	s14 =	simm.s32 $0x0;
	s16 =	sadd.s32 $0x10, s16  }
0x17: {  	[tilespmem:s15], [sflag:$0x2] =	stream.linear.gather [hbm4b:s17+s14], $0x80, $0x38;
	[tilespmem:$0x1F900] =	vst v63  }
0x18: {  	s15 =	simm.s32 $0x0  }
.LBB2_4:
0x19: {  	_ =	swait.ge [sflag:s9], $0xE000;
	s16 =	simm.s32 $0x0;
	s17 =	simm.s32 $0x80  }
0x1a: {  	s18 =	sand.u32 $0xF800, s14;
	[sflag:s9] =	ssyncset.done $0x0;
	s16 =	sand.u32 $0x300, s16  }
0x1b: {  	s21 =	sand.u32 $0x380, s17;
	[sflag:s9] =	ssyncadd.s32 $0xFFFF2000;
	s24 =	sor.u32 s16, s18  }
0x1c: {  	s25 =	sor.u32 s21, s18;
	v0 =	vld [tilespmem:s24+$0x0]  }
0x1d: {  	v1 =	vld [tilespmem:s25+$0x0];
	_ =	sdelay $0x2  }
0x1e: {  	s16 =	simm.s32 $0xE0E1  }
0x1f: {  	[tilespmem:s16+$0xFFFFFF1F] =	vst v0  }
0x20: {  	[tilespmem:s16+$0x0] =	vst v1;
	v0 =	vld [tilespmem:s24+$0x10]  }
0x21: {  	v1 =	vld [tilespmem:s25+$0x10];
	_ =	sdelay $0x3  }
0x22: {  	[tilespmem:s16+$0xFFFFFF2F] =	vst v0  }
0x23: {  	[tilespmem:s16+$0x10] =	vst v1;
	v0 =	vld [tilespmem:s24+$0x20]  }
0x24: {  	v1 =	vld [tilespmem:s25+$0x20];
	_ =	sdelay $0x3  }
0x25: {  	[tilespmem:s16+$0xFFFFFF3F] =	vst v0  }
0x26: {  	[tilespmem:s16+$0x20] =	vst v1;
	v0 =	vld [tilespmem:s24+$0x30]  }
0x27: {  	v1 =	vld [tilespmem:s25+$0x30];
	_ =	sdelay $0x3  }
0x28: {  	[tilespmem:s16+$0xFFFFFF4F] =	vst v0  }
0x29: {  	[tilespmem:s16+$0x30] =	vst v1;
	v0 =	vld [tilespmem:s24+$0x40]  }
0x2a: {  	s22 =	simm.s32 $0x100;
	s23 =	simm.s32 $0x200;
	v1 =	vld [tilespmem:s25+$0x40]  }
0x2b: {  	s20 =	simm.s32 $0x180;
	s17 =	sand.u32 $0x300, s22;
	s18 =	sand.u32 $0xF800, s23  }
0x2c: {  	s26 =	sand.u32 $0x380, s20;
	s19 =	sor.u32 s17, s18  }
0x2d: {  	s18 =	sor.u32 s26, s18;
	v2 =	vld [tilespmem:s19+$0x0]  }
0x2e: {  	v3 =	vld [tilespmem:s18+$0x0];
	[tilespmem:s16+$0xFFFFFF5F] =	vst v0  }
0x2f: {  	[tilespmem:s16+$0x40] =	vst v1;
	v0 =	vld [tilespmem:s24+$0x50]  }
0x30: {  	v1 =	vld [tilespmem:s25+$0x50]  }
0x31: {  	s17 =	simm.s32 $0xE2A3  }
0x32: {  	[tilespmem:s17+$0xFFFFFF1F] =	vst v2  }
0x33: {  	[tilespmem:s17+$0x0] =	vst v3;
	v2 =	vld [tilespmem:s19+$0x10]  }
0x34: {  	v3 =	vld [tilespmem:s18+$0x10];
	[tilespmem:s16+$0xFFFFFF6F] =	vst v0  }
0x35: {  	[tilespmem:s16+$0x50] =	vst v1;
	v0 =	vld [tilespmem:s24+$0x60]  }
0x36: {  	v1 =	vld [tilespmem:s25+$0x60];
	_ =	sdelay $0x1  }
0x37: {  	[tilespmem:s17+$0xFFFFFF2F] =	vst v2  }
0x38: {  	[tilespmem:s17+$0x10] =	vst v3;
	v2 =	vld [tilespmem:s19+$0x20]  }
0x39: {  	v3 =	vld [tilespmem:s18+$0x20];
	[tilespmem:s16+$0xFFFFFF7F] =	vst v0  }
0x3a: {  	[tilespmem:s16+$0x60] =	vst v1;
	v0 =	vld [tilespmem:s24+$0x70]  }
0x3b: {  	v1 =	vld [tilespmem:s25+$0x70];
	_ =	sdelay $0x1  }
0x3c: {  	[tilespmem:s17+$0xFFFFFF3F] =	vst v2  }
0x3d: {  	[tilespmem:s17+$0x20] =	vst v3;
	v2 =	vld [tilespmem:s19+$0x30]  }
0x3e: {  	v3 =	vld [tilespmem:s18+$0x30];
	[tilespmem:s16+$0xFFFFFF8F] =	vst v0  }
0x3f: {  	[tilespmem:s16+$0x70] =	vst v1;
	v0 =	vld [tilespmem:s24+$0x400]  }
0x40: {  	v1 =	vld [tilespmem:s25+$0x400];
	_ =	sdelay $0x1  }
0x41: {  	s28 =	simm.s32 $0x0;
	[tilespmem:s17+$0xFFFFFF4F] =	vst v2  }
0x42: {  	s20 =	sand.u32 $0xFFFE, s28;
	s21 =	simm.s32 $0xE1;
	[tilespmem:s17+$0x30] =	vst v3;
	v2 =	vld [tilespmem:s19+$0x40]  }
0x43: {  	s22 =	simm.s32 $0x200;
	s23 =	simm.s32 $0x400;
	s21 =	sand.u32 $0xFFFF, s21;
	v3 =	vld [tilespmem:s18+$0x40];
	[tilespmem:s20+$0xE080] =	vst v0  }
0x44: {  	s31 =	simm.s32 $0x280;
	s22 =	sand.u32 $0x300, s22;
	s26 =	sand.u32 $0xF800, s23;
	[tilespmem:s21+$0xE080] =	vst v1;
	v0 =	vld [tilespmem:s24+$0x410]  }
0x45: {  	s21 =	sor.u32 s22, s26;
	s20 =	sand.u32 $0x380, s31;
	v1 =	vld [tilespmem:s25+$0x410]  }
0x46: {  	v4 =	vld [tilespmem:s21+$0x0];
	s22 =	sor.u32 s20, s26  }
0x47: {  	[tilespmem:s17+$0xFFFFFF5F] =	vst v2;
	v5 =	vld [tilespmem:s22+$0x0]  }
0x48: {  	[tilespmem:s17+$0x40] =	vst v3;
	v2 =	vld [tilespmem:s19+$0x50]  }
0x49: {  	v3 =	vld [tilespmem:s18+$0x50];
	[tilespmem:s16+$0xFFFFFFAF] =	vst v0  }
0x4a: {  	s20 =	simm.s32 $0xE465;
	[tilespmem:s16+$0x90] =	vst v1;
	v0 =	vld [tilespmem:s24+$0x420]  }
0x4b: {  	[tilespmem:s20+$0xFFFFFF1F] =	vst v4;
	v1 =	vld [tilespmem:s25+$0x420]  }
0x4c: {  	v4 =	vld [tilespmem:s21+$0x10];
	[tilespmem:s20+$0x0] =	vst v5  }
0x4d: {  	[tilespmem:s17+$0xFFFFFF6F] =	vst v2;
	v5 =	vld [tilespmem:s22+$0x10]  }
0x4e: {  	[tilespmem:s17+$0x50] =	vst v3;
	v2 =	vld [tilespmem:s19+$0x60]  }
0x4f: {  	v3 =	vld [tilespmem:s18+$0x60];
	[tilespmem:s16+$0xFFFFFFBF] =	vst v0  }
0x50: {  	[tilespmem:s16+$0xA0] =	vst v1;
	v0 =	vld [tilespmem:s24+$0x430]  }
0x51: {  	[tilespmem:s20+$0xFFFFFF2F] =	vst v4;
	v1 =	vld [tilespmem:s25+$0x430]  }
0x52: {  	v4 =	vld [tilespmem:s21+$0x20];
	[tilespmem:s20+$0x10] =	vst v5  }
0x53: {  	[tilespmem:s17+$0xFFFFFF7F] =	vst v2;
	v5 =	vld [tilespmem:s22+$0x20]  }
0x54: {  	[tilespmem:s17+$0x60] =	vst v3;
	v2 =	vld [tilespmem:s19+$0x70]  }
0x55: {  	v6 =	vld [tilespmem:s18+$0x70];
	[tilespmem:s16+$0xFFFFFFCF] =	vst v0  }
0x56: {  	[tilespmem:s16+$0xB0] =	vst v1;
	v0 =	vld [tilespmem:s24+$0x440]  }
0x57: {  	[tilespmem:s20+$0xFFFFFF3F] =	vst v4;
	v1 =	vld [tilespmem:s25+$0x440]  }
0x58: {  	v4 =	vld [tilespmem:s21+$0x30];
	[tilespmem:s20+$0x20] =	vst v5  }
0x59: {  	[tilespmem:s17+$0xFFFFFF8F] =	vst v2;
	v5 =	vld [tilespmem:s22+$0x30]  }
0x5a: {  	[tilespmem:s17+$0x70] =	vst v6;
	v3 =	vld [tilespmem:s19+$0x400]  }
0x5b: {  	v2 =	vld [tilespmem:s18+$0x400];
	[tilespmem:s16+$0xFFFFFFDF] =	vst v0  }
0x5c: {  	s28 =	simm.s32 $0x1C2;
	[tilespmem:s16+$0xC0] =	vst v1;
	v0 =	vld [tilespmem:s24+$0x450]  }
0x5d: {  	s30 =	sand.u32 $0xFFFE, s28;
	[tilespmem:s20+$0xFFFFFF4F] =	vst v4;
	s24 =	simm.s32 $0x2A3;
	v1 =	vld [tilespmem:s25+$0x450]  }
0x5e: {  	s26 =	simm.s32 $0x4;
	v4 =	vld [tilespmem:s21+$0x40];
	[tilespmem:s20+$0x30] =	vst v5;
	s25 =	simm.s32 $0x380;
	s29 =	sand.u32 $0xFFFF, s24  }
.LBB2_5:
0x5f: {  	s28 =	sadd.s32 $0xFFFFFF80, s25;
	s26 =	sadd.s32 $0x2, s26;
	v5 =	vld [tilespmem:s22+$0x40];
	s23 =	sadd.s32 $0x200, s23;
	[tilespmem:s30+$0xE080] =	vst v3  }
0x60: {  	s30 =	sand.u32 $0xF800, s23;
	s28 =	sand.u32 $0x300, s28;
	p0 =	slt.u32 s26, $0xDE;
	v3 =	vld [tilespmem:s19+$0x410];
	[tilespmem:s29+$0xE080] =	vst v2  }
0x61: {  	s29 =	sor.u32 s28, s30;
	s28 =	sand.u32 $0x380, s25;
	v2 =	vld [tilespmem:s18+$0x410];
	[tilespmem:s16+$0xFFFFFFEF] =	vst v0  }
0x62: {  	v0 =	vld [tilespmem:s29+$0x0];
	s28 =	sor.u32 s28, s30;
	[tilespmem:s16+$0xD0] =	vst v1;
	s16 =	smov.u32 s17;
	s17 =	smov.u32 s20  }
0x63: {  	v1 =	vld [tilespmem:s28+$0x0];
	[tilespmem:s20+$0xFFFFFF5F] =	vst v4  }
0x64: {  	v4 =	vld [tilespmem:s21+$0x50];
	[tilespmem:s20+$0x40] =	vst v5  }
0x65: {  	v5 =	vld [tilespmem:s22+$0x50];
	[tilespmem:s16+$0xFFFFFFAF] =	vst v3  }
0x66: {  	s20 =	sadd.s32 $0x1C2, s20;
	v3 =	vld [tilespmem:s19+$0x420];
	[tilespmem:s16+$0x90] =	vst v2  }
0x67: {  	[tilespmem:s20+$0xFFFFFF1F] =	vst v0;
	v0 =	vld [tilespmem:s18+$0x420]  }
0x68: {  	v2 =	vld [tilespmem:s29+$0x10];
	[tilespmem:s20+$0x0] =	vst v1  }
0x69: {  	v1 =	vld [tilespmem:s28+$0x10];
	[tilespmem:s17+$0xFFFFFF6F] =	vst v4  }
0x6a: {  	v4 =	vld [tilespmem:s21+$0x60];
	[tilespmem:s17+$0x50] =	vst v5  }
0x6b: {  	v5 =	vld [tilespmem:s22+$0x60];
	[tilespmem:s16+$0xFFFFFFBF] =	vst v3  }
0x6c: {  	v3 =	vld [tilespmem:s19+$0x430];
	[tilespmem:s16+$0xA0] =	vst v0  }
0x6d: {  	[tilespmem:s20+$0xFFFFFF2F] =	vst v2;
	v0 =	vld [tilespmem:s18+$0x430]  }
0x6e: {  	v2 =	vld [tilespmem:s29+$0x20];
	[tilespmem:s20+$0x10] =	vst v1  }
0x6f: {  	v1 =	vld [tilespmem:s28+$0x20];
	[tilespmem:s17+$0xFFFFFF7F] =	vst v4  }
0x70: {  	v4 =	vld [tilespmem:s21+$0x70];
	[tilespmem:s17+$0x60] =	vst v5  }
0x71: {  	v5 =	vld [tilespmem:s22+$0x70];
	[tilespmem:s16+$0xFFFFFFCF] =	vst v3  }
0x72: {  	v6 =	vld [tilespmem:s19+$0x440];
	[tilespmem:s16+$0xB0] =	vst v0  }
0x73: {  	[tilespmem:s20+$0xFFFFFF3F] =	vst v2;
	v7 =	vld [tilespmem:s18+$0x440]  }
0x74: {  	v8 =	vld [tilespmem:s29+$0x30];
	[tilespmem:s20+$0x20] =	vst v1  }
0x75: {  	v9 =	vld [tilespmem:s28+$0x30];
	[tilespmem:s17+$0xFFFFFF8F] =	vst v4  }
.Ltmp1:
0x76: {  	v3 =	vld [tilespmem:s21+$0x400];
	[tilespmem:s17+$0x70] =	vst v5;
	(pc) =	sbr.rel @p0 .LBB2_5-.Ltmp1, $4  }
0x77: {  	v2 =	vld [tilespmem:s22+$0x400];
	[tilespmem:s16+$0xFFFFFFDF] =	vst v6  }
0x78: {  	s24 =	sadd.s32 $0x1C2, s24;
	v0 =	vld [tilespmem:s19+$0x450];
	[tilespmem:s16+$0xC0] =	vst v7;
	s19 =	smov.u32 s21;
	s21 =	smov.u32 s29  }
0x79: {  	s30 =	sadd.s32 $0xFFFFFF1F, s24;
	s29 =	sand.u32 $0xFFFF, s24;
	[tilespmem:s20+$0xFFFFFF4F] =	vst v8;
	v1 =	vld [tilespmem:s18+$0x450];
	s18 =	smov.u32 s22  }
0x7a: {  	s25 =	sadd.s32 $0x100, s25;
	s30 =	sand.u32 $0xFFFE, s30;
	s22 =	smov.u32 s28;
	v4 =	vld [tilespmem:s21+$0x40];
	[tilespmem:s20+$0x30] =	vst v9  }
0x7b: {  	v5 =	vld [tilespmem:s22+$0x40];
	_ =	sdelay $0x3  }
0x7c: {  	[tilespmem:s20+$0xFFFFFF5F] =	vst v4  }
0x7d: {  	v4 =	vld [tilespmem:s21+$0x50];
	[tilespmem:s20+$0x40] =	vst v5  }
0x7e: {  	v5 =	vld [tilespmem:s22+$0x50];
	_ =	sdelay $0x3  }
0x7f: {  	[tilespmem:s20+$0xFFFFFF6F] =	vst v4  }
0x80: {  	v4 =	vld [tilespmem:s21+$0x60];
	[tilespmem:s20+$0x50] =	vst v5  }
0x81: {  	v5 =	vld [tilespmem:s22+$0x60];
	_ =	sdelay $0x3  }
0x82: {  	[tilespmem:s20+$0xFFFFFF7F] =	vst v4  }
0x83: {  	v4 =	vld [tilespmem:s21+$0x70];
	[tilespmem:s20+$0x60] =	vst v5  }
0x84: {  	v5 =	vld [tilespmem:s22+$0x70];
	_ =	sdelay $0x3  }
0x85: {  	[tilespmem:s20+$0xFFFFFF8F] =	vst v4  }
0x86: {  	v4 =	vld [tilespmem:s21+$0x400];
	[tilespmem:s20+$0x70] =	vst v5  }
0x87: {  	v5 =	vld [tilespmem:s22+$0x400]  }
0x88: {  	s23 =	sadd.s32 $0x1C2, s24  }
0x89: {  	[tilespmem:s30+$0xE080] =	vst v3;
	s24 =	sadd.s32 $0xFFFFFF1F, s23  }
0x8a: {  	v3 =	vld [tilespmem:s19+$0x410];
	[tilespmem:s29+$0xE080] =	vst v2;
	s24 =	sand.u32 $0xFFFE, s24  }
0x8b: {  	s23 =	sand.u32 $0xFFFF, s23;
	v2 =	vld [tilespmem:s18+$0x410];
	[tilespmem:s24+$0xE080] =	vst v4  }
0x8c: {  	v4 =	vld [tilespmem:s21+$0x410];
	[tilespmem:s23+$0xE080] =	vst v5  }
0x8d: {  	v5 =	vld [tilespmem:s22+$0x410];
	_ =	sdelay $0x1  }
0x8e: {  	[tilespmem:s17+$0xFFFFFFAF] =	vst v3  }
0x8f: {  	v3 =	vld [tilespmem:s19+$0x420];
	[tilespmem:s17+$0x90] =	vst v2  }
0x90: {  	v2 =	vld [tilespmem:s18+$0x420];
	[tilespmem:s20+$0xFFFFFFAF] =	vst v4  }
0x91: {  	v4 =	vld [tilespmem:s21+$0x420];
	[tilespmem:s20+$0x90] =	vst v5  }
0x92: {  	v5 =	vld [tilespmem:s22+$0x420];
	_ =	sdelay $0x1  }
0x93: {  	[tilespmem:s17+$0xFFFFFFBF] =	vst v3  }
0x94: {  	v3 =	vld [tilespmem:s19+$0x430];
	[tilespmem:s17+$0xA0] =	vst v2  }
0x95: {  	v2 =	vld [tilespmem:s18+$0x430];
	[tilespmem:s20+$0xFFFFFFBF] =	vst v4  }
0x96: {  	s23 =	sadd.s32 s1, s15;
	v4 =	vld [tilespmem:s21+$0x430];
	[tilespmem:s20+$0xA0] =	vst v5  }
0x97: {  	s25 =	smulhi.u32 $0xAAAAAAAB, s23;
	v5 =	vld [tilespmem:s22+$0x430];
	_ =	sdelay $0x1  }
0x98: {  	[tilespmem:s17+$0xFFFFFFCF] =	vst v3;
	s24 =	sshrl.u32 s25, $0x7  }
0x99: {  	v3 =	vld [tilespmem:s19+$0x440];
	[tilespmem:s17+$0xB0] =	vst v2;
	s25 =	smul.u32 $0xC0, s24  }
0x9a: {  	v2 =	vld [tilespmem:s18+$0x440];
	p0 =	slt.s32 s23, $0x2FE;
	[tilespmem:s20+$0xFFFFFFCF] =	vst v4  }
0x9b: {  	s25 =	ssub.s32 s23, s25;
	s23 =	simm.s32 @!p0 $0x2FE;
	v4 =	vld [tilespmem:s21+$0x440];
	[tilespmem:s20+$0xB0] =	vst v5  }
0x9c: {  	s23 =	sadd.s32 $0x1, s23;
	v5 =	vld [tilespmem:s22+$0x440]  }
0x9d: {  	s26 =	smulhi.u32 $0xAAAAAAAB, s23  }
0x9e: {  	[tilespmem:s17+$0xFFFFFFDF] =	vst v3  }
0x9f: {  	v3 =	vld [tilespmem:s19+$0x450];
	[tilespmem:s17+$0xC0] =	vst v2;
	s26 =	sshrl.u32 s26, $0x7  }
0xa0: {  	v2 =	vld [tilespmem:s18+$0x450];
	s28 =	smul.u32 $0xC0, s26;
	[tilespmem:s20+$0xFFFFFFDF] =	vst v4  }
0xa1: {  	v4 =	vld [tilespmem:s21+$0x450];
	[tilespmem:s20+$0xC0] =	vst v5  }
0xa2: {  	[tilespmem:s16+$0xFFFFFFEF] =	vst v0;
	s19 =	smul.u32 $0xA80000, s26;
	s18 =	ssub.s32 s23, s28;
	v63 =	vld [tilespmem:s22+$0x450]  }
0xa3: {  	[tilespmem:s16+$0xD0] =	vst v1;
	s29 =	smul.u32 $0xE000, s18  }
0xa4: {  	[tilespmem:s17+$0xFFFFFFEF] =	vst v3  }
0xa5: {  	[tilespmem:s17+$0xD0] =	vst v2;
	s16 =	sadd.s32 s29, s19  }
0xa6: {  	s30 =	smul.u32 $0x1260000, s24;
	s16 =	sshrl.u32 s16, $0x3;
	[tilespmem:s20+$0xFFFFFFEF] =	vst v4  }
0xa7: {  	s31 =	smul.u32 $0x18800, s25;
	s18 =	simm.s32 $0x0;
	s16 =	sadd.s32 s2, s16;
	[tilespmem:s20+$0xD0] =	vst v63  }
0xa8: {  	[tilespmem:s18], [sflag:$0x1] =	stream.linear.gather [hbm4b:s16+s18], $0xE000, $0x38;
	[tilespmem:$0x1F900] =	vst v63  }
0xa9: {  	p0 =	por $0x0, $0x0;
	s16 =	sadd.s32 s31, s30  }
.LBB2_7:
0xaa: {  	s19 =	simm.s32 $0x1  }
0xab: {  	s17 =	sadd.s32 $0x1, s18;
	_ =	swait.ge [sflag:s10], $0xE00;
	s23 =	simm.s32 $0x10  }
0xac: {  	s19 =	simm.s32 @!p0 $0x0;
	p1 =	seq.s32 s17, $0xE;
	s22 =	smov.u32 s17  }
0xad: {  	[sflag:s10] =	ssyncset.done $0x0;
	s21 =	smul.u32 $0x7000, s19;
	s22 =	simm.s32 @p1 $0x0  }
0xae: {  	s19 =	sshll.u32 s19, $0x7;
	s31 =	sshll.u32 s22, $0x7;
	s22 =	smul.u32 $0x1C0, s22  }
0xaf: {  	[sflag:s10] =	ssyncadd.s32 $0xFFFFF200;
	s30 =	sshrl.u32 s21, $0x2;
	s21 =	sand.u32 $0x80, s31  }
0xb0: {  	s20 =	sor.u32 $0x1A840, s19;
	s21 =	sor.u32 $0x1A500, s21;
	s22 =	sadd.s32 s6, s22  }
0xb1: {  	s19 =	sadd.s32 $0x1CD80, s30;
	s25 =	sadd.s32 $0x0, s22;
	s24 =	sadd.s32 $0x100, s21  }
.LBB2_8:
0xb2: {  	[tilespmem:s21], [sflag:$0x2] =	stream.linear.gather [hbm4b:s25+s5], $0x80, $0x38;
	[tilespmem:$0x1F900] =	vst v63  }
0xb3: {  	s25 =	smov.u32 s23;
	s21 =	smov.u32 s24;
	p1 =	sne.s32 s23, $0x1B0  }
.Ltmp2:
0xb4: {  	s23 =	sadd.s32 $0x10, s23;
	(pc) =	sbr.rel @p1 .LBB2_8-.Ltmp2, $2  }
0xb5: {  	_ =	sdelay $0x2  }
0xb6: {  	s24 =	sadd.s32 $0x100, s24;
	s25 =	sadd.s32 s25, s22  }
0xb7: {  	[tilespmem:s21], [sflag:$0x2] =	stream.linear.gather [hbm4b:s25+s5], $0x80, $0x38;
	[tilespmem:$0x1F900] =	vst v63  }
0xb8: {  	p1 =	slt.u32 s18, $0x2  }
0xb9: {  	s21 =	simm.s32 @!p1 $0x3  }
0xba: {  	_ =	swait.ge @!p1 [sflag:s21], $0x1C00  }
0xbb: {  	[sflag:s21] =	ssyncset.done @!p1 $0x0  }
0xbc: {  	[sflag:s21] =	ssyncadd.s32 @!p1 $0xFFFFE400  }
0xbd: {  	v0 =	vld [tilespmem:s20+$0x0];
	_ =	sdelay $0x4  }
0xbe: {  	v1 =	vand.u32 $0xFFFF, v0;
	_ =	sdelay $0x3  }
0xbf: {  	v2 =	vld [tilespmem:s20+$0xFFFFFCC0]  }
0xc0: {  	v1 =	vld.idx.msk [tilespmem:v1+s11+$0x0], $0xffff  }
0xc1: {  	v0 =	vshrl.u32 v0, $0x10;
	_ =	sdelay $0x2  }
0xc2: {  	v3 =	vand.u32 $0xFFFF, v2  }
0xc3: {  	[tilespmem:s19+$0xFFFFF400] =	vst v1  }
0xc4: {  	v0 =	vld.idx.msk [tilespmem:v0+s11+$0x0], $0xffff;
	_ =	sdelay $0x2  }
0xc5: {  	v1 =	vld.idx.msk [tilespmem:v3+s11+$0x0], $0xffff  }
0xc6: {  	v2 =	vshrl.u32 v2, $0x10  }
0xc7: {  	[tilespmem:s19+$0xFFFFF410] =	vst v0  }
0xc8: {  	v0 =	vld [tilespmem:s20+$0x10];
	_ =	sdelay $0x1  }
0xc9: {  	[tilespmem:s19+$0xFFFFF380] =	vst v1  }
0xca: {  	v1 =	vld.idx.msk [tilespmem:v2+s11+$0x0], $0xffff;
	_ =	sdelay $0x1  }
0xcb: {  	v2 =	vand.u32 $0xFFFF, v0;
	_ =	sdelay $0x2  }
0xcc: {  	[tilespmem:s19+$0xFFFFF390] =	vst v1  }
0xcd: {  	v1 =	vld [tilespmem:s20+$0xFFFFFCD0]  }
0xce: {  	v2 =	vld.idx.msk [tilespmem:v2+s11+$0x0], $0xffff  }
0xcf: {  	v0 =	vshrl.u32 v0, $0x10;
	_ =	sdelay $0x2  }
0xd0: {  	v3 =	vand.u32 $0xFFFF, v1  }
0xd1: {  	[tilespmem:s19+$0xFFFFF420] =	vst v2  }
0xd2: {  	v0 =	vld.idx.msk [tilespmem:v0+s11+$0x0], $0xffff;
	_ =	sdelay $0x2  }
0xd3: {  	v2 =	vld.idx.msk [tilespmem:v3+s11+$0x0], $0xffff  }
0xd4: {  	v1 =	vshrl.u32 v1, $0x10  }
0xd5: {  	[tilespmem:s19+$0xFFFFF430] =	vst v0  }
0xd6: {  	v0 =	vld [tilespmem:s20+$0x20];
	_ =	sdelay $0x1  }
0xd7: {  	[tilespmem:s19+$0xFFFFF3A0] =	vst v2  }
0xd8: {  	v1 =	vld.idx.msk [tilespmem:v1+s11+$0x0], $0xffff;
	_ =	sdelay $0x1  }
0xd9: {  	v2 =	vand.u32 $0xFFFF, v0;
	_ =	sdelay $0x2  }
0xda: {  	[tilespmem:s19+$0xFFFFF3B0] =	vst v1  }
0xdb: {  	v1 =	vld [tilespmem:s20+$0xFFFFFCE0]  }
0xdc: {  	v2 =	vld.idx.msk [tilespmem:v2+s11+$0x0], $0xffff  }
0xdd: {  	v0 =	vshrl.u32 v0, $0x10;
	_ =	sdelay $0x2  }
0xde: {  	v3 =	vand.u32 $0xFFFF, v1  }
0xdf: {  	[tilespmem:s19+$0xFFFFF440] =	vst v2  }
0xe0: {  	v0 =	vld.idx.msk [tilespmem:v0+s11+$0x0], $0xffff;
	_ =	sdelay $0x2  }
0xe1: {  	v2 =	vld.idx.msk [tilespmem:v3+s11+$0x0], $0xffff  }
0xe2: {  	v1 =	vshrl.u32 v1, $0x10  }
0xe3: {  	[tilespmem:s19+$0xFFFFF450] =	vst v0  }
0xe4: {  	v0 =	vld [tilespmem:s20+$0x30];
	_ =	sdelay $0x1  }
0xe5: {  	[tilespmem:s19+$0xFFFFF3C0] =	vst v2  }
0xe6: {  	v1 =	vld.idx.msk [tilespmem:v1+s11+$0x0], $0xffff;
	_ =	sdelay $0x1  }
0xe7: {  	v2 =	vand.u32 $0xFFFF, v0;
	_ =	sdelay $0x2  }
0xe8: {  	[tilespmem:s19+$0xFFFFF3D0] =	vst v1  }
0xe9: {  	v1 =	vld [tilespmem:s20+$0xFFFFFCF0]  }
0xea: {  	v2 =	vld.idx.msk [tilespmem:v2+s11+$0x0], $0xffff  }
0xeb: {  	v0 =	vshrl.u32 v0, $0x10;
	_ =	sdelay $0x2  }
0xec: {  	v3 =	vand.u32 $0xFFFF, v1  }
0xed: {  	[tilespmem:s19+$0xFFFFF460] =	vst v2  }
0xee: {  	v0 =	vld.idx.msk [tilespmem:v0+s11+$0x0], $0xffff;
	_ =	sdelay $0x2  }
0xef: {  	v2 =	vld.idx.msk [tilespmem:v3+s11+$0x0], $0xffff  }
0xf0: {  	v1 =	vshrl.u32 v1, $0x10  }
0xf1: {  	[tilespmem:s19+$0xFFFFF470] =	vst v0  }
0xf2: {  	v0 =	vld [tilespmem:s20+$0xC0];
	_ =	sdelay $0x1  }
0xf3: {  	[tilespmem:s19+$0xFFFFF3E0] =	vst v2  }
0xf4: {  	v1 =	vld.idx.msk [tilespmem:v1+s11+$0x0], $0xffff;
	_ =	sdelay $0x1  }
0xf5: {  	v2 =	vand.u32 $0xFFFF, v0;
	_ =	sdelay $0x2  }
0xf6: {  	[tilespmem:s19+$0xFFFFF3F0] =	vst v1  }
0xf7: {  	v1 =	vld [tilespmem:s20+$0xFFFFFD00]  }
0xf8: {  	v2 =	vld.idx.msk [tilespmem:v2+s11+$0x0], $0xffff  }
0xf9: {  	v0 =	vshrl.u32 v0, $0x10;
	_ =	sdelay $0x2  }
0xfa: {  	v3 =	vand.u32 $0xFFFF, v1  }
0xfb: {  	[tilespmem:s19+$0xFFFFF800] =	vst v2  }
0xfc: {  	v0 =	vld.idx.msk [tilespmem:v0+s11+$0x0], $0xffff;
	_ =	sdelay $0x2  }
0xfd: {  	v2 =	vld.idx.msk [tilespmem:v3+s11+$0x0], $0xffff  }
0xfe: {  	v1 =	vshrl.u32 v1, $0x10  }
0xff: {  	[tilespmem:s19+$0xFFFFF810] =	vst v0  }
0x100: {  	v0 =	vld [tilespmem:s20+$0xD0];
	_ =	sdelay $0x1  }
0x101: {  	[tilespmem:s19+$0xFFFFF780] =	vst v2  }
0x102: {  	v1 =	vld.idx.msk [tilespmem:v1+s11+$0x0], $0xffff;
	_ =	sdelay $0x1  }
0x103: {  	v2 =	vand.u32 $0xFFFF, v0;
	_ =	sdelay $0x2  }
0x104: {  	[tilespmem:s19+$0xFFFFF790] =	vst v1  }
0x105: {  	v1 =	vld [tilespmem:s20+$0xFFFFFD10]  }
0x106: {  	v2 =	vld.idx.msk [tilespmem:v2+s11+$0x0], $0xffff  }
0x107: {  	v0 =	vshrl.u32 v0, $0x10;
	_ =	sdelay $0x2  }
0x108: {  	v3 =	vand.u32 $0xFFFF, v1  }
0x109: {  	[tilespmem:s19+$0xFFFFF820] =	vst v2  }
0x10a: {  	v0 =	vld.idx.msk [tilespmem:v0+s11+$0x0], $0xffff;
	_ =	sdelay $0x2  }
0x10b: {  	v2 =	vld.idx.msk [tilespmem:v3+s11+$0x0], $0xffff  }
0x10c: {  	v1 =	vshrl.u32 v1, $0x10  }
0x10d: {  	[tilespmem:s19+$0xFFFFF830] =	vst v0  }
0x10e: {  	v0 =	vld [tilespmem:s20+$0xE0];
	_ =	sdelay $0x1  }
0x10f: {  	[tilespmem:s19+$0xFFFFF7A0] =	vst v2  }
0x110: {  	v1 =	vld.idx.msk [tilespmem:v1+s11+$0x0], $0xffff;
	_ =	sdelay $0x1  }
0x111: {  	v2 =	vand.u32 $0xFFFF, v0;
	_ =	sdelay $0x2  }
0x112: {  	[tilespmem:s19+$0xFFFFF7B0] =	vst v1  }
0x113: {  	v1 =	vld [tilespmem:s20+$0xFFFFFD20]  }
0x114: {  	v2 =	vld.idx.msk [tilespmem:v2+s11+$0x0], $0xffff  }
0x115: {  	v0 =	vshrl.u32 v0, $0x10;
	_ =	sdelay $0x2  }
0x116: {  	v3 =	vand.u32 $0xFFFF, v1  }
0x117: {  	[tilespmem:s19+$0xFFFFF840] =	vst v2  }
0x118: {  	v0 =	vld.idx.msk [tilespmem:v0+s11+$0x0], $0xffff;
	_ =	sdelay $0x2  }
0x119: {  	v2 =	vld.idx.msk [tilespmem:v3+s11+$0x0], $0xffff  }
0x11a: {  	v1 =	vshrl.u32 v1, $0x10  }
0x11b: {  	[tilespmem:s19+$0xFFFFF850] =	vst v0  }
0x11c: {  	v0 =	vld [tilespmem:s20+$0xF0];
	_ =	sdelay $0x1  }
0x11d: {  	[tilespmem:s19+$0xFFFFF7C0] =	vst v2  }
0x11e: {  	v1 =	vld.idx.msk [tilespmem:v1+s11+$0x0], $0xffff;
	_ =	sdelay $0x1  }
0x11f: {  	v2 =	vand.u32 $0xFFFF, v0;
	_ =	sdelay $0x2  }
0x120: {  	[tilespmem:s19+$0xFFFFF7D0] =	vst v1  }
0x121: {  	v1 =	vld [tilespmem:s20+$0xFFFFFD30]  }
0x122: {  	v2 =	vld.idx.msk [tilespmem:v2+s11+$0x0], $0xffff  }
0x123: {  	v0 =	vshrl.u32 v0, $0x10;
	_ =	sdelay $0x2  }
0x124: {  	v3 =	vand.u32 $0xFFFF, v1  }
0x125: {  	[tilespmem:s19+$0xFFFFF860] =	vst v2  }
0x126: {  	s22 =	sadd.s32 $0x700, s20;
	v0 =	vld.idx.msk [tilespmem:v0+s11+$0x0], $0xffff  }
0x127: {  	v2 =	vld [tilespmem:s22+$0x0];
	_ =	sdelay $0x1  }
0x128: {  	v3 =	vld.idx.msk [tilespmem:v3+s11+$0x0], $0xffff  }
0x129: {  	v4 =	vld [tilespmem:s22+$0xFFFFFCC0];
	v1 =	vshrl.u32 v1, $0x10  }
0x12a: {  	[tilespmem:s19+$0xFFFFF870] =	vst v0  }
0x12b: {  	v0 =	vand.u32 $0xFFFF, v2;
	v5 =	vld [tilespmem:s20+$0x100];
	_ =	sdelay $0x1  }
0x12c: {  	[tilespmem:s19+$0xFFFFF7E0] =	vst v3  }
0x12d: {  	v3 =	vand.u32 $0xFFFF, v4;
	v1 =	vld.idx.msk [tilespmem:v1+s11+$0x0], $0xffff;
	_ =	sdelay $0x1  }
0x12e: {  	v0 =	vld.idx.msk [tilespmem:v0+s11+$0x0], $0xffff;
	v6 =	vand.u32 $0xFFFF, v5  }
0x12f: {  	v2 =	vshrl.u32 v2, $0x10;
	_ =	sdelay $0x1  }
0x130: {  	[tilespmem:s19+$0xFFFFF7F0] =	vst v1;
	v1 =	vld.idx.msk [tilespmem:v3+s11+$0x0], $0xffff  }
0x131: {  	s21 =	sadd.s32 $0x100, s19;
	v3 =	vshrl.u32 v4, $0x10;
	v4 =	vld [tilespmem:s20+$0xFFFFFDC0]  }
0x132: {  	[tilespmem:s21+$0xFFFFF400] =	vst v0;
	v0 =	vld.idx.msk [tilespmem:v6+s11+$0x0], $0xffff  }
0x133: {  	v5 =	vshrl.u32 v5, $0x10;
	v2 =	vld.idx.msk [tilespmem:v2+s11+$0x0], $0xffff;
	_ =	sdelay $0x1  }
0x134: {  	[tilespmem:s21+$0xFFFFF380] =	vst v1  }
0x135: {  	v1 =	vand.u32 $0xFFFF, v4;
	v3 =	vld.idx.msk [tilespmem:v3+s11+$0x0], $0xffff  }
0x136: {  	[tilespmem:s19+$0xFFFFFC00] =	vst v0  }
0x137: {  	[tilespmem:s21+$0xFFFFF410] =	vst v2;
	v0 =	vld.idx.msk [tilespmem:v5+s11+$0x0], $0xffff  }
0x138: {  	v2 =	vld [tilespmem:s22+$0x10];
	_ =	sdelay $0x1  }
0x139: {  	v1 =	vld.idx.msk [tilespmem:v1+s11+$0x0], $0xffff;
	[tilespmem:s21+$0xFFFFF390] =	vst v3  }
0x13a: {  	v3 =	vshrl.u32 v4, $0x10;
	v4 =	vld [tilespmem:s22+$0xFFFFFCD0]  }
0x13b: {  	[tilespmem:s19+$0xFFFFFC10] =	vst v0  }
0x13c: {  	v0 =	vand.u32 $0xFFFF, v2;
	v5 =	vld [tilespmem:s20+$0x110];
	_ =	sdelay $0x1  }
0x13d: {  	[tilespmem:s19+$0xFFFFFB80] =	vst v1  }
0x13e: {  	v1 =	vld.idx.msk [tilespmem:v3+s11+$0x0], $0xffff;
	v3 =	vand.u32 $0xFFFF, v4;
	_ =	sdelay $0x1  }
0x13f: {  	v0 =	vld.idx.msk [tilespmem:v0+s11+$0x0], $0xffff;
	v6 =	vand.u32 $0xFFFF, v5  }
0x140: {  	v2 =	vshrl.u32 v2, $0x10;
	_ =	sdelay $0x1  }
0x141: {  	[tilespmem:s19+$0xFFFFFB90] =	vst v1;
	v1 =	vld.idx.msk [tilespmem:v3+s11+$0x0], $0xffff  }
0x142: {  	v3 =	vshrl.u32 v4, $0x10;
	v4 =	vld [tilespmem:s20+$0xFFFFFDD0]  }
0x143: {  	[tilespmem:s21+$0xFFFFF420] =	vst v0;
	v0 =	vld.idx.msk [tilespmem:v6+s11+$0x0], $0xffff  }
0x144: {  	v5 =	vshrl.u32 v5, $0x10;
	v2 =	vld.idx.msk [tilespmem:v2+s11+$0x0], $0xffff;
	_ =	sdelay $0x1  }
0x145: {  	[tilespmem:s21+$0xFFFFF3A0] =	vst v1  }
0x146: {  	v1 =	vand.u32 $0xFFFF, v4;
	v3 =	vld.idx.msk [tilespmem:v3+s11+$0x0], $0xffff  }
0x147: {  	[tilespmem:s19+$0xFFFFFC20] =	vst v0  }
0x148: {  	[tilespmem:s21+$0xFFFFF430] =	vst v2;
	v0 =	vld.idx.msk [tilespmem:v5+s11+$0x0], $0xffff  }
0x149: {  	v2 =	vld [tilespmem:s22+$0x20];
	_ =	sdelay $0x1  }
0x14a: {  	v1 =	vld.idx.msk [tilespmem:v1+s11+$0x0], $0xffff;
	[tilespmem:s21+$0xFFFFF3B0] =	vst v3  }
0x14b: {  	v3 =	vshrl.u32 v4, $0x10;
	v4 =	vld [tilespmem:s22+$0xFFFFFCE0]  }
0x14c: {  	[tilespmem:s19+$0xFFFFFC30] =	vst v0  }
0x14d: {  	v0 =	vand.u32 $0xFFFF, v2;
	v5 =	vld [tilespmem:s20+$0x120];
	_ =	sdelay $0x1  }
0x14e: {  	[tilespmem:s19+$0xFFFFFBA0] =	vst v1  }
0x14f: {  	v1 =	vld.idx.msk [tilespmem:v3+s11+$0x0], $0xffff;
	v3 =	vand.u32 $0xFFFF, v4;
	_ =	sdelay $0x1  }
0x150: {  	v0 =	vld.idx.msk [tilespmem:v0+s11+$0x0], $0xffff;
	v6 =	vand.u32 $0xFFFF, v5  }
0x151: {  	v2 =	vshrl.u32 v2, $0x10;
	_ =	sdelay $0x1  }
0x152: {  	[tilespmem:s19+$0xFFFFFBB0] =	vst v1;
	v1 =	vld.idx.msk [tilespmem:v3+s11+$0x0], $0xffff  }
0x153: {  	v3 =	vshrl.u32 v4, $0x10;
	v4 =	vld [tilespmem:s20+$0xFFFFFDE0]  }
0x154: {  	[tilespmem:s21+$0xFFFFF440] =	vst v0;
	v0 =	vld.idx.msk [tilespmem:v6+s11+$0x0], $0xffff  }
0x155: {  	v5 =	vshrl.u32 v5, $0x10;
	v2 =	vld.idx.msk [tilespmem:v2+s11+$0x0], $0xffff;
	_ =	sdelay $0x1  }
0x156: {  	[tilespmem:s21+$0xFFFFF3C0] =	vst v1  }
0x157: {  	v1 =	vand.u32 $0xFFFF, v4;
	v3 =	vld.idx.msk [tilespmem:v3+s11+$0x0], $0xffff  }
0x158: {  	[tilespmem:s19+$0xFFFFFC40] =	vst v0  }
0x159: {  	[tilespmem:s21+$0xFFFFF450] =	vst v2;
	v0 =	vld.idx.msk [tilespmem:v5+s11+$0x0], $0xffff  }
0x15a: {  	v2 =	vld [tilespmem:s22+$0x30];
	_ =	sdelay $0x1  }
0x15b: {  	v1 =	vld.idx.msk [tilespmem:v1+s11+$0x0], $0xffff;
	[tilespmem:s21+$0xFFFFF3D0] =	vst v3  }
0x15c: {  	v3 =	vshrl.u32 v4, $0x10;
	v4 =	vld [tilespmem:s22+$0xFFFFFCF0]  }
0x15d: {  	[tilespmem:s19+$0xFFFFFC50] =	vst v0  }
0x15e: {  	v0 =	vand.u32 $0xFFFF, v2;
	v5 =	vld [tilespmem:s20+$0x130];
	_ =	sdelay $0x1  }
0x15f: {  	[tilespmem:s19+$0xFFFFFBC0] =	vst v1  }
0x160: {  	v1 =	vld.idx.msk [tilespmem:v3+s11+$0x0], $0xffff;
	v3 =	vand.u32 $0xFFFF, v4;
	_ =	sdelay $0x1  }
0x161: {  	v0 =	vld.idx.msk [tilespmem:v0+s11+$0x0], $0xffff;
	v6 =	vand.u32 $0xFFFF, v5  }
0x162: {  	v2 =	vshrl.u32 v2, $0x10;
	_ =	sdelay $0x1  }
0x163: {  	[tilespmem:s19+$0xFFFFFBD0] =	vst v1;
	v1 =	vld.idx.msk [tilespmem:v3+s11+$0x0], $0xffff  }
0x164: {  	v3 =	vshrl.u32 v4, $0x10;
	v4 =	vld [tilespmem:s20+$0xFFFFFDF0]  }
0x165: {  	[tilespmem:s21+$0xFFFFF460] =	vst v0;
	v0 =	vld.idx.msk [tilespmem:v6+s11+$0x0], $0xffff  }
0x166: {  	v5 =	vshrl.u32 v5, $0x10;
	v2 =	vld.idx.msk [tilespmem:v2+s11+$0x0], $0xffff;
	_ =	sdelay $0x1  }
0x167: {  	[tilespmem:s21+$0xFFFFF3E0] =	vst v1  }
0x168: {  	v1 =	vand.u32 $0xFFFF, v4;
	v3 =	vld.idx.msk [tilespmem:v3+s11+$0x0], $0xffff  }
0x169: {  	[tilespmem:s19+$0xFFFFFC60] =	vst v0  }
0x16a: {  	[tilespmem:s21+$0xFFFFF470] =	vst v2;
	v0 =	vld.idx.msk [tilespmem:v5+s11+$0x0], $0xffff  }
0x16b: {  	v2 =	vld [tilespmem:s22+$0xC0];
	_ =	sdelay $0x1  }
0x16c: {  	v1 =	vld.idx.msk [tilespmem:v1+s11+$0x0], $0xffff;
	[tilespmem:s21+$0xFFFFF3F0] =	vst v3  }
0x16d: {  	v3 =	vshrl.u32 v4, $0x10;
	v4 =	vld [tilespmem:s22+$0xFFFFFD00]  }
0x16e: {  	[tilespmem:s19+$0xFFFFFC70] =	vst v0  }
0x16f: {  	v0 =	vand.u32 $0xFFFF, v2;
	v5 =	vld [tilespmem:s20+$0x1C0];
	_ =	sdelay $0x1  }
0x170: {  	[tilespmem:s19+$0xFFFFFBE0] =	vst v1  }
0x171: {  	v1 =	vld.idx.msk [tilespmem:v3+s11+$0x0], $0xffff;
	v3 =	vand.u32 $0xFFFF, v4;
	_ =	sdelay $0x1  }
0x172: {  	v0 =	vld.idx.msk [tilespmem:v0+s11+$0x0], $0xffff;
	v6 =	vand.u32 $0xFFFF, v5  }
0x173: {  	v2 =	vshrl.u32 v2, $0x10;
	_ =	sdelay $0x1  }
0x174: {  	[tilespmem:s19+$0xFFFFFBF0] =	vst v1;
	v1 =	vld.idx.msk [tilespmem:v3+s11+$0x0], $0xffff  }
0x175: {  	v3 =	vshrl.u32 v4, $0x10;
	v4 =	vld [tilespmem:s20+$0xFFFFFE00]  }
0x176: {  	[tilespmem:s21+$0xFFFFF800] =	vst v0;
	v0 =	vld.idx.msk [tilespmem:v6+s11+$0x0], $0xffff  }
0x177: {  	v5 =	vshrl.u32 v5, $0x10;
	v2 =	vld.idx.msk [tilespmem:v2+s11+$0x0], $0xffff;
	_ =	sdelay $0x1  }
0x178: {  	[tilespmem:s21+$0xFFFFF780] =	vst v1  }
0x179: {  	v1 =	vand.u32 $0xFFFF, v4;
	v3 =	vld.idx.msk [tilespmem:v3+s11+$0x0], $0xffff  }
0x17a: {  	[tilespmem:s19+$0x0] =	vst v0  }
0x17b: {  	[tilespmem:s21+$0xFFFFF810] =	vst v2;
	v0 =	vld.idx.msk [tilespmem:v5+s11+$0x0], $0xffff  }
0x17c: {  	v2 =	vld [tilespmem:s22+$0xD0];
	_ =	sdelay $0x1  }
0x17d: {  	v1 =	vld.idx.msk [tilespmem:v1+s11+$0x0], $0xffff;
	[tilespmem:s21+$0xFFFFF790] =	vst v3  }
0x17e: {  	v3 =	vshrl.u32 v4, $0x10;
	v4 =	vld [tilespmem:s22+$0xFFFFFD10]  }
0x17f: {  	[tilespmem:s19+$0x10] =	vst v0  }
0x180: {  	v0 =	vand.u32 $0xFFFF, v2;
	v5 =	vld [tilespmem:s20+$0x1D0];
	_ =	sdelay $0x1  }
0x181: {  	[tilespmem:s19+$0xFFFFFF80] =	vst v1  }
0x182: {  	v1 =	vld.idx.msk [tilespmem:v3+s11+$0x0], $0xffff;
	v3 =	vand.u32 $0xFFFF, v4;
	_ =	sdelay $0x1  }
0x183: {  	v0 =	vld.idx.msk [tilespmem:v0+s11+$0x0], $0xffff;
	v6 =	vand.u32 $0xFFFF, v5  }
0x184: {  	v2 =	vshrl.u32 v2, $0x10;
	_ =	sdelay $0x1  }
0x185: {  	[tilespmem:s19+$0xFFFFFF90] =	vst v1;
	v1 =	vld.idx.msk [tilespmem:v3+s11+$0x0], $0xffff  }
0x186: {  	v3 =	vshrl.u32 v4, $0x10;
	v4 =	vld [tilespmem:s20+$0xFFFFFE10]  }
0x187: {  	[tilespmem:s21+$0xFFFFF820] =	vst v0;
	v0 =	vld.idx.msk [tilespmem:v6+s11+$0x0], $0xffff  }
0x188: {  	v5 =	vshrl.u32 v5, $0x10;
	v2 =	vld.idx.msk [tilespmem:v2+s11+$0x0], $0xffff;
	_ =	sdelay $0x1  }
0x189: {  	[tilespmem:s21+$0xFFFFF7A0] =	vst v1  }
0x18a: {  	v1 =	vand.u32 $0xFFFF, v4;
	v3 =	vld.idx.msk [tilespmem:v3+s11+$0x0], $0xffff  }
0x18b: {  	[tilespmem:s19+$0x20] =	vst v0  }
0x18c: {  	[tilespmem:s21+$0xFFFFF830] =	vst v2;
	v0 =	vld.idx.msk [tilespmem:v5+s11+$0x0], $0xffff  }
0x18d: {  	v2 =	vld [tilespmem:s22+$0xE0];
	_ =	sdelay $0x1  }
0x18e: {  	v1 =	vld.idx.msk [tilespmem:v1+s11+$0x0], $0xffff;
	[tilespmem:s21+$0xFFFFF7B0] =	vst v3  }
0x18f: {  	v3 =	vshrl.u32 v4, $0x10;
	v4 =	vld [tilespmem:s22+$0xFFFFFD20]  }
0x190: {  	[tilespmem:s19+$0x30] =	vst v0  }
0x191: {  	v0 =	vand.u32 $0xFFFF, v2;
	v5 =	vld [tilespmem:s20+$0x1E0];
	_ =	sdelay $0x1  }
0x192: {  	[tilespmem:s19+$0xFFFFFFA0] =	vst v1  }
0x193: {  	v1 =	vld.idx.msk [tilespmem:v3+s11+$0x0], $0xffff;
	v3 =	vand.u32 $0xFFFF, v4;
	_ =	sdelay $0x1  }
0x194: {  	v0 =	vld.idx.msk [tilespmem:v0+s11+$0x0], $0xffff;
	v6 =	vand.u32 $0xFFFF, v5  }
0x195: {  	v2 =	vshrl.u32 v2, $0x10;
	_ =	sdelay $0x1  }
0x196: {  	[tilespmem:s19+$0xFFFFFFB0] =	vst v1;
	v1 =	vld.idx.msk [tilespmem:v3+s11+$0x0], $0xffff  }
0x197: {  	v3 =	vshrl.u32 v4, $0x10;
	v4 =	vld [tilespmem:s20+$0xFFFFFE20]  }
0x198: {  	[tilespmem:s21+$0xFFFFF840] =	vst v0;
	v0 =	vld.idx.msk [tilespmem:v6+s11+$0x0], $0xffff  }
0x199: {  	v5 =	vshrl.u32 v5, $0x10;
	v2 =	vld.idx.msk [tilespmem:v2+s11+$0x0], $0xffff;
	_ =	sdelay $0x1  }
0x19a: {  	[tilespmem:s21+$0xFFFFF7C0] =	vst v1  }
0x19b: {  	v1 =	vand.u32 $0xFFFF, v4;
	v3 =	vld.idx.msk [tilespmem:v3+s11+$0x0], $0xffff  }
0x19c: {  	[tilespmem:s19+$0x40] =	vst v0  }
0x19d: {  	[tilespmem:s21+$0xFFFFF850] =	vst v2;
	v0 =	vld.idx.msk [tilespmem:v5+s11+$0x0], $0xffff  }
0x19e: {  	v2 =	vld [tilespmem:s22+$0xF0];
	_ =	sdelay $0x1  }
0x19f: {  	v1 =	vld.idx.msk [tilespmem:v1+s11+$0x0], $0xffff;
	[tilespmem:s21+$0xFFFFF7D0] =	vst v3  }
0x1a0: {  	v3 =	vshrl.u32 v4, $0x10;
	v4 =	vld [tilespmem:s22+$0xFFFFFD30]  }
0x1a1: {  	[tilespmem:s19+$0x50] =	vst v0  }
0x1a2: {  	v0 =	vand.u32 $0xFFFF, v2;
	v5 =	vld [tilespmem:s20+$0x1F0];
	_ =	sdelay $0x1  }
0x1a3: {  	[tilespmem:s19+$0xFFFFFFC0] =	vst v1  }
0x1a4: {  	v1 =	vld.idx.msk [tilespmem:v3+s11+$0x0], $0xffff;
	v3 =	vand.u32 $0xFFFF, v4;
	_ =	sdelay $0x1  }
0x1a5: {  	v0 =	vld.idx.msk [tilespmem:v0+s11+$0x0], $0xffff;
	v6 =	vand.u32 $0xFFFF, v5  }
0x1a6: {  	v2 =	vshrl.u32 v2, $0x10;
	_ =	sdelay $0x1  }
0x1a7: {  	[tilespmem:s19+$0xFFFFFFD0] =	vst v1;
	v1 =	vld.idx.msk [tilespmem:v3+s11+$0x0], $0xffff  }
0x1a8: {  	v3 =	vshrl.u32 v4, $0x10;
	v4 =	vld [tilespmem:s20+$0xFFFFFE30]  }
0x1a9: {  	[tilespmem:s21+$0xFFFFF860] =	vst v0;
	v0 =	vld.idx.msk [tilespmem:v6+s11+$0x0], $0xffff  }
0x1aa: {  	s23 =	sadd.s32 $0x700, s22;
	v2 =	vld.idx.msk [tilespmem:v2+s11+$0x0], $0xffff  }
0x1ab: {  	v5 =	vshrl.u32 v5, $0x10;
	v6 =	vld [tilespmem:s23+$0x0]  }
0x1ac: {  	[tilespmem:s21+$0xFFFFF7E0] =	vst v1  }
0x1ad: {  	v1 =	vand.u32 $0xFFFF, v4;
	v3 =	vld.idx.msk [tilespmem:v3+s11+$0x0], $0xffff  }
0x1ae: {  	v7 =	vld [tilespmem:s23+$0xFFFFFCC0]  }
0x1af: {  	[tilespmem:s19+$0x60] =	vst v0  }
0x1b0: {  	v0 =	vand.u32 $0xFFFF, v6;
	[tilespmem:s21+$0xFFFFF870] =	vst v2;
	v2 =	vld.idx.msk [tilespmem:v5+s11+$0x0], $0xffff  }
0x1b1: {  	v5 =	vld [tilespmem:s22+$0x100]  }
0x1b2: {  	v1 =	vld.idx.msk [tilespmem:v1+s11+$0x0], $0xffff;
	[tilespmem:s21+$0xFFFFF7F0] =	vst v3  }
0x1b3: {  	v3 =	vand.u32 $0xFFFF, v7;
	v8 =	vld [tilespmem:s22+$0xFFFFFDC0]  }
0x1b4: {  	v4 =	vshrl.u32 v4, $0x10  }
0x1b5: {  	v0 =	vld.idx.msk [tilespmem:v0+s11+$0x0], $0xffff;
	[tilespmem:s19+$0x70] =	vst v2  }
0x1b6: {  	v2 =	vand.u32 $0xFFFF, v5;
	v9 =	vld [tilespmem:s20+$0x200]  }
0x1b7: {  	v6 =	vshrl.u32 v6, $0x10  }
0x1b8: {  	[tilespmem:s19+$0xFFFFFFE0] =	vst v1;
	v1 =	vld.idx.msk [tilespmem:v3+s11+$0x0], $0xffff;
	v3 =	vand.u32 $0xFFFF, v8  }
0x1b9: {  	v7 =	vshrl.u32 v7, $0x10;
	v4 =	vld.idx.msk [tilespmem:v4+s11+$0x0], $0xffff  }
0x1ba: {  	s26 =	sadd.s32 $0x100, s21  }
0x1bb: {  	[tilespmem:s26+$0xFFFFF400] =	vst v0;
	v0 =	vld.idx.msk [tilespmem:v2+s11+$0x0], $0xffff;
	v2 =	vand.u32 $0xFFFF, v9  }
0x1bc: {  	v5 =	vshrl.u32 v5, $0x10;
	v6 =	vld.idx.msk [tilespmem:v6+s11+$0x0], $0xffff  }
0x1bd: {  	[tilespmem:s26+$0xFFFFF380] =	vst v1;
	v1 =	vld.idx.msk [tilespmem:v3+s11+$0x0], $0xffff  }
0x1be: {  	v3 =	vld.idx.msk [tilespmem:v7+s11+$0x0], $0xffff;
	[tilespmem:s19+$0xFFFFFFF0] =	vst v4  }
0x1bf: {  	v4 =	vshrl.u32 v8, $0x10;
	v7 =	vld [tilespmem:s20+$0xFFFFFEC0]  }
0x1c0: {  	[tilespmem:s21+$0xFFFFFC00] =	vst v0;
	v0 =	vld.idx.msk [tilespmem:v2+s11+$0x0], $0xffff  }
0x1c1: {  	[tilespmem:s26+$0xFFFFF410] =	vst v6;
	v2 =	vld.idx.msk [tilespmem:v5+s11+$0x0], $0xffff  }
0x1c2: {  	v6 =	vshrl.u32 v9, $0x10;
	v5 =	vld [tilespmem:s23+$0x10]  }
0x1c3: {  	[tilespmem:s21+$0xFFFFFB80] =	vst v1  }
0x1c4: {  	[tilespmem:s26+$0xFFFFF390] =	vst v3;
	v1 =	vld.idx.msk [tilespmem:v4+s11+$0x0], $0xffff;
	v3 =	vand.u32 $0xFFFF, v7  }
0x1c5: {  	v4 =	vld [tilespmem:s23+$0xFFFFFCD0]  }
0x1c6: {  	[tilespmem:s19+$0x400] =	vst v0  }
0x1c7: {  	v0 =	vand.u32 $0xFFFF, v5;
	[tilespmem:s21+$0xFFFFFC10] =	vst v2;
	v2 =	vld.idx.msk [tilespmem:v6+s11+$0x0], $0xffff  }
0x1c8: {  	v6 =	vld [tilespmem:s22+$0x110]  }
0x1c9: {  	v3 =	vld.idx.msk [tilespmem:v3+s11+$0x0], $0xffff;
	[tilespmem:s21+$0xFFFFFB90] =	vst v1  }
0x1ca: {  	v1 =	vand.u32 $0xFFFF, v4;
	v8 =	vld [tilespmem:s22+$0xFFFFFDD0]  }
0x1cb: {  	v7 =	vshrl.u32 v7, $0x10  }
0x1cc: {  	v0 =	vld.idx.msk [tilespmem:v0+s11+$0x0], $0xffff;
	[tilespmem:s19+$0x410] =	vst v2  }
0x1cd: {  	v2 =	vand.u32 $0xFFFF, v6;
	v9 =	vld [tilespmem:s20+$0x210]  }
0x1ce: {  	v5 =	vshrl.u32 v5, $0x10  }
0x1cf: {  	v1 =	vld.idx.msk [tilespmem:v1+s11+$0x0], $0xffff;
	[tilespmem:s19+$0x380] =	vst v3;
	v3 =	vand.u32 $0xFFFF, v8  }
0x1d0: {  	v4 =	vshrl.u32 v4, $0x10;
	v7 =	vld.idx.msk [tilespmem:v7+s11+$0x0], $0xffff;
	_ =	sdelay $0x1  }
0x1d1: {  	[tilespmem:s26+$0xFFFFF420] =	vst v0;
	v0 =	vld.idx.msk [tilespmem:v2+s11+$0x0], $0xffff;
	v2 =	vand.u32 $0xFFFF, v9  }
0x1d2: {  	v6 =	vshrl.u32 v6, $0x10;
	v5 =	vld.idx.msk [tilespmem:v5+s11+$0x0], $0xffff  }
0x1d3: {  	[tilespmem:s26+$0xFFFFF3A0] =	vst v1;
	v1 =	vld.idx.msk [tilespmem:v3+s11+$0x0], $0xffff  }
0x1d4: {  	v3 =	vld.idx.msk [tilespmem:v4+s11+$0x0], $0xffff;
	[tilespmem:s19+$0x390] =	vst v7  }
0x1d5: {  	v4 =	vshrl.u32 v8, $0x10;
	v7 =	vld [tilespmem:s20+$0xFFFFFED0]  }
0x1d6: {  	[tilespmem:s21+$0xFFFFFC20] =	vst v0;
	v0 =	vld.idx.msk [tilespmem:v2+s11+$0x0], $0xffff  }
0x1d7: {  	[tilespmem:s26+$0xFFFFF430] =	vst v5;
	v2 =	vld.idx.msk [tilespmem:v6+s11+$0x0], $0xffff  }
0x1d8: {  	v5 =	vld [tilespmem:s23+$0x20];
	v6 =	vshrl.u32 v9, $0x10  }
0x1d9: {  	[tilespmem:s21+$0xFFFFFBA0] =	vst v1  }
0x1da: {  	[tilespmem:s26+$0xFFFFF3B0] =	vst v3;
	v1 =	vld.idx.msk [tilespmem:v4+s11+$0x0], $0xffff;
	v3 =	vand.u32 $0xFFFF, v7  }
0x1db: {  	v4 =	vld [tilespmem:s23+$0xFFFFFCE0]  }
0x1dc: {  	[tilespmem:s19+$0x420] =	vst v0  }
0x1dd: {  	v0 =	vand.u32 $0xFFFF, v5;
	[tilespmem:s21+$0xFFFFFC30] =	vst v2;
	v2 =	vld.idx.msk [tilespmem:v6+s11+$0x0], $0xffff  }
0x1de: {  	v6 =	vld [tilespmem:s22+$0x120]  }
0x1df: {  	v3 =	vld.idx.msk [tilespmem:v3+s11+$0x0], $0xffff;
	[tilespmem:s21+$0xFFFFFBB0] =	vst v1  }
0x1e0: {  	v1 =	vand.u32 $0xFFFF, v4;
	v8 =	vld [tilespmem:s22+$0xFFFFFDE0]  }
0x1e1: {  	v7 =	vshrl.u32 v7, $0x10  }
0x1e2: {  	v0 =	vld.idx.msk [tilespmem:v0+s11+$0x0], $0xffff;
	[tilespmem:s19+$0x430] =	vst v2  }
0x1e3: {  	v2 =	vand.u32 $0xFFFF, v6;
	v9 =	vld [tilespmem:s20+$0x220]  }
0x1e4: {  	v5 =	vshrl.u32 v5, $0x10  }
0x1e5: {  	v1 =	vld.idx.msk [tilespmem:v1+s11+$0x0], $0xffff;
	[tilespmem:s19+$0x3A0] =	vst v3;
	v3 =	vand.u32 $0xFFFF, v8  }
0x1e6: {  	v4 =	vshrl.u32 v4, $0x10;
	v7 =	vld.idx.msk [tilespmem:v7+s11+$0x0], $0xffff;
	_ =	sdelay $0x1  }
0x1e7: {  	[tilespmem:s26+$0xFFFFF440] =	vst v0;
	v0 =	vld.idx.msk [tilespmem:v2+s11+$0x0], $0xffff;
	v2 =	vand.u32 $0xFFFF, v9  }
0x1e8: {  	v6 =	vshrl.u32 v6, $0x10;
	v5 =	vld.idx.msk [tilespmem:v5+s11+$0x0], $0xffff  }
0x1e9: {  	[tilespmem:s26+$0xFFFFF3C0] =	vst v1;
	v1 =	vld.idx.msk [tilespmem:v3+s11+$0x0], $0xffff  }
0x1ea: {  	v3 =	vld.idx.msk [tilespmem:v4+s11+$0x0], $0xffff;
	[tilespmem:s19+$0x3B0] =	vst v7  }
0x1eb: {  	v4 =	vshrl.u32 v8, $0x10;
	v7 =	vld [tilespmem:s20+$0xFFFFFEE0]  }
0x1ec: {  	[tilespmem:s21+$0xFFFFFC40] =	vst v0;
	v0 =	vld.idx.msk [tilespmem:v2+s11+$0x0], $0xffff  }
0x1ed: {  	[tilespmem:s26+$0xFFFFF450] =	vst v5;
	v2 =	vld.idx.msk [tilespmem:v6+s11+$0x0], $0xffff  }
0x1ee: {  	v5 =	vld [tilespmem:s23+$0x30];
	v6 =	vshrl.u32 v9, $0x10  }
0x1ef: {  	[tilespmem:s21+$0xFFFFFBC0] =	vst v1  }
0x1f0: {  	[tilespmem:s26+$0xFFFFF3D0] =	vst v3;
	v1 =	vld.idx.msk [tilespmem:v4+s11+$0x0], $0xffff;
	v3 =	vand.u32 $0xFFFF, v7  }
0x1f1: {  	v4 =	vld [tilespmem:s23+$0xFFFFFCF0]  }
0x1f2: {  	[tilespmem:s19+$0x440] =	vst v0  }
0x1f3: {  	v0 =	vand.u32 $0xFFFF, v5;
	[tilespmem:s21+$0xFFFFFC50] =	vst v2;
	v2 =	vld.idx.msk [tilespmem:v6+s11+$0x0], $0xffff  }
0x1f4: {  	v6 =	vld [tilespmem:s22+$0x130]  }
0x1f5: {  	v3 =	vld.idx.msk [tilespmem:v3+s11+$0x0], $0xffff;
	[tilespmem:s21+$0xFFFFFBD0] =	vst v1  }
0x1f6: {  	v1 =	vand.u32 $0xFFFF, v4;
	v8 =	vld [tilespmem:s22+$0xFFFFFDF0]  }
0x1f7: {  	v7 =	vshrl.u32 v7, $0x10  }
0x1f8: {  	v0 =	vld.idx.msk [tilespmem:v0+s11+$0x0], $0xffff;
	[tilespmem:s19+$0x450] =	vst v2  }
0x1f9: {  	v2 =	vand.u32 $0xFFFF, v6;
	v9 =	vld [tilespmem:s20+$0x230]  }
0x1fa: {  	v5 =	vshrl.u32 v5, $0x10  }
0x1fb: {  	v1 =	vld.idx.msk [tilespmem:v1+s11+$0x0], $0xffff;
	[tilespmem:s19+$0x3C0] =	vst v3;
	v3 =	vand.u32 $0xFFFF, v8  }
0x1fc: {  	v4 =	vshrl.u32 v4, $0x10;
	v7 =	vld.idx.msk [tilespmem:v7+s11+$0x0], $0xffff;
	_ =	sdelay $0x1  }
0x1fd: {  	[tilespmem:s26+$0xFFFFF460] =	vst v0;
	v0 =	vld.idx.msk [tilespmem:v2+s11+$0x0], $0xffff;
	v2 =	vand.u32 $0xFFFF, v9  }
0x1fe: {  	v6 =	vshrl.u32 v6, $0x10;
	v5 =	vld.idx.msk [tilespmem:v5+s11+$0x0], $0xffff  }
0x1ff: {  	[tilespmem:s26+$0xFFFFF3E0] =	vst v1;
	v1 =	vld.idx.msk [tilespmem:v3+s11+$0x0], $0xffff  }
0x200: {  	v3 =	vld.idx.msk [tilespmem:v4+s11+$0x0], $0xffff;
	[tilespmem:s19+$0x3D0] =	vst v7  }
0x201: {  	v4 =	vshrl.u32 v8, $0x10;
	v7 =	vld [tilespmem:s20+$0xFFFFFEF0]  }
0x202: {  	[tilespmem:s21+$0xFFFFFC60] =	vst v0;
	v0 =	vld.idx.msk [tilespmem:v2+s11+$0x0], $0xffff  }
0x203: {  	[tilespmem:s26+$0xFFFFF470] =	vst v5;
	v2 =	vld.idx.msk [tilespmem:v6+s11+$0x0], $0xffff  }
0x204: {  	v5 =	vld [tilespmem:s23+$0xC0];
	v6 =	vshrl.u32 v9, $0x10  }
0x205: {  	[tilespmem:s21+$0xFFFFFBE0] =	vst v1  }
0x206: {  	[tilespmem:s26+$0xFFFFF3F0] =	vst v3;
	v1 =	vld.idx.msk [tilespmem:v4+s11+$0x0], $0xffff;
	v3 =	vand.u32 $0xFFFF, v7  }
0x207: {  	v4 =	vld [tilespmem:s23+$0xFFFFFD00]  }
0x208: {  	[tilespmem:s19+$0x460] =	vst v0  }
0x209: {  	v0 =	vand.u32 $0xFFFF, v5;
	[tilespmem:s21+$0xFFFFFC70] =	vst v2;
	v2 =	vld.idx.msk [tilespmem:v6+s11+$0x0], $0xffff  }
0x20a: {  	v6 =	vld [tilespmem:s22+$0x1C0]  }
0x20b: {  	v3 =	vld.idx.msk [tilespmem:v3+s11+$0x0], $0xffff;
	[tilespmem:s21+$0xFFFFFBF0] =	vst v1  }
0x20c: {  	v1 =	vand.u32 $0xFFFF, v4;
	v8 =	vld [tilespmem:s22+$0xFFFFFE00]  }
0x20d: {  	v7 =	vshrl.u32 v7, $0x10  }
0x20e: {  	v0 =	vld.idx.msk [tilespmem:v0+s11+$0x0], $0xffff;
	[tilespmem:s19+$0x470] =	vst v2  }
0x20f: {  	v2 =	vand.u32 $0xFFFF, v6;
	v9 =	vld [tilespmem:s20+$0x2C0]  }
0x210: {  	v5 =	vshrl.u32 v5, $0x10  }
0x211: {  	v1 =	vld.idx.msk [tilespmem:v1+s11+$0x0], $0xffff;
	[tilespmem:s19+$0x3E0] =	vst v3;
	v3 =	vand.u32 $0xFFFF, v8  }
0x212: {  	v4 =	vshrl.u32 v4, $0x10;
	v7 =	vld.idx.msk [tilespmem:v7+s11+$0x0], $0xffff;
	_ =	sdelay $0x1  }
0x213: {  	[tilespmem:s26+$0xFFFFF800] =	vst v0;
	v0 =	vld.idx.msk [tilespmem:v2+s11+$0x0], $0xffff;
	v2 =	vand.u32 $0xFFFF, v9  }
0x214: {  	v6 =	vshrl.u32 v6, $0x10;
	v5 =	vld.idx.msk [tilespmem:v5+s11+$0x0], $0xffff  }
0x215: {  	[tilespmem:s26+$0xFFFFF780] =	vst v1;
	v1 =	vld.idx.msk [tilespmem:v3+s11+$0x0], $0xffff  }
0x216: {  	v3 =	vld.idx.msk [tilespmem:v4+s11+$0x0], $0xffff;
	[tilespmem:s19+$0x3F0] =	vst v7  }
0x217: {  	v4 =	vshrl.u32 v8, $0x10;
	v7 =	vld [tilespmem:s20+$0xFFFFFF00]  }
0x218: {  	[tilespmem:s21+$0x0] =	vst v0;
	v0 =	vld.idx.msk [tilespmem:v2+s11+$0x0], $0xffff  }
0x219: {  	[tilespmem:s26+$0xFFFFF810] =	vst v5;
	v2 =	vld.idx.msk [tilespmem:v6+s11+$0x0], $0xffff  }
0x21a: {  	v5 =	vld [tilespmem:s23+$0xD0];
	v6 =	vshrl.u32 v9, $0x10  }
0x21b: {  	[tilespmem:s21+$0xFFFFFF80] =	vst v1  }
0x21c: {  	[tilespmem:s26+$0xFFFFF790] =	vst v3;
	v1 =	vld.idx.msk [tilespmem:v4+s11+$0x0], $0xffff;
	v3 =	vand.u32 $0xFFFF, v7  }
0x21d: {  	v4 =	vld [tilespmem:s23+$0xFFFFFD10]  }
0x21e: {  	[tilespmem:s19+$0x800] =	vst v0  }
0x21f: {  	v0 =	vand.u32 $0xFFFF, v5;
	[tilespmem:s21+$0x10] =	vst v2;
	v2 =	vld.idx.msk [tilespmem:v6+s11+$0x0], $0xffff  }
0x220: {  	v6 =	vld [tilespmem:s22+$0x1D0]  }
0x221: {  	v3 =	vld.idx.msk [tilespmem:v3+s11+$0x0], $0xffff;
	[tilespmem:s21+$0xFFFFFF90] =	vst v1  }
0x222: {  	v1 =	vand.u32 $0xFFFF, v4;
	v8 =	vld [tilespmem:s22+$0xFFFFFE10]  }
0x223: {  	v7 =	vshrl.u32 v7, $0x10  }
0x224: {  	v0 =	vld.idx.msk [tilespmem:v0+s11+$0x0], $0xffff;
	[tilespmem:s19+$0x810] =	vst v2  }
0x225: {  	v2 =	vand.u32 $0xFFFF, v6;
	v9 =	vld [tilespmem:s20+$0x2D0]  }
0x226: {  	v5 =	vshrl.u32 v5, $0x10  }
0x227: {  	v1 =	vld.idx.msk [tilespmem:v1+s11+$0x0], $0xffff;
	[tilespmem:s19+$0x780] =	vst v3;
	v3 =	vand.u32 $0xFFFF, v8  }
0x228: {  	v4 =	vshrl.u32 v4, $0x10;
	v7 =	vld.idx.msk [tilespmem:v7+s11+$0x0], $0xffff;
	_ =	sdelay $0x1  }
0x229: {  	[tilespmem:s26+$0xFFFFF820] =	vst v0;
	v0 =	vld.idx.msk [tilespmem:v2+s11+$0x0], $0xffff;
	v2 =	vand.u32 $0xFFFF, v9  }
0x22a: {  	v6 =	vshrl.u32 v6, $0x10;
	v5 =	vld.idx.msk [tilespmem:v5+s11+$0x0], $0xffff  }
0x22b: {  	[tilespmem:s26+$0xFFFFF7A0] =	vst v1;
	v1 =	vld.idx.msk [tilespmem:v3+s11+$0x0], $0xffff  }
0x22c: {  	v3 =	vld.idx.msk [tilespmem:v4+s11+$0x0], $0xffff;
	[tilespmem:s19+$0x790] =	vst v7  }
0x22d: {  	v4 =	vshrl.u32 v8, $0x10;
	v7 =	vld [tilespmem:s20+$0xFFFFFF10]  }
0x22e: {  	[tilespmem:s21+$0x20] =	vst v0;
	v0 =	vld.idx.msk [tilespmem:v2+s11+$0x0], $0xffff  }
0x22f: {  	[tilespmem:s26+$0xFFFFF830] =	vst v5;
	v2 =	vld.idx.msk [tilespmem:v6+s11+$0x0], $0xffff  }
0x230: {  	v5 =	vld [tilespmem:s23+$0xE0];
	v6 =	vshrl.u32 v9, $0x10  }
0x231: {  	[tilespmem:s21+$0xFFFFFFA0] =	vst v1  }
0x232: {  	[tilespmem:s26+$0xFFFFF7B0] =	vst v3;
	v1 =	vld.idx.msk [tilespmem:v4+s11+$0x0], $0xffff;
	v3 =	vand.u32 $0xFFFF, v7  }
0x233: {  	v4 =	vld [tilespmem:s23+$0xFFFFFD20]  }
0x234: {  	[tilespmem:s19+$0x820] =	vst v0  }
0x235: {  	v0 =	vand.u32 $0xFFFF, v5;
	[tilespmem:s21+$0x30] =	vst v2;
	v2 =	vld.idx.msk [tilespmem:v6+s11+$0x0], $0xffff  }
0x236: {  	v6 =	vld [tilespmem:s22+$0x1E0]  }
0x237: {  	v3 =	vld.idx.msk [tilespmem:v3+s11+$0x0], $0xffff;
	[tilespmem:s21+$0xFFFFFFB0] =	vst v1  }
0x238: {  	v1 =	vand.u32 $0xFFFF, v4;
	v8 =	vld [tilespmem:s22+$0xFFFFFE20]  }
0x239: {  	v7 =	vshrl.u32 v7, $0x10  }
0x23a: {  	v0 =	vld.idx.msk [tilespmem:v0+s11+$0x0], $0xffff;
	[tilespmem:s19+$0x830] =	vst v2  }
0x23b: {  	v2 =	vand.u32 $0xFFFF, v6;
	v9 =	vld [tilespmem:s20+$0x2E0]  }
0x23c: {  	v5 =	vshrl.u32 v5, $0x10  }
0x23d: {  	v1 =	vld.idx.msk [tilespmem:v1+s11+$0x0], $0xffff;
	[tilespmem:s19+$0x7A0] =	vst v3;
	v3 =	vand.u32 $0xFFFF, v8  }
0x23e: {  	v4 =	vshrl.u32 v4, $0x10;
	v7 =	vld.idx.msk [tilespmem:v7+s11+$0x0], $0xffff;
	_ =	sdelay $0x1  }
0x23f: {  	[tilespmem:s26+$0xFFFFF840] =	vst v0;
	v0 =	vld.idx.msk [tilespmem:v2+s11+$0x0], $0xffff;
	v2 =	vand.u32 $0xFFFF, v9  }
0x240: {  	v6 =	vshrl.u32 v6, $0x10;
	v5 =	vld.idx.msk [tilespmem:v5+s11+$0x0], $0xffff  }
0x241: {  	[tilespmem:s26+$0xFFFFF7C0] =	vst v1;
	v1 =	vld.idx.msk [tilespmem:v3+s11+$0x0], $0xffff  }
0x242: {  	v3 =	vld.idx.msk [tilespmem:v4+s11+$0x0], $0xffff;
	[tilespmem:s19+$0x7B0] =	vst v7  }
0x243: {  	v4 =	vshrl.u32 v8, $0x10;
	v7 =	vld [tilespmem:s20+$0xFFFFFF20]  }
0x244: {  	[tilespmem:s21+$0x40] =	vst v0;
	v0 =	vld.idx.msk [tilespmem:v2+s11+$0x0], $0xffff  }
0x245: {  	[tilespmem:s26+$0xFFFFF850] =	vst v5;
	v5 =	vshrl.u32 v9, $0x10;
	v2 =	vld.idx.msk [tilespmem:v6+s11+$0x0], $0xffff  }
0x246: {  	v6 =	vld [tilespmem:s23+$0xF0]  }
0x247: {  	[tilespmem:s21+$0xFFFFFFC0] =	vst v1  }
0x248: {  	[tilespmem:s26+$0xFFFFF7D0] =	vst v3;
	v1 =	vld.idx.msk [tilespmem:v4+s11+$0x0], $0xffff  }
0x249: {  	v3 =	vand.u32 $0xFFFF, v7;
	v9 =	vld [tilespmem:s23+$0xFFFFFD30];
	[tilespmem:s19+$0x840] =	vst v0  }
0x24a: {  	[tilespmem:s21+$0x50] =	vst v2;
	v0 =	vld.idx.msk [tilespmem:v5+s11+$0x0], $0xffff  }
0x24b: {  	v2 =	vand.u32 $0xFFFF, v6;
	v4 =	vld [tilespmem:s22+$0x1F0];
	_ =	sdelay $0x2  }
0x24c: {  	v3 =	vld.idx.msk [tilespmem:v3+s11+$0x0], $0xffff;
	[tilespmem:s21+$0xFFFFFFD0] =	vst v1;
	v5 =	vand.u32 $0xFFFF, v9  }
0x24d: {  	v1 =	vshrl.u32 v7, $0x10;
	v10 =	vld [tilespmem:s22+$0xFFFFFE30]  }
0x24e: {  	v11 =	vld.idx.msk [tilespmem:v2+s11+$0x0], $0xffff;
	v12 =	vand.u32 $0xFFFF, v4;
	[tilespmem:s19+$0x850] =	vst v0  }
0x24f: {  	v13 =	vshrl.u32 v6, $0x10;
	v0 =	vld [tilespmem:s20+$0x2F0];
	_ =	sdelay $0x1  }
0x250: {  	[tilespmem:s19+$0x7C0] =	vst v3;
	v8 =	vld.idx.msk [tilespmem:v5+s11+$0x0], $0xffff  }
0x251: {  	v7 =	vshrl.u32 v9, $0x10;
	v2 =	vld.idx.msk [tilespmem:v1+s11+$0x0], $0xffff  }
0x252: {  	s24 =	sand.u32 $0x1, s18;
	v6 =	vand.u32 $0xFFFF, v10;
	[tilespmem:s26+$0xFFFFF860] =	vst v11;
	v5 =	vld.idx.msk [tilespmem:v12+s11+$0x0], $0xffff  }
0x253: {  	s28 =	simm.s32 $0x4;
	s29 =	sadd.s32 $0x700, s23;
	s25 =	smov.u32 s26;
	v3 =	vshrl.u32 v10, $0x10;
	v9 =	vld.idx.msk [tilespmem:v13+s11+$0x0], $0xffff;
	v1 =	vand.u32 $0xFFFF, v0  }
.LBB2_10:
0x254: {  	v10 =	vld [tilespmem:s29+$0x0];
	s28 =	sadd.s32 $0x2, s28;
	v4 =	vshrl.u32 v4, $0x10  }
0x255: {  	v11 =	vld [tilespmem:s29+$0xFFFFFCC0];
	p1 =	slt.u32 s28, $0x6;
	[tilespmem:s26+$0xFFFFF7E0] =	vst v8  }
0x256: {  	v7 =	vld.idx.msk [tilespmem:v7+s11+$0x0], $0xffff;
	[tilespmem:s19+$0x7D0] =	vst v2  }
0x257: {  	v2 =	vld.idx.msk [tilespmem:v6+s11+$0x0], $0xffff  }
0x258: {  	[tilespmem:s21+$0x60] =	vst v5;
	v1 =	vld.idx.msk [tilespmem:v1+s11+$0x0], $0xffff  }
0x259: {  	v5 =	vand.u32 $0xFFFF, v10;
	[tilespmem:s26+$0xFFFFF870] =	vst v9;
	v4 =	vld.idx.msk [tilespmem:v4+s11+$0x0], $0xffff  }
0x25a: {  	v0 =	vshrl.u32 v0, $0x10;
	v6 =	vshrl.u32 v11, $0x10;
	v8 =	vand.u32 $0xFFFF, v11;
	v9 =	vld [tilespmem:s23+$0x100]  }
0x25b: {  	v11 =	vld [tilespmem:s20+$0xFFFFFF30]  }
0x25c: {  	[tilespmem:s26+$0xFFFFF7F0] =	vst v7  }
0x25d: {  	v7 =	vld [tilespmem:s23+$0xFFFFFDC0];
	[tilespmem:s21+$0xFFFFFFE0] =	vst v2  }
0x25e: {  	v2 =	vld.idx.msk [tilespmem:v5+s11+$0x0], $0xffff;
	[tilespmem:s19+$0x860] =	vst v1  }
0x25f: {  	v1 =	vand.u32 $0xFFFF, v9;
	[tilespmem:s21+$0x70] =	vst v4;
	v0 =	vld.idx.msk [tilespmem:v0+s11+$0x0], $0xffff  }
0x260: {  	v4 =	vshrl.u32 v10, $0x10;
	v5 =	vld [tilespmem:s22+$0x200];
	v10 =	vshrl.u32 v11, $0x10;
	v11 =	vand.u32 $0xFFFF, v11  }
0x261: {  	v8 =	vld.idx.msk [tilespmem:v8+s11+$0x0], $0xffff  }
0x262: {  	v12 =	vshrl.u32 v7, $0x10;
	v7 =	vand.u32 $0xFFFF, v7;
	v3 =	vld.idx.msk [tilespmem:v3+s11+$0x0], $0xffff  }
0x263: {  	s26 =	sadd.s32 $0x100, s26  }
0x264: {  	[tilespmem:s26+$0xFFFFF400] =	vst v2;
	v1 =	vld.idx.msk [tilespmem:v1+s11+$0x0], $0xffff  }
0x265: {  	v2 =	vld.idx.msk [tilespmem:v4+s11+$0x0], $0xffff;
	v4 =	vand.u32 $0xFFFF, v5;
	[tilespmem:s19+$0x870] =	vst v0  }
0x266: {  	v0 =	vshrl.u32 v9, $0x10;
	v9 =	vld [tilespmem:s20+$0x300]  }
0x267: {  	[tilespmem:s26+$0xFFFFF380] =	vst v8;
	v7 =	vld.idx.msk [tilespmem:v7+s11+$0x0], $0xffff  }
0x268: {  	v6 =	vld.idx.msk [tilespmem:v6+s11+$0x0], $0xffff;
	[tilespmem:s21+$0xFFFFFFF0] =	vst v3  }
0x269: {  	v3 =	vld [tilespmem:s22+$0xFFFFFEC0]  }
0x26a: {  	[tilespmem:s25+$0xFFFFFC00] =	vst v1;
	v1 =	vld.idx.msk [tilespmem:v4+s11+$0x0], $0xffff  }
0x26b: {  	[tilespmem:s26+$0xFFFFF410] =	vst v2;
	v0 =	vld.idx.msk [tilespmem:v0+s11+$0x0], $0xffff;
	v2 =	vand.u32 $0xFFFF, v9  }
0x26c: {  	v5 =	vshrl.u32 v5, $0x10;
	v4 =	vld [tilespmem:s29+$0x10]  }
0x26d: {  	[tilespmem:s25+$0xFFFFFB80] =	vst v7;
	v7 =	vld.idx.msk [tilespmem:v11+s11+$0x0], $0xffff  }
0x26e: {  	[tilespmem:s26+$0xFFFFF390] =	vst v6;
	v6 =	vld.idx.msk [tilespmem:v12+s11+$0x0], $0xffff;
	v8 =	vshrl.u32 v3, $0x10;
	v3 =	vand.u32 $0xFFFF, v3  }
0x26f: {  	v11 =	vld [tilespmem:s29+$0xFFFFFCD0]  }
0x270: {  	[tilespmem:s21+$0x400] =	vst v1;
	v1 =	vld.idx.msk [tilespmem:v2+s11+$0x0], $0xffff  }
0x271: {  	v2 =	vand.u32 $0xFFFF, v4;
	[tilespmem:s25+$0xFFFFFC10] =	vst v0;
	v0 =	vld.idx.msk [tilespmem:v5+s11+$0x0], $0xffff  }
0x272: {  	v9 =	vshrl.u32 v9, $0x10;
	v5 =	vld [tilespmem:s23+$0x110]  }
0x273: {  	v3 =	vld.idx.msk [tilespmem:v3+s11+$0x0], $0xffff;
	[tilespmem:s19+$0x7E0] =	vst v7  }
0x274: {  	v7 =	vshrl.u32 v11, $0x10;
	v11 =	vand.u32 $0xFFFF, v11;
	[tilespmem:s25+$0xFFFFFB90] =	vst v6;
	v6 =	vld.idx.msk [tilespmem:v10+s11+$0x0], $0xffff  }
0x275: {  	v10 =	vld [tilespmem:s23+$0xFFFFFDD0]  }
0x276: {  	v2 =	vld.idx.msk [tilespmem:v2+s11+$0x0], $0xffff;
	[tilespmem:s19+$0xC00] =	vst v1  }
0x277: {  	v1 =	vand.u32 $0xFFFF, v5;
	[tilespmem:s21+$0x410] =	vst v0;
	v0 =	vld.idx.msk [tilespmem:v9+s11+$0x0], $0xffff  }
0x278: {  	v4 =	vshrl.u32 v4, $0x10;
	v9 =	vld [tilespmem:s22+$0x210]  }
0x279: {  	v11 =	vld.idx.msk [tilespmem:v11+s11+$0x0], $0xffff;
	[tilespmem:s21+$0x380] =	vst v3  }
0x27a: {  	v3 =	vshrl.u32 v10, $0x10;
	v10 =	vand.u32 $0xFFFF, v10;
	v8 =	vld.idx.msk [tilespmem:v8+s11+$0x0], $0xffff;
	[tilespmem:s19+$0x7F0] =	vst v6  }
0x27b: {  	v6 =	vld [tilespmem:s20+$0xFFFFFFC0]  }
0x27c: {  	[tilespmem:s26+$0xFFFFF420] =	vst v2;
	v1 =	vld.idx.msk [tilespmem:v1+s11+$0x0], $0xffff  }
0x27d: {  	v2 =	vld.idx.msk [tilespmem:v4+s11+$0x0], $0xffff;
	v4 =	vand.u32 $0xFFFF, v9;
	[tilespmem:s19+$0xC10] =	vst v0  }
0x27e: {  	v0 =	vshrl.u32 v5, $0x10;
	v5 =	vld [tilespmem:s20+$0x310]  }
0x27f: {  	[tilespmem:s26+$0xFFFFF3A0] =	vst v11;
	v10 =	vld.idx.msk [tilespmem:v10+s11+$0x0], $0xffff  }
0x280: {  	v7 =	vld.idx.msk [tilespmem:v7+s11+$0x0], $0xffff;
	[tilespmem:s21+$0x390] =	vst v8;
	v8 =	vshrl.u32 v6, $0x10;
	v6 =	vand.u32 $0xFFFF, v6  }
0x281: {  	v11 =	vld [tilespmem:s22+$0xFFFFFED0]  }
0x282: {  	[tilespmem:s25+$0xFFFFFC20] =	vst v1;
	v1 =	vld.idx.msk [tilespmem:v4+s11+$0x0], $0xffff  }
0x283: {  	[tilespmem:s26+$0xFFFFF430] =	vst v2;
	v0 =	vld.idx.msk [tilespmem:v0+s11+$0x0], $0xffff;
	v2 =	vand.u32 $0xFFFF, v5  }
0x284: {  	v9 =	vshrl.u32 v9, $0x10;
	v4 =	vld [tilespmem:s29+$0x20]  }
0x285: {  	[tilespmem:s25+$0xFFFFFBA0] =	vst v10;
	v6 =	vld.idx.msk [tilespmem:v6+s11+$0x0], $0xffff  }
0x286: {  	[tilespmem:s26+$0xFFFFF3B0] =	vst v7;
	v3 =	vld.idx.msk [tilespmem:v3+s11+$0x0], $0xffff;
	v7 =	vshrl.u32 v11, $0x10;
	v10 =	vand.u32 $0xFFFF, v11  }
0x287: {  	v11 =	vld [tilespmem:s29+$0xFFFFFCE0]  }
0x288: {  	[tilespmem:s21+$0x420] =	vst v1;
	v1 =	vld.idx.msk [tilespmem:v2+s11+$0x0], $0xffff  }
0x289: {  	v2 =	vand.u32 $0xFFFF, v4;
	[tilespmem:s25+$0xFFFFFC30] =	vst v0;
	v0 =	vld.idx.msk [tilespmem:v9+s11+$0x0], $0xffff  }
0x28a: {  	v5 =	vshrl.u32 v5, $0x10;
	v9 =	vld [tilespmem:s23+$0x120]  }
0x28b: {  	v10 =	vld.idx.msk [tilespmem:v10+s11+$0x0], $0xffff;
	[tilespmem:s19+$0xB80] =	vst v6  }
0x28c: {  	v6 =	vshrl.u32 v11, $0x10;
	v11 =	vand.u32 $0xFFFF, v11;
	[tilespmem:s25+$0xFFFFFBB0] =	vst v3;
	v3 =	vld.idx.msk [tilespmem:v8+s11+$0x0], $0xffff  }
0x28d: {  	v8 =	vld [tilespmem:s23+$0xFFFFFDE0]  }
0x28e: {  	v2 =	vld.idx.msk [tilespmem:v2+s11+$0x0], $0xffff;
	[tilespmem:s19+$0xC20] =	vst v1  }
0x28f: {  	v1 =	vand.u32 $0xFFFF, v9;
	[tilespmem:s21+$0x430] =	vst v0;
	v0 =	vld.idx.msk [tilespmem:v5+s11+$0x0], $0xffff  }
0x290: {  	v4 =	vshrl.u32 v4, $0x10;
	v5 =	vld [tilespmem:s22+$0x220]  }
0x291: {  	v11 =	vld.idx.msk [tilespmem:v11+s11+$0x0], $0xffff;
	[tilespmem:s21+$0x3A0] =	vst v10  }
0x292: {  	v10 =	vshrl.u32 v8, $0x10;
	v8 =	vand.u32 $0xFFFF, v8;
	v7 =	vld.idx.msk [tilespmem:v7+s11+$0x0], $0xffff;
	[tilespmem:s19+$0xB90] =	vst v3  }
0x293: {  	v3 =	vld [tilespmem:s20+$0xFFFFFFD0]  }
0x294: {  	[tilespmem:s26+$0xFFFFF440] =	vst v2;
	v1 =	vld.idx.msk [tilespmem:v1+s11+$0x0], $0xffff  }
0x295: {  	v2 =	vld.idx.msk [tilespmem:v4+s11+$0x0], $0xffff;
	v4 =	vand.u32 $0xFFFF, v5;
	[tilespmem:s19+$0xC30] =	vst v0  }
0x296: {  	v0 =	vshrl.u32 v9, $0x10;
	v9 =	vld [tilespmem:s20+$0x320]  }
0x297: {  	[tilespmem:s26+$0xFFFFF3C0] =	vst v11;
	v8 =	vld.idx.msk [tilespmem:v8+s11+$0x0], $0xffff  }
0x298: {  	v6 =	vld.idx.msk [tilespmem:v6+s11+$0x0], $0xffff;
	[tilespmem:s21+$0x3B0] =	vst v7;
	v7 =	vshrl.u32 v3, $0x10;
	v3 =	vand.u32 $0xFFFF, v3  }
0x299: {  	v11 =	vld [tilespmem:s22+$0xFFFFFEE0]  }
0x29a: {  	[tilespmem:s25+$0xFFFFFC40] =	vst v1;
	v1 =	vld.idx.msk [tilespmem:v4+s11+$0x0], $0xffff  }
0x29b: {  	[tilespmem:s26+$0xFFFFF450] =	vst v2;
	v0 =	vld.idx.msk [tilespmem:v0+s11+$0x0], $0xffff;
	v2 =	vand.u32 $0xFFFF, v9  }
0x29c: {  	v5 =	vshrl.u32 v5, $0x10;
	v4 =	vld [tilespmem:s29+$0x30]  }
0x29d: {  	[tilespmem:s25+$0xFFFFFBC0] =	vst v8;
	v3 =	vld.idx.msk [tilespmem:v3+s11+$0x0], $0xffff  }
0x29e: {  	[tilespmem:s26+$0xFFFFF3D0] =	vst v6;
	v6 =	vld.idx.msk [tilespmem:v10+s11+$0x0], $0xffff;
	v8 =	vshrl.u32 v11, $0x10;
	v10 =	vand.u32 $0xFFFF, v11  }
0x29f: {  	v11 =	vld [tilespmem:s29+$0xFFFFFCF0]  }
0x2a0: {  	[tilespmem:s21+$0x440] =	vst v1;
	v1 =	vld.idx.msk [tilespmem:v2+s11+$0x0], $0xffff  }
0x2a1: {  	v2 =	vand.u32 $0xFFFF, v4;
	[tilespmem:s25+$0xFFFFFC50] =	vst v0;
	v0 =	vld.idx.msk [tilespmem:v5+s11+$0x0], $0xffff  }
0x2a2: {  	v9 =	vshrl.u32 v9, $0x10;
	v5 =	vld [tilespmem:s23+$0x130]  }
0x2a3: {  	v10 =	vld.idx.msk [tilespmem:v10+s11+$0x0], $0xffff;
	[tilespmem:s19+$0xBA0] =	vst v3  }
0x2a4: {  	v3 =	vshrl.u32 v11, $0x10;
	v11 =	vand.u32 $0xFFFF, v11;
	[tilespmem:s25+$0xFFFFFBD0] =	vst v6;
	v6 =	vld.idx.msk [tilespmem:v7+s11+$0x0], $0xffff  }
0x2a5: {  	v7 =	vld [tilespmem:s23+$0xFFFFFDF0]  }
0x2a6: {  	v2 =	vld.idx.msk [tilespmem:v2+s11+$0x0], $0xffff;
	[tilespmem:s19+$0xC40] =	vst v1  }
0x2a7: {  	v1 =	vand.u32 $0xFFFF, v5;
	[tilespmem:s21+$0x450] =	vst v0;
	v0 =	vld.idx.msk [tilespmem:v9+s11+$0x0], $0xffff  }
0x2a8: {  	v4 =	vshrl.u32 v4, $0x10;
	v9 =	vld [tilespmem:s22+$0x230]  }
0x2a9: {  	v11 =	vld.idx.msk [tilespmem:v11+s11+$0x0], $0xffff;
	[tilespmem:s21+$0x3C0] =	vst v10  }
0x2aa: {  	v10 =	vshrl.u32 v7, $0x10;
	v7 =	vand.u32 $0xFFFF, v7;
	v8 =	vld.idx.msk [tilespmem:v8+s11+$0x0], $0xffff;
	[tilespmem:s19+$0xBB0] =	vst v6  }
0x2ab: {  	v6 =	vld [tilespmem:s20+$0xFFFFFFE0]  }
0x2ac: {  	[tilespmem:s26+$0xFFFFF460] =	vst v2;
	v1 =	vld.idx.msk [tilespmem:v1+s11+$0x0], $0xffff  }
0x2ad: {  	v2 =	vld.idx.msk [tilespmem:v4+s11+$0x0], $0xffff;
	v4 =	vand.u32 $0xFFFF, v9;
	[tilespmem:s19+$0xC50] =	vst v0  }
0x2ae: {  	v0 =	vshrl.u32 v5, $0x10;
	v5 =	vld [tilespmem:s20+$0x330]  }
0x2af: {  	[tilespmem:s26+$0xFFFFF3E0] =	vst v11;
	v7 =	vld.idx.msk [tilespmem:v7+s11+$0x0], $0xffff  }
0x2b0: {  	v3 =	vld.idx.msk [tilespmem:v3+s11+$0x0], $0xffff;
	[tilespmem:s21+$0x3D0] =	vst v8;
	v8 =	vshrl.u32 v6, $0x10;
	v6 =	vand.u32 $0xFFFF, v6  }
0x2b1: {  	v11 =	vld [tilespmem:s22+$0xFFFFFEF0]  }
0x2b2: {  	[tilespmem:s25+$0xFFFFFC60] =	vst v1;
	v1 =	vld.idx.msk [tilespmem:v4+s11+$0x0], $0xffff  }
0x2b3: {  	[tilespmem:s26+$0xFFFFF470] =	vst v2;
	v0 =	vld.idx.msk [tilespmem:v0+s11+$0x0], $0xffff;
	v2 =	vand.u32 $0xFFFF, v5  }
0x2b4: {  	v9 =	vshrl.u32 v9, $0x10;
	v4 =	vld [tilespmem:s29+$0xC0]  }
0x2b5: {  	[tilespmem:s25+$0xFFFFFBE0] =	vst v7;
	v6 =	vld.idx.msk [tilespmem:v6+s11+$0x0], $0xffff  }
0x2b6: {  	[tilespmem:s26+$0xFFFFF3F0] =	vst v3;
	v3 =	vld.idx.msk [tilespmem:v10+s11+$0x0], $0xffff;
	v7 =	vshrl.u32 v11, $0x10;
	v10 =	vand.u32 $0xFFFF, v11  }
0x2b7: {  	v11 =	vld [tilespmem:s29+$0xFFFFFD00]  }
0x2b8: {  	[tilespmem:s21+$0x460] =	vst v1;
	v1 =	vld.idx.msk [tilespmem:v2+s11+$0x0], $0xffff  }
0x2b9: {  	v2 =	vand.u32 $0xFFFF, v4;
	[tilespmem:s25+$0xFFFFFC70] =	vst v0;
	v0 =	vld.idx.msk [tilespmem:v9+s11+$0x0], $0xffff  }
0x2ba: {  	v5 =	vshrl.u32 v5, $0x10;
	v9 =	vld [tilespmem:s23+$0x1C0]  }
0x2bb: {  	v10 =	vld.idx.msk [tilespmem:v10+s11+$0x0], $0xffff;
	[tilespmem:s19+$0xBC0] =	vst v6  }
0x2bc: {  	v6 =	vshrl.u32 v11, $0x10;
	v11 =	vand.u32 $0xFFFF, v11;
	[tilespmem:s25+$0xFFFFFBF0] =	vst v3;
	v3 =	vld.idx.msk [tilespmem:v8+s11+$0x0], $0xffff  }
0x2bd: {  	v8 =	vld [tilespmem:s23+$0xFFFFFE00]  }
0x2be: {  	v2 =	vld.idx.msk [tilespmem:v2+s11+$0x0], $0xffff;
	[tilespmem:s19+$0xC60] =	vst v1  }
0x2bf: {  	v1 =	vand.u32 $0xFFFF, v9;
	[tilespmem:s21+$0x470] =	vst v0;
	v0 =	vld.idx.msk [tilespmem:v5+s11+$0x0], $0xffff  }
0x2c0: {  	v4 =	vshrl.u32 v4, $0x10;
	v5 =	vld [tilespmem:s22+$0x2C0]  }
0x2c1: {  	v11 =	vld.idx.msk [tilespmem:v11+s11+$0x0], $0xffff;
	[tilespmem:s21+$0x3E0] =	vst v10  }
0x2c2: {  	v10 =	vshrl.u32 v8, $0x10;
	v8 =	vand.u32 $0xFFFF, v8;
	v7 =	vld.idx.msk [tilespmem:v7+s11+$0x0], $0xffff;
	[tilespmem:s19+$0xBD0] =	vst v3  }
0x2c3: {  	v3 =	vld [tilespmem:s20+$0xFFFFFFF0];
	s20 =	smov.u32 s22;
	s22 =	smov.u32 s23;
	s23 =	smov.u32 s29  }
0x2c4: {  	[tilespmem:s26+$0xFFFFF800] =	vst v2;
	v1 =	vld.idx.msk [tilespmem:v1+s11+$0x0], $0xffff  }
0x2c5: {  	v2 =	vld.idx.msk [tilespmem:v4+s11+$0x0], $0xffff;
	v4 =	vand.u32 $0xFFFF, v5;
	[tilespmem:s19+$0xC70] =	vst v0  }
0x2c6: {  	v0 =	vshrl.u32 v9, $0x10  }
0x2c7: {  	[tilespmem:s26+$0xFFFFF780] =	vst v11;
	v8 =	vld.idx.msk [tilespmem:v8+s11+$0x0], $0xffff  }
0x2c8: {  	v6 =	vld.idx.msk [tilespmem:v6+s11+$0x0], $0xffff;
	[tilespmem:s21+$0x3F0] =	vst v7;
	v7 =	vshrl.u32 v3, $0x10;
	v3 =	vand.u32 $0xFFFF, v3  }
0x2c9: {  	v9 =	vld [tilespmem:s20+$0xFFFFFF00]  }
0x2ca: {  	[tilespmem:s25+$0x0] =	vst v1;
	v1 =	vld.idx.msk [tilespmem:v4+s11+$0x0], $0xffff  }
0x2cb: {  	[tilespmem:s26+$0xFFFFF810] =	vst v2;
	v0 =	vld.idx.msk [tilespmem:v0+s11+$0x0], $0xffff  }
0x2cc: {  	v4 =	vshrl.u32 v5, $0x10;
	v2 =	vld [tilespmem:s29+$0xD0]  }
0x2cd: {  	[tilespmem:s25+$0xFFFFFF80] =	vst v8;
	v3 =	vld.idx.msk [tilespmem:v3+s11+$0x0], $0xffff  }
0x2ce: {  	[tilespmem:s26+$0xFFFFF790] =	vst v6;
	v5 =	vld.idx.msk [tilespmem:v10+s11+$0x0], $0xffff;
	v6 =	vshrl.u32 v9, $0x10;
	v8 =	vand.u32 $0xFFFF, v9  }
0x2cf: {  	v9 =	vld [tilespmem:s29+$0xFFFFFD10]  }
0x2d0: {  	[tilespmem:s21+$0x800] =	vst v1  }
0x2d1: {  	v1 =	vand.u32 $0xFFFF, v2;
	[tilespmem:s25+$0x10] =	vst v0;
	v0 =	vld.idx.msk [tilespmem:v4+s11+$0x0], $0xffff  }
0x2d2: {  	v4 =	vld [tilespmem:s22+$0x1D0]  }
0x2d3: {  	v8 =	vld.idx.msk [tilespmem:v8+s11+$0x0], $0xffff;
	[tilespmem:s19+$0xBE0] =	vst v3  }
0x2d4: {  	v3 =	vshrl.u32 v9, $0x10;
	v9 =	vand.u32 $0xFFFF, v9;
	[tilespmem:s25+$0xFFFFFF90] =	vst v5;
	v5 =	vld.idx.msk [tilespmem:v7+s11+$0x0], $0xffff  }
0x2d5: {  	v7 =	vld [tilespmem:s22+$0xFFFFFE10]  }
0x2d6: {  	v1 =	vld.idx.msk [tilespmem:v1+s11+$0x0], $0xffff  }
0x2d7: {  	v10 =	vand.u32 $0xFFFF, v4;
	[tilespmem:s21+$0x810] =	vst v0  }
0x2d8: {  	v0 =	vshrl.u32 v2, $0x10;
	v2 =	vld [tilespmem:s20+$0x2D0]  }
0x2d9: {  	v9 =	vld.idx.msk [tilespmem:v9+s11+$0x0], $0xffff;
	[tilespmem:s21+$0x780] =	vst v8  }
0x2da: {  	v8 =	vshrl.u32 v7, $0x10;
	v7 =	vand.u32 $0xFFFF, v7;
	v6 =	vld.idx.msk [tilespmem:v6+s11+$0x0], $0xffff;
	[tilespmem:s19+$0xBF0] =	vst v5;
	s19 =	smov.u32 s21;
	s21 =	smov.u32 s25;
	s25 =	smov.u32 s26  }
0x2db: {  	_ = 	snop  }
0x2dc: {  	[tilespmem:s26+$0xFFFFF820] =	vst v1;
	v1 =	vld.idx.msk [tilespmem:v10+s11+$0x0], $0xffff  }
0x2dd: {  	v0 =	vld.idx.msk [tilespmem:v0+s11+$0x0], $0xffff;
	v5 =	vand.u32 $0xFFFF, v2  }
0x2de: {  	v4 =	vshrl.u32 v4, $0x10  }
0x2df: {  	[tilespmem:s26+$0xFFFFF7A0] =	vst v9;
	v7 =	vld.idx.msk [tilespmem:v7+s11+$0x0], $0xffff  }
0x2e0: {  	v3 =	vld.idx.msk [tilespmem:v3+s11+$0x0], $0xffff;
	[tilespmem:s19+$0x790] =	vst v6  }
0x2e1: {  	v6 =	vld [tilespmem:s20+$0xFFFFFF10]  }
0x2e2: {  	[tilespmem:s21+$0x20] =	vst v1;
	v1 =	vld.idx.msk [tilespmem:v5+s11+$0x0], $0xffff  }
0x2e3: {  	[tilespmem:s26+$0xFFFFF830] =	vst v0;
	v0 =	vld.idx.msk [tilespmem:v4+s11+$0x0], $0xffff  }
0x2e4: {  	v2 =	vshrl.u32 v2, $0x10;
	v4 =	vld [tilespmem:s29+$0xE0]  }
0x2e5: {  	[tilespmem:s21+$0xFFFFFFA0] =	vst v7  }
0x2e6: {  	[tilespmem:s26+$0xFFFFF7B0] =	vst v3;
	v3 =	vld.idx.msk [tilespmem:v8+s11+$0x0], $0xffff;
	v5 =	vshrl.u32 v6, $0x10;
	v6 =	vand.u32 $0xFFFF, v6  }
0x2e7: {  	v7 =	vld [tilespmem:s29+$0xFFFFFD20]  }
0x2e8: {  	[tilespmem:s19+$0x820] =	vst v1  }
0x2e9: {  	v1 =	vand.u32 $0xFFFF, v4;
	[tilespmem:s21+$0x30] =	vst v0;
	v0 =	vld.idx.msk [tilespmem:v2+s11+$0x0], $0xffff  }
0x2ea: {  	v2 =	vld [tilespmem:s22+$0x1E0]  }
0x2eb: {  	v6 =	vld.idx.msk [tilespmem:v6+s11+$0x0], $0xffff  }
0x2ec: {  	v8 =	vshrl.u32 v7, $0x10;
	v7 =	vand.u32 $0xFFFF, v7;
	[tilespmem:s21+$0xFFFFFFB0] =	vst v3  }
0x2ed: {  	v3 =	vld [tilespmem:s22+$0xFFFFFE20]  }
0x2ee: {  	v1 =	vld.idx.msk [tilespmem:v1+s11+$0x0], $0xffff  }
0x2ef: {  	v9 =	vand.u32 $0xFFFF, v2;
	[tilespmem:s19+$0x830] =	vst v0  }
0x2f0: {  	v0 =	vshrl.u32 v4, $0x10;
	v4 =	vld [tilespmem:s20+$0x2E0]  }
0x2f1: {  	v7 =	vld.idx.msk [tilespmem:v7+s11+$0x0], $0xffff;
	[tilespmem:s19+$0x7A0] =	vst v6  }
0x2f2: {  	v6 =	vshrl.u32 v3, $0x10;
	v3 =	vand.u32 $0xFFFF, v3;
	v5 =	vld.idx.msk [tilespmem:v5+s11+$0x0], $0xffff;
	_ =	sdelay $0x1  }
0x2f3: {  	[tilespmem:s26+$0xFFFFF840] =	vst v1;
	v1 =	vld.idx.msk [tilespmem:v9+s11+$0x0], $0xffff  }
0x2f4: {  	v0 =	vld.idx.msk [tilespmem:v0+s11+$0x0], $0xffff;
	v9 =	vand.u32 $0xFFFF, v4  }
0x2f5: {  	v2 =	vshrl.u32 v2, $0x10  }
0x2f6: {  	[tilespmem:s26+$0xFFFFF7C0] =	vst v7;
	v3 =	vld.idx.msk [tilespmem:v3+s11+$0x0], $0xffff  }
0x2f7: {  	v7 =	vld.idx.msk [tilespmem:v8+s11+$0x0], $0xffff;
	[tilespmem:s19+$0x7B0] =	vst v5  }
0x2f8: {  	v5 =	vld [tilespmem:s20+$0xFFFFFF20]  }
0x2f9: {  	[tilespmem:s21+$0x40] =	vst v1;
	v1 =	vld.idx.msk [tilespmem:v9+s11+$0x0], $0xffff  }
0x2fa: {  	[tilespmem:s26+$0xFFFFF850] =	vst v0;
	v0 =	vld.idx.msk [tilespmem:v2+s11+$0x0], $0xffff  }
0x2fb: {  	v4 =	vshrl.u32 v4, $0x10;
	v2 =	vld [tilespmem:s29+$0xF0]  }
0x2fc: {  	[tilespmem:s21+$0xFFFFFFC0] =	vst v3  }
0x2fd: {  	[tilespmem:s26+$0xFFFFF7D0] =	vst v7;
	v3 =	vld.idx.msk [tilespmem:v6+s11+$0x0], $0xffff;
	v9 =	vshrl.u32 v5, $0x10;
	v5 =	vand.u32 $0xFFFF, v5  }
0x2fe: {  	v6 =	vld [tilespmem:s29+$0xFFFFFD30]  }
0x2ff: {  	[tilespmem:s19+$0x840] =	vst v1  }
0x300: {  	v1 =	vand.u32 $0xFFFF, v2;
	[tilespmem:s21+$0x50] =	vst v0;
	v0 =	vld.idx.msk [tilespmem:v4+s11+$0x0], $0xffff  }
0x301: {  	v4 =	vld [tilespmem:s22+$0x1F0]  }
0x302: {  	v5 =	vld.idx.msk [tilespmem:v5+s11+$0x0], $0xffff  }
0x303: {  	v7 =	vshrl.u32 v6, $0x10;
	v6 =	vand.u32 $0xFFFF, v6;
	[tilespmem:s21+$0xFFFFFFD0] =	vst v3  }
0x304: {  	v10 =	vld [tilespmem:s22+$0xFFFFFE30]  }
0x305: {  	v1 =	vld.idx.msk [tilespmem:v1+s11+$0x0], $0xffff  }
0x306: {  	v11 =	vand.u32 $0xFFFF, v4;
	[tilespmem:s19+$0x850] =	vst v0  }
0x307: {  	v12 =	vshrl.u32 v2, $0x10;
	v0 =	vld [tilespmem:s20+$0x2F0]  }
.Ltmp3:
0x308: {  	v8 =	vld.idx.msk [tilespmem:v6+s11+$0x0], $0xffff;
	[tilespmem:s19+$0x7C0] =	vst v5;
	(pc) =	sbr.rel @p1 .LBB2_10-.Ltmp3, $3  }
0x309: {  	v3 =	vshrl.u32 v10, $0x10;
	v6 =	vand.u32 $0xFFFF, v10;
	v2 =	vld.idx.msk [tilespmem:v9+s11+$0x0], $0xffff;
	_ =	sdelay $0x1  }
0x30a: {  	[tilespmem:s26+$0xFFFFF860] =	vst v1;
	v5 =	vld.idx.msk [tilespmem:v11+s11+$0x0], $0xffff  }
0x30b: {  	s29 =	sadd.s32 $0x700, s29;
	v9 =	vld.idx.msk [tilespmem:v12+s11+$0x0], $0xffff;
	v1 =	vand.u32 $0xFFFF, v0  }
0x30c: {  	_ =	sdelay $0x2  }
0x30d: {  	[tilespmem:s26+$0xFFFFF7E0] =	vst v8  }
0x30e: {  	v7 =	vld.idx.msk [tilespmem:v7+s11+$0x0], $0xffff;
	_ =	sdelay $0x3  }
0x30f: {  	[tilespmem:s26+$0xFFFFF870] =	vst v9  }
0x310: {  	v29 =	vld [tilespmem:s23+$0x100];
	[tilespmem:s26+$0xFFFFF7F0] =	vst v7  }
0x311: {  	v7 =	vld [tilespmem:s23+$0xFFFFFDC0];
	_ =	sdelay $0x3  }
0x312: {  	v30 =	vand.u32 $0xFFFF, v29  }
0x313: {  	v10 =	vand.u32 $0xFFFF, v7;
	_ =	sdelay $0x3  }
0x314: {  	v9 =	vld.idx.msk [tilespmem:v30+s11+$0x0], $0xffff  }
0x315: {  	v8 =	vshrl.u32 v29, $0x10;
	v10 =	vld.idx.msk [tilespmem:v10+s11+$0x0], $0xffff  }
0x316: {  	v7 =	vshrl.u32 v7, $0x10;
	_ =	sdelay $0x2  }
0x317: {  	[tilespmem:s25+$0xFFFFFC00] =	vst v9  }
0x318: {  	v8 =	vld.idx.msk [tilespmem:v8+s11+$0x0], $0xffff;
	[tilespmem:s25+$0xFFFFFB80] =	vst v10  }
0x319: {  	v7 =	vld.idx.msk [tilespmem:v7+s11+$0x0], $0xffff;
	_ =	sdelay $0x3  }
0x31a: {  	[tilespmem:s25+$0xFFFFFC10] =	vst v8  }
0x31b: {  	v8 =	vld [tilespmem:s23+$0x110];
	[tilespmem:s25+$0xFFFFFB90] =	vst v7  }
0x31c: {  	v7 =	vld [tilespmem:s23+$0xFFFFFDD0];
	_ =	sdelay $0x3  }
0x31d: {  	v31 =	vand.u32 $0xFFFF, v8  }
0x31e: {  	v32 =	vand.u32 $0xFFFF, v7;
	_ =	sdelay $0x3  }
0x31f: {  	v9 =	vld.idx.msk [tilespmem:v31+s11+$0x0], $0xffff  }
0x320: {  	v8 =	vshrl.u32 v8, $0x10;
	v10 =	vld.idx.msk [tilespmem:v32+s11+$0x0], $0xffff  }
0x321: {  	v7 =	vshrl.u32 v7, $0x10;
	_ =	sdelay $0x2  }
0x322: {  	[tilespmem:s25+$0xFFFFFC20] =	vst v9  }
0x323: {  	v8 =	vld.idx.msk [tilespmem:v8+s11+$0x0], $0xffff;
	[tilespmem:s25+$0xFFFFFBA0] =	vst v10  }
0x324: {  	v7 =	vld.idx.msk [tilespmem:v7+s11+$0x0], $0xffff;
	_ =	sdelay $0x3  }
0x325: {  	[tilespmem:s25+$0xFFFFFC30] =	vst v8  }
0x326: {  	v8 =	vld [tilespmem:s23+$0x120];
	[tilespmem:s25+$0xFFFFFBB0] =	vst v7  }
0x327: {  	v7 =	vld [tilespmem:s23+$0xFFFFFDE0];
	_ =	sdelay $0x3  }
0x328: {  	v33 =	vand.u32 $0xFFFF, v8  }
0x329: {  	v34 =	vand.u32 $0xFFFF, v7;
	_ =	sdelay $0x3  }
0x32a: {  	v9 =	vld.idx.msk [tilespmem:v33+s11+$0x0], $0xffff  }
0x32b: {  	v8 =	vshrl.u32 v8, $0x10;
	v10 =	vld.idx.msk [tilespmem:v34+s11+$0x0], $0xffff  }
0x32c: {  	v7 =	vshrl.u32 v7, $0x10;
	_ =	sdelay $0x2  }
0x32d: {  	[tilespmem:s25+$0xFFFFFC40] =	vst v9  }
0x32e: {  	v8 =	vld.idx.msk [tilespmem:v8+s11+$0x0], $0xffff;
	[tilespmem:s25+$0xFFFFFBC0] =	vst v10  }
0x32f: {  	v7 =	vld.idx.msk [tilespmem:v7+s11+$0x0], $0xffff;
	_ =	sdelay $0x3  }
0x330: {  	[tilespmem:s25+$0xFFFFFC50] =	vst v8  }
0x331: {  	v8 =	vld [tilespmem:s23+$0x130];
	[tilespmem:s25+$0xFFFFFBD0] =	vst v7  }
0x332: {  	v7 =	vld [tilespmem:s23+$0xFFFFFDF0];
	_ =	sdelay $0x3  }
0x333: {  	v35 =	vand.u32 $0xFFFF, v8  }
0x334: {  	v36 =	vand.u32 $0xFFFF, v7;
	_ =	sdelay $0x3  }
0x335: {  	v9 =	vld.idx.msk [tilespmem:v35+s11+$0x0], $0xffff  }
0x336: {  	v8 =	vshrl.u32 v8, $0x10;
	v10 =	vld.idx.msk [tilespmem:v36+s11+$0x0], $0xffff  }
0x337: {  	v7 =	vshrl.u32 v7, $0x10;
	_ =	sdelay $0x2  }
0x338: {  	[tilespmem:s25+$0xFFFFFC60] =	vst v9  }
0x339: {  	v8 =	vld.idx.msk [tilespmem:v8+s11+$0x0], $0xffff;
	[tilespmem:s25+$0xFFFFFBE0] =	vst v10  }
0x33a: {  	v7 =	vld.idx.msk [tilespmem:v7+s11+$0x0], $0xffff;
	_ =	sdelay $0x3  }
0x33b: {  	[tilespmem:s25+$0xFFFFFC70] =	vst v8  }
0x33c: {  	v8 =	vld [tilespmem:s23+$0x1C0];
	[tilespmem:s25+$0xFFFFFBF0] =	vst v7  }
0x33d: {  	v7 =	vld [tilespmem:s23+$0xFFFFFE00];
	_ =	sdelay $0x3  }
0x33e: {  	v37 =	vand.u32 $0xFFFF, v8  }
0x33f: {  	v38 =	vand.u32 $0xFFFF, v7;
	_ =	sdelay $0x3  }
0x340: {  	v9 =	vld.idx.msk [tilespmem:v37+s11+$0x0], $0xffff  }
0x341: {  	v8 =	vshrl.u32 v8, $0x10;
	v10 =	vld.idx.msk [tilespmem:v38+s11+$0x0], $0xffff  }
0x342: {  	v7 =	vshrl.u32 v7, $0x10;
	_ =	sdelay $0x2  }
0x343: {  	[tilespmem:s25+$0x0] =	vst v9  }
0x344: {  	v8 =	vld.idx.msk [tilespmem:v8+s11+$0x0], $0xffff;
	[tilespmem:s25+$0xFFFFFF80] =	vst v10  }
0x345: {  	v7 =	vld.idx.msk [tilespmem:v7+s11+$0x0], $0xffff;
	_ =	sdelay $0x3  }
0x346: {  	[tilespmem:s25+$0x10] =	vst v8  }
0x347: {  	v8 =	vld [tilespmem:s23+$0x1D0];
	[tilespmem:s25+$0xFFFFFF90] =	vst v7  }
0x348: {  	v7 =	vld [tilespmem:s23+$0xFFFFFE10];
	_ =	sdelay $0x3  }
0x349: {  	v39 =	vand.u32 $0xFFFF, v8  }
0x34a: {  	v40 =	vand.u32 $0xFFFF, v7;
	_ =	sdelay $0x3  }
0x34b: {  	v9 =	vld.idx.msk [tilespmem:v39+s11+$0x0], $0xffff  }
0x34c: {  	v8 =	vshrl.u32 v8, $0x10;
	v10 =	vld.idx.msk [tilespmem:v40+s11+$0x0], $0xffff  }
0x34d: {  	v7 =	vshrl.u32 v7, $0x10;
	_ =	sdelay $0x2  }
0x34e: {  	[tilespmem:s25+$0x20] =	vst v9  }
0x34f: {  	v8 =	vld.idx.msk [tilespmem:v8+s11+$0x0], $0xffff;
	[tilespmem:s25+$0xFFFFFFA0] =	vst v10  }
0x350: {  	v7 =	vld.idx.msk [tilespmem:v7+s11+$0x0], $0xffff;
	_ =	sdelay $0x3  }
0x351: {  	[tilespmem:s25+$0x30] =	vst v8  }
0x352: {  	v8 =	vld [tilespmem:s23+$0x1E0];
	[tilespmem:s25+$0xFFFFFFB0] =	vst v7  }
0x353: {  	v7 =	vld [tilespmem:s23+$0xFFFFFE20];
	_ =	sdelay $0x3  }
0x354: {  	v41 =	vand.u32 $0xFFFF, v8  }
0x355: {  	v42 =	vand.u32 $0xFFFF, v7;
	_ =	sdelay $0x3  }
0x356: {  	v9 =	vld.idx.msk [tilespmem:v41+s11+$0x0], $0xffff  }
0x357: {  	v8 =	vshrl.u32 v8, $0x10;
	v10 =	vld.idx.msk [tilespmem:v42+s11+$0x0], $0xffff  }
0x358: {  	v7 =	vshrl.u32 v7, $0x10;
	_ =	sdelay $0x2  }
0x359: {  	[tilespmem:s25+$0x40] =	vst v9  }
0x35a: {  	v8 =	vld.idx.msk [tilespmem:v8+s11+$0x0], $0xffff;
	[tilespmem:s25+$0xFFFFFFC0] =	vst v10  }
0x35b: {  	v7 =	vld.idx.msk [tilespmem:v7+s11+$0x0], $0xffff;
	_ =	sdelay $0x3  }
0x35c: {  	[tilespmem:s25+$0x50] =	vst v8  }
0x35d: {  	v8 =	vld [tilespmem:s23+$0x1F0];
	[tilespmem:s25+$0xFFFFFFD0] =	vst v7  }
0x35e: {  	v7 =	vld [tilespmem:s23+$0xFFFFFE30];
	_ =	sdelay $0x3  }
0x35f: {  	v43 =	vand.u32 $0xFFFF, v8  }
0x360: {  	v44 =	vand.u32 $0xFFFF, v7  }
0x361: {  	v6 =	vld.idx.msk [tilespmem:v6+s11+$0x0], $0xffff;
	_ =	sdelay $0x1  }
0x362: {  	v4 =	vshrl.u32 v4, $0x10  }
0x363: {  	v9 =	vld.idx.msk [tilespmem:v43+s11+$0x0], $0xffff  }
0x364: {  	v8 =	vshrl.u32 v8, $0x10;
	v10 =	vld.idx.msk [tilespmem:v44+s11+$0x0], $0xffff  }
0x365: {  	[tilespmem:s21+$0xFFFFFFE0] =	vst v6;
	v7 =	vshrl.u32 v7, $0x10  }
0x366: {  	[tilespmem:s21+$0x60] =	vst v5;
	v3 =	vld.idx.msk [tilespmem:v3+s11+$0x0], $0xffff  }
0x367: {  	v4 =	vld.idx.msk [tilespmem:v4+s11+$0x0], $0xffff  }
0x368: {  	[tilespmem:s25+$0x60] =	vst v9  }
0x369: {  	v45 =	vld.idx.msk [tilespmem:v8+s11+$0x0], $0xffff;
	[tilespmem:s25+$0xFFFFFFE0] =	vst v10  }
0x36a: {  	v46 =	vld.idx.msk [tilespmem:v7+s11+$0x0], $0xffff  }
0x36b: {  	[tilespmem:s21+$0xFFFFFFF0] =	vst v3  }
0x36c: {  	[tilespmem:s21+$0x70] =	vst v4;
	v3 =	vld [tilespmem:s22+$0xFFFFFEC0]  }
0x36d: {  	v4 =	vld [tilespmem:s22+$0x200]  }
0x36e: {  	[tilespmem:s25+$0x70] =	vst v45  }
0x36f: {  	v5 =	vld [tilespmem:s23+$0x200];
	[tilespmem:s25+$0xFFFFFFF0] =	vst v46  }
0x370: {  	v6 =	vld [tilespmem:s23+$0xFFFFFEC0]  }
0x371: {  	v48 =	vand.u32 $0xFFFF, v3  }
0x372: {  	v47 =	vand.u32 $0xFFFF, v4;
	_ =	sdelay $0x1  }
0x373: {  	v49 =	vand.u32 $0xFFFF, v5  }
0x374: {  	v50 =	vand.u32 $0xFFFF, v6  }
0x375: {  	v8 =	vld.idx.msk [tilespmem:v48+s11+$0x0], $0xffff  }
0x376: {  	v3 =	vshrl.u32 v3, $0x10;
	v7 =	vld.idx.msk [tilespmem:v47+s11+$0x0], $0xffff  }
0x377: {  	v4 =	vshrl.u32 v4, $0x10  }
0x378: {  	v9 =	vld.idx.msk [tilespmem:v49+s11+$0x0], $0xffff  }
0x379: {  	v5 =	vshrl.u32 v5, $0x10;
	v10 =	vld.idx.msk [tilespmem:v50+s11+$0x0], $0xffff  }
0x37a: {  	[tilespmem:s21+$0x380] =	vst v8;
	v6 =	vshrl.u32 v6, $0x10  }
0x37b: {  	v3 =	vld.idx.msk [tilespmem:v3+s11+$0x0], $0xffff;
	[tilespmem:s21+$0x400] =	vst v7  }
0x37c: {  	v4 =	vld.idx.msk [tilespmem:v4+s11+$0x0], $0xffff  }
0x37d: {  	[tilespmem:s25+$0x400] =	vst v9  }
0x37e: {  	v5 =	vld.idx.msk [tilespmem:v5+s11+$0x0], $0xffff;
	[tilespmem:s25+$0x380] =	vst v10  }
0x37f: {  	v6 =	vld.idx.msk [tilespmem:v6+s11+$0x0], $0xffff  }
0x380: {  	[tilespmem:s21+$0x390] =	vst v3  }
0x381: {  	v3 =	vld [tilespmem:s22+$0xFFFFFED0];
	[tilespmem:s21+$0x410] =	vst v4  }
0x382: {  	v4 =	vld [tilespmem:s22+$0x210]  }
0x383: {  	[tilespmem:s25+$0x410] =	vst v5  }
0x384: {  	v5 =	vld [tilespmem:s23+$0x210];
	[tilespmem:s25+$0x390] =	vst v6  }
0x385: {  	v6 =	vld [tilespmem:s23+$0xFFFFFED0]  }
0x386: {  	v52 =	vand.u32 $0xFFFF, v3  }
0x387: {  	v51 =	vand.u32 $0xFFFF, v4;
	_ =	sdelay $0x1  }
0x388: {  	v53 =	vand.u32 $0xFFFF, v5  }
0x389: {  	v54 =	vand.u32 $0xFFFF, v6  }
0x38a: {  	v8 =	vld.idx.msk [tilespmem:v52+s11+$0x0], $0xffff  }
0x38b: {  	v3 =	vshrl.u32 v3, $0x10;
	v7 =	vld.idx.msk [tilespmem:v51+s11+$0x0], $0xffff  }
0x38c: {  	v4 =	vshrl.u32 v4, $0x10  }
0x38d: {  	v9 =	vld.idx.msk [tilespmem:v53+s11+$0x0], $0xffff  }
0x38e: {  	v5 =	vshrl.u32 v5, $0x10;
	v10 =	vld.idx.msk [tilespmem:v54+s11+$0x0], $0xffff  }
0x38f: {  	[tilespmem:s21+$0x3A0] =	vst v8;
	v6 =	vshrl.u32 v6, $0x10  }
0x390: {  	v3 =	vld.idx.msk [tilespmem:v3+s11+$0x0], $0xffff;
	[tilespmem:s21+$0x420] =	vst v7  }
0x391: {  	v4 =	vld.idx.msk [tilespmem:v4+s11+$0x0], $0xffff  }
0x392: {  	[tilespmem:s25+$0x420] =	vst v9  }
0x393: {  	v5 =	vld.idx.msk [tilespmem:v5+s11+$0x0], $0xffff;
	[tilespmem:s25+$0x3A0] =	vst v10  }
0x394: {  	v6 =	vld.idx.msk [tilespmem:v6+s11+$0x0], $0xffff  }
0x395: {  	[tilespmem:s21+$0x3B0] =	vst v3  }
0x396: {  	v3 =	vld [tilespmem:s22+$0xFFFFFEE0];
	[tilespmem:s21+$0x430] =	vst v4  }
0x397: {  	v4 =	vld [tilespmem:s22+$0x220]  }
0x398: {  	[tilespmem:s25+$0x430] =	vst v5  }
0x399: {  	v5 =	vld [tilespmem:s23+$0x220];
	[tilespmem:s25+$0x3B0] =	vst v6  }
0x39a: {  	v6 =	vld [tilespmem:s23+$0xFFFFFEE0]  }
0x39b: {  	v56 =	vand.u32 $0xFFFF, v3  }
0x39c: {  	v55 =	vand.u32 $0xFFFF, v4;
	_ =	sdelay $0x1  }
0x39d: {  	v57 =	vand.u32 $0xFFFF, v5  }
0x39e: {  	v58 =	vand.u32 $0xFFFF, v6  }
0x39f: {  	v8 =	vld.idx.msk [tilespmem:v56+s11+$0x0], $0xffff  }
0x3a0: {  	v3 =	vshrl.u32 v3, $0x10;
	v7 =	vld.idx.msk [tilespmem:v55+s11+$0x0], $0xffff  }
0x3a1: {  	v4 =	vshrl.u32 v4, $0x10  }
0x3a2: {  	v9 =	vld.idx.msk [tilespmem:v57+s11+$0x0], $0xffff  }
0x3a3: {  	v5 =	vshrl.u32 v5, $0x10;
	v10 =	vld.idx.msk [tilespmem:v58+s11+$0x0], $0xffff  }
0x3a4: {  	[tilespmem:s21+$0x3C0] =	vst v8;
	v6 =	vshrl.u32 v6, $0x10  }
0x3a5: {  	v3 =	vld.idx.msk [tilespmem:v3+s11+$0x0], $0xffff;
	[tilespmem:s21+$0x440] =	vst v7  }
0x3a6: {  	v4 =	vld.idx.msk [tilespmem:v4+s11+$0x0], $0xffff  }
0x3a7: {  	[tilespmem:s25+$0x440] =	vst v9  }
0x3a8: {  	v5 =	vld.idx.msk [tilespmem:v5+s11+$0x0], $0xffff;
	[tilespmem:s25+$0x3C0] =	vst v10  }
0x3a9: {  	v6 =	vld.idx.msk [tilespmem:v6+s11+$0x0], $0xffff  }
0x3aa: {  	[tilespmem:s21+$0x3D0] =	vst v3  }
0x3ab: {  	v3 =	vld [tilespmem:s22+$0xFFFFFEF0];
	[tilespmem:s21+$0x450] =	vst v4  }
0x3ac: {  	v4 =	vld [tilespmem:s22+$0x230]  }
0x3ad: {  	[tilespmem:s25+$0x450] =	vst v5  }
0x3ae: {  	v5 =	vld [tilespmem:s23+$0x230];
	[tilespmem:s25+$0x3D0] =	vst v6  }
0x3af: {  	v6 =	vld [tilespmem:s23+$0xFFFFFEF0]  }
0x3b0: {  	v60 =	vand.u32 $0xFFFF, v3  }
0x3b1: {  	v59 =	vand.u32 $0xFFFF, v4;
	_ =	sdelay $0x1  }
0x3b2: {  	v61 =	vand.u32 $0xFFFF, v5  }
0x3b3: {  	v62 =	vand.u32 $0xFFFF, v6  }
0x3b4: {  	v8 =	vld.idx.msk [tilespmem:v60+s11+$0x0], $0xffff  }
0x3b5: {  	v3 =	vshrl.u32 v3, $0x10;
	v7 =	vld.idx.msk [tilespmem:v59+s11+$0x0], $0xffff  }
0x3b6: {  	v4 =	vshrl.u32 v4, $0x10  }
0x3b7: {  	v9 =	vld.idx.msk [tilespmem:v61+s11+$0x0], $0xffff  }
0x3b8: {  	v5 =	vshrl.u32 v5, $0x10;
	v10 =	vld.idx.msk [tilespmem:v62+s11+$0x0], $0xffff  }
0x3b9: {  	[tilespmem:s21+$0x3E0] =	vst v8;
	v6 =	vshrl.u32 v6, $0x10  }
0x3ba: {  	v3 =	vld.idx.msk [tilespmem:v3+s11+$0x0], $0xffff;
	[tilespmem:s21+$0x460] =	vst v7  }
0x3bb: {  	v4 =	vld.idx.msk [tilespmem:v4+s11+$0x0], $0xffff  }
0x3bc: {  	[tilespmem:s25+$0x460] =	vst v9  }
0x3bd: {  	v5 =	vld.idx.msk [tilespmem:v5+s11+$0x0], $0xffff;
	[tilespmem:s25+$0x3E0] =	vst v10  }
0x3be: {  	v6 =	vld.idx.msk [tilespmem:v6+s11+$0x0], $0xffff  }
0x3bf: {  	[tilespmem:s21+$0x3F0] =	vst v3  }
0x3c0: {  	v3 =	vld [tilespmem:s22+$0xFFFFFF00];
	[tilespmem:s21+$0x470] =	vst v4  }
0x3c1: {  	v4 =	vld [tilespmem:s22+$0x2C0]  }
0x3c2: {  	[tilespmem:s25+$0x470] =	vst v5  }
0x3c3: {  	v5 =	vld [tilespmem:s23+$0x2C0];
	[tilespmem:s25+$0x3F0] =	vst v6  }
0x3c4: {  	v6 =	vld [tilespmem:s23+$0xFFFFFF00]  }
0x3c5: {  	v12 =	vand.u32 $0xFFFF, v3  }
0x3c6: {  	v63 =	vand.u32 $0xFFFF, v4;
	_ =	sdelay $0x1  }
0x3c7: {  	v13 =	vand.u32 $0xFFFF, v5  }
0x3c8: {  	v14 =	vand.u32 $0xFFFF, v6  }
0x3c9: {  	v8 =	vld.idx.msk [tilespmem:v12+s11+$0x0], $0xffff  }
0x3ca: {  	v3 =	vshrl.u32 v3, $0x10;
	v7 =	vld.idx.msk [tilespmem:v63+s11+$0x0], $0xffff  }
0x3cb: {  	v4 =	vshrl.u32 v4, $0x10  }
0x3cc: {  	v9 =	vld.idx.msk [tilespmem:v13+s11+$0x0], $0xffff  }
0x3cd: {  	v5 =	vshrl.u32 v5, $0x10;
	v10 =	vld.idx.msk [tilespmem:v14+s11+$0x0], $0xffff  }
0x3ce: {  	[tilespmem:s21+$0x780] =	vst v8;
	v6 =	vshrl.u32 v6, $0x10  }
0x3cf: {  	v3 =	vld.idx.msk [tilespmem:v3+s11+$0x0], $0xffff;
	[tilespmem:s21+$0x800] =	vst v7  }
0x3d0: {  	v4 =	vld.idx.msk [tilespmem:v4+s11+$0x0], $0xffff  }
0x3d1: {  	[tilespmem:s25+$0x800] =	vst v9  }
0x3d2: {  	v5 =	vld.idx.msk [tilespmem:v5+s11+$0x0], $0xffff;
	[tilespmem:s25+$0x780] =	vst v10  }
0x3d3: {  	v6 =	vld.idx.msk [tilespmem:v6+s11+$0x0], $0xffff  }
0x3d4: {  	[tilespmem:s21+$0x790] =	vst v3  }
0x3d5: {  	v3 =	vld [tilespmem:s22+$0xFFFFFF10];
	[tilespmem:s21+$0x810] =	vst v4  }
0x3d6: {  	v4 =	vld [tilespmem:s22+$0x2D0]  }
0x3d7: {  	[tilespmem:s25+$0x810] =	vst v5  }
0x3d8: {  	v5 =	vld [tilespmem:s23+$0x2D0];
	[tilespmem:s25+$0x790] =	vst v6  }
0x3d9: {  	v6 =	vld [tilespmem:s23+$0xFFFFFF10]  }
0x3da: {  	v16 =	vand.u32 $0xFFFF, v3  }
0x3db: {  	v15 =	vand.u32 $0xFFFF, v4;
	_ =	sdelay $0x1  }
0x3dc: {  	v17 =	vand.u32 $0xFFFF, v5  }
0x3dd: {  	v18 =	vand.u32 $0xFFFF, v6  }
0x3de: {  	v8 =	vld.idx.msk [tilespmem:v16+s11+$0x0], $0xffff  }
0x3df: {  	v3 =	vshrl.u32 v3, $0x10;
	v7 =	vld.idx.msk [tilespmem:v15+s11+$0x0], $0xffff  }
0x3e0: {  	v4 =	vshrl.u32 v4, $0x10  }
0x3e1: {  	v9 =	vld.idx.msk [tilespmem:v17+s11+$0x0], $0xffff  }
0x3e2: {  	v5 =	vshrl.u32 v5, $0x10;
	v10 =	vld.idx.msk [tilespmem:v18+s11+$0x0], $0xffff  }
0x3e3: {  	[tilespmem:s21+$0x7A0] =	vst v8;
	v6 =	vshrl.u32 v6, $0x10  }
0x3e4: {  	v3 =	vld.idx.msk [tilespmem:v3+s11+$0x0], $0xffff;
	[tilespmem:s21+$0x820] =	vst v7  }
0x3e5: {  	v4 =	vld.idx.msk [tilespmem:v4+s11+$0x0], $0xffff  }
0x3e6: {  	[tilespmem:s25+$0x820] =	vst v9  }
0x3e7: {  	v5 =	vld.idx.msk [tilespmem:v5+s11+$0x0], $0xffff;
	[tilespmem:s25+$0x7A0] =	vst v10  }
0x3e8: {  	v6 =	vld.idx.msk [tilespmem:v6+s11+$0x0], $0xffff  }
0x3e9: {  	[tilespmem:s21+$0x7B0] =	vst v3  }
0x3ea: {  	v3 =	vld [tilespmem:s22+$0xFFFFFF20];
	[tilespmem:s21+$0x830] =	vst v4  }
0x3eb: {  	v4 =	vld [tilespmem:s22+$0x2E0]  }
0x3ec: {  	[tilespmem:s25+$0x830] =	vst v5  }
0x3ed: {  	v5 =	vld [tilespmem:s23+$0x2E0];
	[tilespmem:s25+$0x7B0] =	vst v6  }
0x3ee: {  	v6 =	vld [tilespmem:s23+$0xFFFFFF20]  }
0x3ef: {  	v20 =	vand.u32 $0xFFFF, v3  }
0x3f0: {  	v19 =	vand.u32 $0xFFFF, v4;
	_ =	sdelay $0x1  }
0x3f1: {  	v21 =	vand.u32 $0xFFFF, v5  }
0x3f2: {  	v22 =	vand.u32 $0xFFFF, v6  }
0x3f3: {  	v8 =	vld.idx.msk [tilespmem:v20+s11+$0x0], $0xffff  }
0x3f4: {  	v3 =	vshrl.u32 v3, $0x10;
	v7 =	vld.idx.msk [tilespmem:v19+s11+$0x0], $0xffff  }
0x3f5: {  	v4 =	vshrl.u32 v4, $0x10  }
0x3f6: {  	v9 =	vld.idx.msk [tilespmem:v21+s11+$0x0], $0xffff  }
0x3f7: {  	v5 =	vshrl.u32 v5, $0x10;
	v10 =	vld.idx.msk [tilespmem:v22+s11+$0x0], $0xffff  }
0x3f8: {  	[tilespmem:s21+$0x7C0] =	vst v8;
	v6 =	vshrl.u32 v6, $0x10  }
0x3f9: {  	v3 =	vld.idx.msk [tilespmem:v3+s11+$0x0], $0xffff;
	[tilespmem:s21+$0x840] =	vst v7  }
0x3fa: {  	v4 =	vld.idx.msk [tilespmem:v4+s11+$0x0], $0xffff  }
0x3fb: {  	[tilespmem:s25+$0x840] =	vst v9  }
0x3fc: {  	v5 =	vld.idx.msk [tilespmem:v5+s11+$0x0], $0xffff;
	[tilespmem:s25+$0x7C0] =	vst v10  }
0x3fd: {  	[tilespmem:s19+$0x7D0] =	vst v2;
	v6 =	vld.idx.msk [tilespmem:v6+s11+$0x0], $0xffff  }
0x3fe: {  	v2 =	vld [tilespmem:s20+$0xFFFFFF30];
	[tilespmem:s21+$0x7D0] =	vst v3  }
0x3ff: {  	v3 =	vld [tilespmem:s22+$0xFFFFFF30];
	[tilespmem:s21+$0x850] =	vst v4  }
0x400: {  	v4 =	vld [tilespmem:s22+$0x2F0]  }
0x401: {  	[tilespmem:s25+$0x850] =	vst v5  }
0x402: {  	v5 =	vld [tilespmem:s23+$0x2F0];
	[tilespmem:s25+$0x7D0] =	vst v6  }
0x403: {  	v23 =	vand.u32 $0xFFFF, v2;
	v6 =	vld [tilespmem:s23+$0xFFFFFF30]  }
0x404: {  	v25 =	vand.u32 $0xFFFF, v3  }
0x405: {  	v24 =	vand.u32 $0xFFFF, v4;
	_ =	sdelay $0x1  }
0x406: {  	v26 =	vand.u32 $0xFFFF, v5  }
0x407: {  	v7 =	vld.idx.msk [tilespmem:v23+s11+$0x0], $0xffff;
	v11 =	vand.u32 $0xFFFF, v6  }
0x408: {  	v2 =	vshrl.u32 v2, $0x10;
	v9 =	vld.idx.msk [tilespmem:v25+s11+$0x0], $0xffff  }
0x409: {  	v3 =	vshrl.u32 v3, $0x10;
	v8 =	vld.idx.msk [tilespmem:v24+s11+$0x0], $0xffff  }
0x40a: {  	v1 =	vld.idx.msk [tilespmem:v1+s11+$0x0], $0xffff;
	v4 =	vshrl.u32 v4, $0x10  }
0x40b: {  	v0 =	vshrl.u32 v0, $0x10;
	v10 =	vld.idx.msk [tilespmem:v26+s11+$0x0], $0xffff  }
0x40c: {  	[tilespmem:s19+$0x7E0] =	vst v7;
	v27 =	vshrl.u32 v5, $0x10;
	v28 =	vld.idx.msk [tilespmem:v11+s11+$0x0], $0xffff  }
0x40d: {  	v2 =	vld.idx.msk [tilespmem:v2+s11+$0x0], $0xffff;
	[tilespmem:s21+$0x7E0] =	vst v9;
	v6 =	vshrl.u32 v6, $0x10  }
0x40e: {  	v3 =	vld.idx.msk [tilespmem:v3+s11+$0x0], $0xffff;
	[tilespmem:s21+$0x860] =	vst v8  }
0x40f: {  	[tilespmem:s19+$0x860] =	vst v1;
	v4 =	vld.idx.msk [tilespmem:v4+s11+$0x0], $0xffff  }
0x410: {  	v0 =	vld.idx.msk [tilespmem:v0+s11+$0x0], $0xffff;
	[tilespmem:s25+$0x860] =	vst v10  }
0x411: {  	v1 =	vld.idx.msk [tilespmem:v27+s11+$0x0], $0xffff;
	[tilespmem:s25+$0x7E0] =	vst v28  }
0x412: {  	[tilespmem:s19+$0x7F0] =	vst v2;
	v29 =	vld.idx.msk [tilespmem:v6+s11+$0x0], $0xffff  }
0x413: {  	v2 =	vld [tilespmem:s20+$0xFFFFFFC0];
	[tilespmem:s21+$0x7F0] =	vst v3  }
0x414: {  	v3 =	vld [tilespmem:s22+$0xFFFFFFC0];
	[tilespmem:s21+$0x870] =	vst v4  }
0x415: {  	[tilespmem:s19+$0x870] =	vst v0;
	v4 =	vld [tilespmem:s22+$0x300]  }
0x416: {  	v30 =	vld [tilespmem:s20+$0x300];
	[tilespmem:s25+$0x870] =	vst v1  }
0x417: {  	v1 =	vld [tilespmem:s23+$0x300];
	[tilespmem:s25+$0x7F0] =	vst v29  }
0x418: {  	v33 =	vand.u32 $0xFFFF, v2;
	v32 =	vld [tilespmem:s23+$0xFFFFFFC0]  }
0x419: {  	v35 =	vand.u32 $0xFFFF, v3  }
0x41a: {  	v34 =	vand.u32 $0xFFFF, v4  }
0x41b: {  	v31 =	vand.u32 $0xFFFF, v30  }
0x41c: {  	v36 =	vand.u32 $0xFFFF, v1  }
0x41d: {  	v7 =	vld.idx.msk [tilespmem:v33+s11+$0x0], $0xffff;
	v37 =	vand.u32 $0xFFFF, v32  }
0x41e: {  	v2 =	vshrl.u32 v2, $0x10;
	v9 =	vld.idx.msk [tilespmem:v35+s11+$0x0], $0xffff  }
0x41f: {  	v3 =	vshrl.u32 v3, $0x10;
	v8 =	vld.idx.msk [tilespmem:v34+s11+$0x0], $0xffff  }
0x420: {  	v0 =	vld.idx.msk [tilespmem:v31+s11+$0x0], $0xffff;
	v4 =	vshrl.u32 v4, $0x10  }
0x421: {  	v5 =	vshrl.u32 v30, $0x10;
	v10 =	vld.idx.msk [tilespmem:v36+s11+$0x0], $0xffff  }
0x422: {  	[tilespmem:s19+$0xB80] =	vst v7;
	v38 =	vshrl.u32 v1, $0x10;
	v39 =	vld.idx.msk [tilespmem:v37+s11+$0x0], $0xffff  }
0x423: {  	v2 =	vld.idx.msk [tilespmem:v2+s11+$0x0], $0xffff;
	[tilespmem:s21+$0xB80] =	vst v9;
	v6 =	vshrl.u32 v32, $0x10  }
0x424: {  	v3 =	vld.idx.msk [tilespmem:v3+s11+$0x0], $0xffff;
	[tilespmem:s21+$0xC00] =	vst v8  }
0x425: {  	[tilespmem:s19+$0xC00] =	vst v0;
	v4 =	vld.idx.msk [tilespmem:v4+s11+$0x0], $0xffff  }
0x426: {  	v5 =	vld.idx.msk [tilespmem:v5+s11+$0x0], $0xffff;
	[tilespmem:s25+$0xC00] =	vst v10  }
0x427: {  	v0 =	vld.idx.msk [tilespmem:v38+s11+$0x0], $0xffff;
	[tilespmem:s25+$0xB80] =	vst v39  }
0x428: {  	[tilespmem:s19+$0xB90] =	vst v2;
	v1 =	vld.idx.msk [tilespmem:v6+s11+$0x0], $0xffff  }
0x429: {  	v2 =	vld [tilespmem:s20+$0xFFFFFFD0];
	[tilespmem:s21+$0xB90] =	vst v3  }
0x42a: {  	v3 =	vld [tilespmem:s22+$0xFFFFFFD0];
	[tilespmem:s21+$0xC10] =	vst v4  }
0x42b: {  	[tilespmem:s19+$0xC10] =	vst v5;
	v4 =	vld [tilespmem:s22+$0x310]  }
0x42c: {  	v5 =	vld [tilespmem:s20+$0x310];
	[tilespmem:s25+$0xC10] =	vst v0  }
0x42d: {  	v0 =	vld [tilespmem:s23+$0x310];
	[tilespmem:s25+$0xB90] =	vst v1  }
0x42e: {  	v42 =	vand.u32 $0xFFFF, v2;
	v41 =	vld [tilespmem:s23+$0xFFFFFFD0]  }
0x42f: {  	v44 =	vand.u32 $0xFFFF, v3  }
0x430: {  	v43 =	vand.u32 $0xFFFF, v4  }
0x431: {  	v40 =	vand.u32 $0xFFFF, v5  }
0x432: {  	v45 =	vand.u32 $0xFFFF, v0  }
0x433: {  	v7 =	vld.idx.msk [tilespmem:v42+s11+$0x0], $0xffff;
	v46 =	vand.u32 $0xFFFF, v41  }
0x434: {  	v2 =	vshrl.u32 v2, $0x10;
	v9 =	vld.idx.msk [tilespmem:v44+s11+$0x0], $0xffff  }
0x435: {  	v3 =	vshrl.u32 v3, $0x10;
	v8 =	vld.idx.msk [tilespmem:v43+s11+$0x0], $0xffff  }
0x436: {  	v4 =	vshrl.u32 v4, $0x10;
	v1 =	vld.idx.msk [tilespmem:v40+s11+$0x0], $0xffff  }
0x437: {  	v5 =	vshrl.u32 v5, $0x10;
	v10 =	vld.idx.msk [tilespmem:v45+s11+$0x0], $0xffff  }
0x438: {  	[tilespmem:s19+$0xBA0] =	vst v7;
	v0 =	vshrl.u32 v0, $0x10;
	v47 =	vld.idx.msk [tilespmem:v46+s11+$0x0], $0xffff  }
0x439: {  	v2 =	vld.idx.msk [tilespmem:v2+s11+$0x0], $0xffff;
	[tilespmem:s21+$0xBA0] =	vst v9;
	v6 =	vshrl.u32 v41, $0x10  }
0x43a: {  	v3 =	vld.idx.msk [tilespmem:v3+s11+$0x0], $0xffff;
	[tilespmem:s21+$0xC20] =	vst v8  }
0x43b: {  	v4 =	vld.idx.msk [tilespmem:v4+s11+$0x0], $0xffff;
	[tilespmem:s19+$0xC20] =	vst v1  }
0x43c: {  	v5 =	vld.idx.msk [tilespmem:v5+s11+$0x0], $0xffff;
	[tilespmem:s25+$0xC20] =	vst v10  }
0x43d: {  	v0 =	vld.idx.msk [tilespmem:v0+s11+$0x0], $0xffff;
	[tilespmem:s25+$0xBA0] =	vst v47  }
0x43e: {  	[tilespmem:s19+$0xBB0] =	vst v2;
	v1 =	vld.idx.msk [tilespmem:v6+s11+$0x0], $0xffff  }
0x43f: {  	v2 =	vld [tilespmem:s20+$0xFFFFFFE0];
	[tilespmem:s21+$0xBB0] =	vst v3  }
0x440: {  	v3 =	vld [tilespmem:s22+$0xFFFFFFE0];
	[tilespmem:s21+$0xC30] =	vst v4  }
0x441: {  	v4 =	vld [tilespmem:s22+$0x320];
	[tilespmem:s19+$0xC30] =	vst v5  }
0x442: {  	v5 =	vld [tilespmem:s20+$0x320];
	[tilespmem:s25+$0xC30] =	vst v0  }
0x443: {  	v0 =	vld [tilespmem:s23+$0x320];
	[tilespmem:s25+$0xBB0] =	vst v1  }
0x444: {  	v50 =	vand.u32 $0xFFFF, v2;
	v49 =	vld [tilespmem:s23+$0xFFFFFFE0]  }
0x445: {  	v52 =	vand.u32 $0xFFFF, v3  }
0x446: {  	v51 =	vand.u32 $0xFFFF, v4  }
0x447: {  	v48 =	vand.u32 $0xFFFF, v5  }
0x448: {  	v53 =	vand.u32 $0xFFFF, v0  }
0x449: {  	v7 =	vld.idx.msk [tilespmem:v50+s11+$0x0], $0xffff;
	v54 =	vand.u32 $0xFFFF, v49  }
0x44a: {  	v2 =	vshrl.u32 v2, $0x10;
	v9 =	vld.idx.msk [tilespmem:v52+s11+$0x0], $0xffff  }
0x44b: {  	v3 =	vshrl.u32 v3, $0x10;
	v8 =	vld.idx.msk [tilespmem:v51+s11+$0x0], $0xffff  }
0x44c: {  	v4 =	vshrl.u32 v4, $0x10;
	v1 =	vld.idx.msk [tilespmem:v48+s11+$0x0], $0xffff  }
0x44d: {  	v5 =	vshrl.u32 v5, $0x10;
	v10 =	vld.idx.msk [tilespmem:v53+s11+$0x0], $0xffff  }
0x44e: {  	[tilespmem:s19+$0xBC0] =	vst v7;
	v0 =	vshrl.u32 v0, $0x10;
	v55 =	vld.idx.msk [tilespmem:v54+s11+$0x0], $0xffff  }
0x44f: {  	v2 =	vld.idx.msk [tilespmem:v2+s11+$0x0], $0xffff;
	[tilespmem:s21+$0xBC0] =	vst v9;
	v6 =	vshrl.u32 v49, $0x10  }
0x450: {  	v3 =	vld.idx.msk [tilespmem:v3+s11+$0x0], $0xffff;
	[tilespmem:s21+$0xC40] =	vst v8  }
0x451: {  	v4 =	vld.idx.msk [tilespmem:v4+s11+$0x0], $0xffff;
	[tilespmem:s19+$0xC40] =	vst v1  }
0x452: {  	v5 =	vld.idx.msk [tilespmem:v5+s11+$0x0], $0xffff;
	[tilespmem:s25+$0xC40] =	vst v10  }
0x453: {  	v0 =	vld.idx.msk [tilespmem:v0+s11+$0x0], $0xffff;
	[tilespmem:s25+$0xBC0] =	vst v55  }
0x454: {  	[tilespmem:s19+$0xBD0] =	vst v2;
	v1 =	vld.idx.msk [tilespmem:v6+s11+$0x0], $0xffff  }
0x455: {  	v2 =	vld [tilespmem:s20+$0xFFFFFFF0];
	[tilespmem:s21+$0xBD0] =	vst v3  }
0x456: {  	v3 =	vld [tilespmem:s22+$0xFFFFFFF0];
	[tilespmem:s21+$0xC50] =	vst v4  }
0x457: {  	v4 =	vld [tilespmem:s22+$0x330];
	[tilespmem:s19+$0xC50] =	vst v5  }
0x458: {  	v5 =	vld [tilespmem:s20+$0x330];
	[tilespmem:s25+$0xC50] =	vst v0  }
0x459: {  	v0 =	vld [tilespmem:s23+$0x330];
	[tilespmem:s25+$0xBD0] =	vst v1  }
0x45a: {  	v58 =	vand.u32 $0xFFFF, v2;
	v57 =	vld [tilespmem:s23+$0xFFFFFFF0]  }
0x45b: {  	v60 =	vand.u32 $0xFFFF, v3  }
0x45c: {  	v59 =	vand.u32 $0xFFFF, v4  }
0x45d: {  	v56 =	vand.u32 $0xFFFF, v5  }
0x45e: {  	v61 =	vand.u32 $0xFFFF, v0  }
0x45f: {  	v7 =	vld.idx.msk [tilespmem:v58+s11+$0x0], $0xffff;
	v62 =	vand.u32 $0xFFFF, v57  }
0x460: {  	v2 =	vshrl.u32 v2, $0x10;
	v9 =	vld.idx.msk [tilespmem:v60+s11+$0x0], $0xffff  }
0x461: {  	v3 =	vshrl.u32 v3, $0x10;
	v8 =	vld.idx.msk [tilespmem:v59+s11+$0x0], $0xffff  }
0x462: {  	v4 =	vshrl.u32 v4, $0x10;
	v1 =	vld.idx.msk [tilespmem:v56+s11+$0x0], $0xffff  }
0x463: {  	v5 =	vshrl.u32 v5, $0x10;
	v10 =	vld.idx.msk [tilespmem:v61+s11+$0x0], $0xffff  }
0x464: {  	[tilespmem:s19+$0xBE0] =	vst v7;
	v0 =	vshrl.u32 v0, $0x10;
	v63 =	vld.idx.msk [tilespmem:v62+s11+$0x0], $0xffff  }
0x465: {  	v2 =	vld.idx.msk [tilespmem:v2+s11+$0x0], $0xffff;
	[tilespmem:s21+$0xBE0] =	vst v9;
	v6 =	vshrl.u32 v57, $0x10  }
0x466: {  	v3 =	vld.idx.msk [tilespmem:v3+s11+$0x0], $0xffff;
	[tilespmem:s21+$0xC60] =	vst v8  }
0x467: {  	v4 =	vld.idx.msk [tilespmem:v4+s11+$0x0], $0xffff;
	[tilespmem:s19+$0xC60] =	vst v1  }
0x468: {  	v5 =	vld.idx.msk [tilespmem:v5+s11+$0x0], $0xffff;
	[tilespmem:s25+$0xC60] =	vst v10  }
0x469: {  	v0 =	vld.idx.msk [tilespmem:v0+s11+$0x0], $0xffff;
	[tilespmem:s25+$0xBE0] =	vst v63  }
0x46a: {  	[tilespmem:s19+$0xBF0] =	vst v2;
	v1 =	vld.idx.msk [tilespmem:v6+s11+$0x0], $0xffff  }
0x46b: {  	s18 =	smul.u32 $0x1C00, s18;
	[tilespmem:s21+$0xBF0] =	vst v3  }
0x46c: {  	s31 =	smul.u32 $0x7000, s24;
	p1 =	sne.s32 s17, $0xE;
	[tilespmem:s21+$0xC70] =	vst v4  }
.Ltmp4:
0x46d: {  	s18 =	sadd.s32 s18, s16;
	[tilespmem:s19+$0xC70] =	vst v5;
	(pc) =	sbr.rel @p1 .LBB2_7-.Ltmp4, $4  }
0x46e: {  	s18 =	sshrl.u32 s18, $0x3;
	s19 =	sshrl.u32 s31, $0x2;
	[tilespmem:s25+$0xC70] =	vst v0  }
0x46f: {  	s18 =	sadd.s32 s4, s18;
	s19 =	sor.u32 $0x1C100, s19;
	[tilespmem:s25+$0xBF0] =	vst v1  }
0x470: {  	[hbm4b:s18+s5] =	stream.linear.scatter [tilespmem:s19], [sflag:$0x3], $0x1C00, $0x38;
	[tilespmem:$0x1F900] =	vst v63  }
0x471: {  	p0 =	por !p0, !p0;
	s18 =	smov.u32 s17  }
0x472: {  	s15 =	sadd.s32 $0x1, s15  }
0x473: {  	_ =	swait.ge [sflag:s12], $0x1C00;
	p0 =	sne.s32 s15, $0x18  }
.Ltmp5:
0x474: {  	[sflag:s12] =	ssyncset.done $0x0;
	(pc) =	sbr.rel @p0 .LBB2_4-.Ltmp5, $4  }
0x475: {  	[sflag:s12] =	ssyncadd.s32 $0xFFFFE400  }
0x476: {  	_ =	swait.ge [sflag:s12], $0x1C00  }
0x477: {  	[sflag:s12] =	ssyncset.done $0x0  }
0x478: {  	[sflag:s12] =	ssyncadd.s32 $0xFFFFE400  }
0x479: {  	s13 =	sadd.s32 $0x1, s13  }
0x47a: {  	_ =	swait.ge [sflag:s9], $0xE000;
	p0 =	sne.s32 s13, s8  }
.Ltmp6:
0x47b: {  	[sflag:s9] =	ssyncset.done $0x0;
	(pc) =	sbr.rel @p0 .LBB2_1-.Ltmp6, $4  }
0x47c: {  	[sflag:s9] =	ssyncadd.s32 $0xFFFF2000  }
0x47d: {  	_ =	swait.ge [sflag:s10], $0xE00  }
0x47e: {  	[sflag:s10] =	ssyncset.done $0x0  }
0x47f: {  	[sflag:s10] =	ssyncadd.s32 $0xFFFFF200  }
0x480: {  	_ =	sfence.sel $0x180000  }
0x481: {  	[bflag:$0x0] =	sbarrier.arrive $0xFFFF  }
0x482: {  	p0 =	sne.s32 s0, $0x0;
	_ =	strace $0x90000047  }
0x483: {  	s0 =	sadd.s32 @!p0 $0x100000, s3;
	[bflag:$0x2] =	sbarrier.arrive $0xFFFF  }
0x484: {  	[sflag:s0] =	ssyncadd.tile.s32 @!p0 $0x1;
	_ =	shalt  }
.Lfunc_end2:
_tile_overlayer_lowered:
.L_overlay_start_2:
0x485: {  	(tag) =	ssettag $0x2  }
0x486: {  	s0 =	rddreg [dreg:$0x0];
	s2 =	stileid.u32  }
0x487: {  	s1 =	rddreg [dreg:$0x1];
	p0 =	sne.s32 s2, $0x0  }
0x488: {  	s3 =	rddreg [dreg:$0x2];
	[bflag:$0x3] =	sbarrier.arrive $0xFFFF;
	s2 =	simm.s32 @!p0 $0x1C04  }
0x489: {  	[timem:s3], [sflag:s2] =	dma.local @!p0 [hbm:s0], s1  }
0x48a: {  	s0 =	simm.s32 @!p0 $0x4  }
0x48b: {  	_ =	swait.ge @!p0 [sflag:s0], s1  }
0x48c: {  	s1 =	ssub.s32 @!p0 $0x0, s1;
	[sflag:s0] =	ssyncset.done @!p0 $0x0  }
0x48d: {  	[sflag:s0] =	ssyncadd.s32 @!p0 s1  }
0x48e: {  	[bflag:$0x3] =	sbarrier.arrive $0xFFFF  }
0x48f: {  	_ =	shalt  }

</sc_bundles>
